<compile_context>
chip_gen: v7x
topology: tpu7x:2x2x1
jax: 0.10.2.dev20260603
libtpu: 0.0.44.dev20260713+nightly
codegen_flags: <defaults>
</compile_context>

<pallas_src>
import functools

import numpy as np
import jax
import jax.numpy as jnp
from jax import lax
from jax.experimental import pallas as pl
from jax.experimental.pallas import tpu as pltpu
from jax.experimental.pallas import tpu_sc as plsc

_L = 40
_B, _T, _C = 64, 1024, 43
_NEG = -1e30


def _topology(num_labels):
    s = ["0 0 1", "0 1 2", "1 1 2"]
    for i in range(num_labels):
        sym = 3 + i
        s.append("0 0 %d" % sym)
        s.append("1 0 %d" % sym)
    s.append("0 2 -1")
    s.sort()
    return [tuple(int(x) for x in line.split()) for line in s]


_ARCS = _topology(_L)
_A = len(_ARCS)
_SRCA = np.array([a[0] for a in _ARCS], dtype=np.int32)
_DSTA = np.array([a[1] for a in _ARCS], dtype=np.int32)
_LABA = np.array([a[2] for a in _ARCS], dtype=np.int32)

_PAD = 128
_MS0 = np.zeros((1, _PAD), np.float32)
_MS0[0, :_A] = (_SRCA == 0)
_MS1 = np.zeros((1, _PAD), np.float32)
_MS1[0, :_A] = (_SRCA == 1)
_M0 = np.zeros((_PAD, _PAD), np.float32)
_M1 = np.zeros((_PAD, _PAD), np.float32)
for _a in range(_A):
    if _LABA[_a] >= 0 and _DSTA[_a] == 0:
        if _SRCA[_a] == 0:
            _M0[_a, _LABA[_a]] = 1.0
        else:
            _M1[_a, _LABA[_a]] = 1.0
_OH01 = np.zeros((1, _PAD), np.float32)
_OH11 = np.zeros((1, _PAD), np.float32)
_OHF = np.zeros((1, _PAD), np.float32)
for _a in range(_A):
    if _LABA[_a] < 0:
        _OHF[0, _a] = 1.0
    elif _SRCA[_a] == 0 and _DSTA[_a] == 1:
        _OH01[0, _a] = 1.0
    elif _SRCA[_a] == 1 and _DSTA[_a] == 1:
        _OH11[0, _a] = 1.0
_OHC2 = np.zeros((1, _PAD), np.float32)
_OHC2[0, 2] = 1.0

_ONESC = np.zeros((1, _PAD), np.float32)
_ONESC[0, :_C] = 1.0

_CS = np.concatenate([_MS0, _MS1, _OH01, _OH11, _OHF, _OHC2, _ONESC,
                      np.zeros((1, _PAD), np.float32)], axis=0)
_M01 = np.concatenate([_M0, _M1], axis=0)

_GB = 8
_GRID = _B // _GB


def _lse2(x, y):
    m = jnp.maximum(x, y)
    return m + jnp.log1p(jnp.exp(-jnp.abs(x - y)))


def _den_body(cs_ref, m_ref, dens_ref, lens_ref, labs_ref, lp_ref,
              out_ref, g_ref):
    d = dens_ref[...]
    cs = cs_ref[...]
    ms0 = cs[0:1, :]
    ms1 = cs[1:2, :]
    e = jnp.exp(d)
    lse0 = jnp.log(jnp.sum(e * ms0))
    lse1 = jnp.log(jnp.sum(e * ms1))
    w = d - ms0 * lse0 - ms1 * lse1
    ew = jnp.exp(w) * (ms0 + ms1)
    u0 = jnp.dot(ew, m_ref[0:_PAD, :])
    u1 = jnp.dot(ew, m_ref[_PAD:, :])
    c01 = jnp.sum(w * cs[2:3, :])
    c11 = jnp.sum(w * cs[3:4, :])
    wf = jnp.sum(w * cs[4:5, :])

    u0c = jnp.transpose(u0)[0:_C].reshape(_C, 1, 1)
    u1c = jnp.transpose(u1)[0:_C].reshape(_C, 1, 1)
    lpb = lp_ref[...]
    p = jnp.exp(lpb)
    s0 = jnp.sum(p * u0c, axis=0)
    s1 = jnp.sum(p * u1c, axis=0)
    labs = labs_ref[...]
    ci = lax.broadcasted_iota(jnp.int32, (_C, _GB, _T), 0)
    g_ref[...] = jnp.sum(jnp.where(ci == labs[None, :, :], lpb, 0.0), axis=0)
    s00 = jnp.log(s0)
    s10 = jnp.log(s1)
    e2 = lpb[2, :, :]
    s01 = e2 + c01
    s11 = e2 + c11

    lens = lens_ref[...][:, 0:1]
    tt = lax.broadcasted_iota(jnp.int32, (_GB, _T), 1)
    act = tt < lens
    a00 = jnp.where(act, s00, 0.0)
    a01 = jnp.where(act, s01, _NEG)
    a10 = jnp.where(act, s10, _NEG)
    a11 = jnp.where(act, s11, 0.0)

    n = _T
    for k in range(10):
        sh = 1 << k

        def shift(x, fill):
            pad = jnp.full((_GB, sh), fill, x.dtype)
            return jnp.concatenate([pad, x[:, : n - sh]], axis=1)

        b00 = shift(a00, 0.0)
        b01 = shift(a01, _NEG)
        b10 = shift(a10, _NEG)
        b11 = shift(a11, 0.0)
        c00 = _lse2(b00 + a00, b01 + a10)
        a00_new = jnp.maximum(c00, _NEG)
        if k < 9:
            c01_ = _lse2(b00 + a01, b01 + a11)
            c10 = _lse2(b10 + a00, b11 + a10)
            c11_ = _lse2(b10 + a01, b11 + a11)
            a01 = jnp.maximum(c01_, _NEG)
            a10 = jnp.maximum(c10, _NEG)
            a11 = jnp.maximum(c11_, _NEG)
        a00 = a00_new

    p00 = a00[:, _T - 1 : _T]
    block_den = jnp.sum(p00) + _GB * wf

    @pl.when(pl.program_id(0) == 0)
    def _():
        out_ref[0, 0] = 0.0

    out_ref[0, 0] += block_den


def _den_call(log_probs, input_lens, labels, den_scores):
    dens = jnp.zeros((1, _PAD), jnp.float32).at[0, :_A].set(den_scores)
    lens2 = jnp.broadcast_to(input_lens[:, None], (_B, 8)).astype(jnp.int32)
    out, g = pl.pallas_call(
        _den_body,
        grid=(_GRID,),
        in_specs=[
            pl.BlockSpec((8, _PAD), lambda i: (0, 0)),
            pl.BlockSpec((2 * _PAD, _PAD), lambda i: (0, 0)),
            pl.BlockSpec((1, _PAD), lambda i: (0, 0)),
            pl.BlockSpec((_GB, 8), lambda i: (i, 0)),
            pl.BlockSpec((_GB, _T), lambda i: (i, 0)),
            pl.BlockSpec((_C, _GB, _T), lambda i: (0, i, 0)),
        ],
        out_specs=[
            pl.BlockSpec((1, 1), lambda i: (0, 0), memory_space=pltpu.SMEM),
            pl.BlockSpec((_GB, _T), lambda i: (i, 0)),
        ],
        out_shape=[
            jax.ShapeDtypeStruct((1, 1), jnp.float32),
            jax.ShapeDtypeStruct((_B, _T), jnp.float32),
        ],
        compiler_params=pltpu.CompilerParams(
            dimension_semantics=("arbitrary",)
        ),
    )(jnp.asarray(_CS), jnp.asarray(_M01), dens, lens2,
      labels.astype(jnp.int32), jnp.transpose(log_probs, (2, 0, 1)))
    return out[0, 0], g


_NW = 32
_BPW = _B // _NW
_NCH = 8


def _num_body(g_hbm, len_hbm, out_hbm, g_v, len_v, acc_v, sem0, sem1):
    wid = lax.axis_index("s") * 2 + lax.axis_index("c")
    sems = [sem0, sem1]
    pltpu.sync_copy(len_hbm, len_v)
    iot = lax.iota(jnp.int32, 16)
    b0 = wid * _BPW
    copies = [
        pltpu.async_copy(g_hbm.at[b0 + i], g_v.at[i], sems[i])
        for i in range(_BPW)
    ]
    acc = jnp.zeros((16,), jnp.float32)
    for i in range(_BPW):
        b = b0 + i
        copies[i].wait()
        lenb = plsc.load_gather(len_v, [jnp.full((16,), b, jnp.int32)])
        for u in range(_T // 16):
            tvec = u * 16 + iot
            val = g_v[i, pl.ds(u * 16, 16)]
            acc = acc + jnp.where(tvec < lenb, val, 0.0)
    acc_v[...] = acc
    pltpu.sync_copy(acc_v, out_hbm.at[wid])


def _num_call(g, input_lens):
    mesh = plsc.VectorSubcoreMesh(core_axis_name="c", subcore_axis_name="s")
    fn = pl.kernel(
        _num_body,
        out_type=jax.ShapeDtypeStruct((_NW, 16), jnp.float32),
        mesh=mesh,
        scratch_types=[
            pltpu.VMEM((_BPW, _T), jnp.float32),
            pltpu.VMEM((_B,), jnp.int32),
            pltpu.VMEM((16,), jnp.float32),
            pltpu.SemaphoreType.DMA,
            pltpu.SemaphoreType.DMA,
        ],
        compiler_params=pltpu.CompilerParams(needs_layout_passes=False),
    )
    parts = fn(g, input_lens.astype(jnp.int32))
    return jnp.sum(parts)


def kernel(log_probs, input_lens, labels, den_scores):
    den, g = _den_call(log_probs, input_lens, labels, den_scores)
    num = _num_call(g, input_lens)
    return num - den

# --- scband reference (transcript-rebuilt; emitter-appended) ---
"""Pipeline reference for scband-crfloss-69200513073848 (READ-ONLY COPY).

The authoritative reference and input builder live on the scoring server;
editing this copy changes nothing except your own understanding.
"""

import jax, jax.numpy as jnp
import numpy as np
from jax.scipy.special import logsumexp

L = 40
LABEL_SET = ["L%d" % i for i in range(L)]
B, T, C = 64, 1024, 43  # C = L + 3 symbols: eps(0), O(1), I-(2), labels 3..L+2
NEG = -1e30


def _build_arcs(num_labels):
    # replicates make_topology(label_set, shared=True): arc order = sorted string order
    s = ["0 0 1", "0 1 2", "1 1 2"]
    for i in range(num_labels):
        sym = 3 + i
        s.append("0 0 %d" % sym)
        s.append("1 0 %d" % sym)
    s.append("0 2 -1")
    s.sort()
    return [tuple(int(x) for x in line.split()) for line in s]

_ARCS = _build_arcs(L)
_SRC = np.array([a[0] for a in _ARCS], dtype=np.int32)
_DST = np.array([a[1] for a in _ARCS], dtype=np.int32)
_LAB = np.array([a[2] for a in _ARCS], dtype=np.int32)
_NF = np.where(_LAB >= 0)[0]            # non-final (emitting) arcs
_FINAL = int(np.where(_LAB < 0)[0][0])  # the 0->2 -1 final arc
A = len(_ARCS)                           # 2L+4 = 84


def setup_inputs(seed: int = 0):
    key = jax.random.key(seed)
    k1, k2, k3, k4 = jax.random.split(key, 4)
    log_probs = jax.nn.log_softmax(jax.random.normal(k1, (B, T, C), dtype=jnp.float32), axis=-1)
    input_lens = jax.random.randint(k2, (B,), 1, T + 1)
    labels = jax.random.randint(k3, (B, T), 0, C)
    den_scores = jax.random.normal(k4, (A,), dtype=jnp.float32)  # nn.Parameter of CRFLoss
    return {"log_probs": log_probs, "input_lens": input_lens, "labels": labels, "den_scores": den_scores}


def _set_scores_stochastic(den_scores):
    # k2 set_scores_stochastic_: log-softmax over outgoing arcs of each state
    out = jnp.zeros_like(den_scores)
    for st in (0, 1):
        m = jnp.asarray(_SRC == st)
        lse = logsumexp(jnp.where(m, den_scores, NEG))
        out = jnp.where(m, den_scores - lse, out)
    return out


def _den_tot_scores(log_probs, input_lens, w):
    # exact log-semiring forward algorithm = intersect_dense(den, posteriors) + get_tot_scores
    a_src = _SRC[_NF]
    a_dst = _DST[_NF]
    a_lab = _LAB[_NF]
    w_nf = w[_NF]
    w_final = w[_FINAL]
    Bn, Tn = log_probs.shape[0], log_probs.shape[1]
    alpha0 = jnp.concatenate([jnp.zeros((Bn, 1), log_probs.dtype), jnp.full((Bn, 1), NEG, log_probs.dtype)], axis=1)
    lp_t = jnp.swapaxes(log_probs, 0, 1)
    m0 = jnp.asarray(a_dst == 0)[None, :]
    m1 = jnp.asarray(a_dst == 1)[None, :]

    def step(alpha, xs):
        emit, t = xs
        trans = alpha[:, a_src] + w_nf[None, :] + emit[:, a_lab]
        new0 = logsumexp(jnp.where(m0, trans, NEG), axis=1)
        new1 = logsumexp(jnp.where(m1, trans, NEG), axis=1)
        new_alpha = jnp.stack([new0, new1], axis=1)
        active = (t < input_lens)[:, None]
        return jnp.where(active, new_alpha, alpha), None

    alpha, _ = jax.lax.scan(step, alpha0, (lp_t, jnp.arange(Tn)))
    # DenseFsaVec final frame: -1 column has score 0, so only the final arc weight is added
    return alpha[:, 0] + w_final


def _num_tot_scores(log_probs, input_lens, labels):
    # linear_fsa(labels[:len]) intersected with dense posteriors has a single path:
    # score = sum_t log_probs[b, t, labels[b, t]] for t < len
    lp = jnp.take_along_axis(log_probs, labels[..., None], axis=2)[..., 0]
    mask = jnp.arange(log_probs.shape[1])[None, :] < input_lens[:, None]
    return jnp.sum(jnp.where(mask, lp, 0.0), axis=1)


def reference(log_probs, input_lens, labels, den_scores):
    w = _set_scores_stochastic(den_scores)
    num_score = jnp.sum(_num_tot_scores(log_probs, input_lens, labels))
    den_score = jnp.sum(_den_tot_scores(log_probs, input_lens, w))
    return num_score - den_score

if __name__ == "__main__":
    import jax
    _d = setup_inputs()
    print(jax.jit(kernel)(*tuple(_d.values())))

</pallas_src>

<mosaic_0001>
#map = affine_map<(d0, d1) -> (0, 0)>
#map1 = affine_map<(d0, d1) -> (0)>
module attributes {stable_mosaic.version = 14 : i64} {
  func.func @_num_body(%arg0: i32, %arg1: i32, %arg2: memref<64x1024xf32, #tpu.memory_space<hbm>>, %arg3: memref<64xi32, #tpu.memory_space<hbm>>, %arg4: memref<32x16xf32, #tpu.memory_space<hbm>>, %arg5: memref<2x1024xf32, #tpu.memory_space<vmem>>, %arg6: memref<64xi32, #tpu.memory_space<vmem>>, %arg7: memref<16xf32, #tpu.memory_space<vmem>>, %arg8: memref<!tpu.dma_semaphore, #tpu.memory_space<semaphore_mem>>, %arg9: memref<!tpu.dma_semaphore, #tpu.memory_space<semaphore_mem>>) attributes {dimension_semantics = [#tpu.dimension_semantics<core_parallel>, #tpu.dimension_semantics<subcore_parallel>], iteration_bounds = array<i64: 2, 16>, scalar_prefetch = 0 : i64, scratch_operands = 5 : i64, tpu.core_type = #tpu.core_type<sc_vector_subcore>, window_params = [{transform_indices = #map}, {transform_indices = #map1}, {transform_indices = #map}]} {
    %mul3A = arith.constant 2 : i32
    %mul3A_0 = arith.muli %arg1, %mul3A : i32
    %add3A = arith.addi %mul3A_0, %arg0 : i32
    "tpu.region"() ({
      %run_scoped3A = tpu.sem_alloc : memref<!tpu.dma_semaphore, #tpu.memory_space<semaphore_mem>>
      tpu.enqueue_dma source(%arg3 : memref<64xi32, #tpu.memory_space<hbm>>) target(%arg6 : memref<64xi32, #tpu.memory_space<vmem>>) target_semaphore(%run_scoped3A : memref<!tpu.dma_semaphore, #tpu.memory_space<semaphore_mem>>)
      tpu.wait_dma2 semaphore(%run_scoped3A : memref<!tpu.dma_semaphore, #tpu.memory_space<semaphore_mem>>) src(%arg3 : memref<64xi32, #tpu.memory_space<hbm>>) dst(%arg6 : memref<64xi32, #tpu.memory_space<vmem>>)
      tpu.yield
    }) : () -> ()
    %iota3A = tpu.iota {dimensions = array<i32: 0>} : vector<16xi32>
    %mul3A_1 = arith.constant 2 : i32
    %mul3A_2 = arith.muli %add3A, %mul3A_1 : i32
    %add3A_3 = arith.constant 0 : i32
    %add3A_4 = arith.addi %mul3A_2, %add3A_3 : i32
    %dma_start3A = arith.constant 0 : i32
    %dma_start3A_5 = arith.constant 0 : i32
    %dma_start3A_6 = tpu.memref_slice %arg5[%dma_start3A, %dma_start3A_5] : memref<2x1024xf32, #tpu.memory_space<vmem>> -> memref<1x1024xf32, #tpu.memory_space<vmem>>
    %dma_start3A_7 = tpu.memref_squeeze %dma_start3A_6 : memref<1x1024xf32, #tpu.memory_space<vmem>> -> memref<1024xf32, #tpu.memory_space<vmem>>
    %dma_start3A_8 = arith.constant 0 : i32
    %dma_start3A_9 = tpu.memref_slice %arg2[%add3A_4, %dma_start3A_8] : memref<64x1024xf32, #tpu.memory_space<hbm>> -> memref<1x1024xf32, #tpu.memory_space<hbm>>
    %dma_start3A_10 = tpu.memref_squeeze %dma_start3A_9 : memref<1x1024xf32, #tpu.memory_space<hbm>> -> memref<1024xf32, #tpu.memory_space<hbm>>
    %dma_start3A_11 = arith.constant 0 : i32
    %dma_start3A_12 = tpu.memref_slice %arg5[%dma_start3A, %dma_start3A_11] : memref<2x1024xf32, #tpu.memory_space<vmem>> -> memref<1x1024xf32, #tpu.memory_space<vmem>>
    %dma_start3A_13 = tpu.memref_squeeze %dma_start3A_12 : memref<1x1024xf32, #tpu.memory_space<vmem>> -> memref<1024xf32, #tpu.memory_space<vmem>>
    %dma_start3A_14 = arith.constant 0 : i32
    %dma_start3A_15 = tpu.memref_slice %arg2[%add3A_4, %dma_start3A_14] : memref<64x1024xf32, #tpu.memory_space<hbm>> -> memref<1x1024xf32, #tpu.memory_space<hbm>>
    %dma_start3A_16 = tpu.memref_squeeze %dma_start3A_15 : memref<1x1024xf32, #tpu.memory_space<hbm>> -> memref<1024xf32, #tpu.memory_space<hbm>>
    tpu.enqueue_dma source(%dma_start3A_16 : memref<1024xf32, #tpu.memory_space<hbm>>) target(%dma_start3A_13 : memref<1024xf32, #tpu.memory_space<vmem>>) target_semaphore(%arg8 : memref<!tpu.dma_semaphore, #tpu.memory_space<semaphore_mem>>)
    %add3A_17 = arith.constant 1 : i32
    %add3A_18 = arith.addi %mul3A_2, %add3A_17 : i32
    %dma_start3A_19 = arith.constant 1 : i32
    %dma_start3A_20 = arith.constant 0 : i32
    %dma_start3A_21 = tpu.memref_slice %arg5[%dma_start3A_19, %dma_start3A_20] : memref<2x1024xf32, #tpu.memory_space<vmem>> -> memref<1x1024xf32, #tpu.memory_space<vmem>>
    %dma_start3A_22 = tpu.memref_squeeze %dma_start3A_21 : memref<1x1024xf32, #tpu.memory_space<vmem>> -> memref<1024xf32, #tpu.memory_space<vmem>>
    %dma_start3A_23 = arith.constant 0 : i32
    %dma_start3A_24 = tpu.memref_slice %arg2[%add3A_18, %dma_start3A_23] : memref<64x1024xf32, #tpu.memory_space<hbm>> -> memref<1x1024xf32, #tpu.memory_space<hbm>>
    %dma_start3A_25 = tpu.memref_squeeze %dma_start3A_24 : memref<1x1024xf32, #tpu.memory_space<hbm>> -> memref<1024xf32, #tpu.memory_space<hbm>>
    %dma_start3A_26 = arith.constant 0 : i32
    %dma_start3A_27 = tpu.memref_slice %arg5[%dma_start3A_19, %dma_start3A_26] : memref<2x1024xf32, #tpu.memory_space<vmem>> -> memref<1x1024xf32, #tpu.memory_space<vmem>>
    %dma_start3A_28 = tpu.memref_squeeze %dma_start3A_27 : memref<1x1024xf32, #tpu.memory_space<vmem>> -> memref<1024xf32, #tpu.memory_space<vmem>>
    %dma_start3A_29 = arith.constant 0 : i32
    %dma_start3A_30 = tpu.memref_slice %arg2[%add3A_18, %dma_start3A_29] : memref<64x1024xf32, #tpu.memory_space<hbm>> -> memref<1x1024xf32, #tpu.memory_space<hbm>>
    %dma_start3A_31 = tpu.memref_squeeze %dma_start3A_30 : memref<1x1024xf32, #tpu.memory_space<hbm>> -> memref<1024xf32, #tpu.memory_space<hbm>>
    tpu.enqueue_dma source(%dma_start3A_31 : memref<1024xf32, #tpu.memory_space<hbm>>) target(%dma_start3A_28 : memref<1024xf32, #tpu.memory_space<vmem>>) target_semaphore(%arg9 : memref<!tpu.dma_semaphore, #tpu.memory_space<semaphore_mem>>)
    %broadcast_in_dim3A = arith.constant 0.000000e+00 : f32
    %broadcast_in_dim3A_32 = vector.broadcast %broadcast_in_dim3A : f32 to vector<16xf32>
    %add3A_33 = arith.constant 0 : i32
    %add3A_34 = arith.addi %mul3A_2, %add3A_33 : i32
    %dma_wait3A = arith.constant 0 : i32
    %dma_wait3A_35 = arith.constant 0 : i32
    %dma_wait3A_36 = tpu.memref_slice %arg5[%dma_wait3A, %dma_wait3A_35] : memref<2x1024xf32, #tpu.memory_space<vmem>> -> memref<1x1024xf32, #tpu.memory_space<vmem>>
    %dma_wait3A_37 = tpu.memref_squeeze %dma_wait3A_36 : memref<1x1024xf32, #tpu.memory_space<vmem>> -> memref<1024xf32, #tpu.memory_space<vmem>>
    %dma_wait3A_38 = arith.constant 0 : i32
    %dma_wait3A_39 = tpu.memref_slice %arg2[%add3A_4, %dma_wait3A_38] : memref<64x1024xf32, #tpu.memory_space<hbm>> -> memref<1x1024xf32, #tpu.memory_space<hbm>>
    %dma_wait3A_40 = tpu.memref_squeeze %dma_wait3A_39 : memref<1x1024xf32, #tpu.memory_space<hbm>> -> memref<1024xf32, #tpu.memory_space<hbm>>
    %dma_wait3A_41 = arith.constant 0 : i32
    %dma_wait3A_42 = tpu.memref_slice %arg5[%dma_wait3A, %dma_wait3A_41] : memref<2x1024xf32, #tpu.memory_space<vmem>> -> memref<1x1024xf32, #tpu.memory_space<vmem>>
    %dma_wait3A_43 = tpu.memref_squeeze %dma_wait3A_42 : memref<1x1024xf32, #tpu.memory_space<vmem>> -> memref<1024xf32, #tpu.memory_space<vmem>>
    %dma_wait3A_44 = arith.constant 0 : i32
    %dma_wait3A_45 = tpu.memref_slice %arg2[%add3A_4, %dma_wait3A_44] : memref<64x1024xf32, #tpu.memory_space<hbm>> -> memref<1x1024xf32, #tpu.memory_space<hbm>>
    %dma_wait3A_46 = tpu.memref_squeeze %dma_wait3A_45 : memref<1x1024xf32, #tpu.memory_space<hbm>> -> memref<1024xf32, #tpu.memory_space<hbm>>
    tpu.wait_dma2 semaphore(%arg8 : memref<!tpu.dma_semaphore, #tpu.memory_space<semaphore_mem>>) src(%dma_wait3A_46 : memref<1024xf32, #tpu.memory_space<hbm>>) dst(%dma_wait3A_43 : memref<1024xf32, #tpu.memory_space<vmem>>)
    %broadcast_in_dim3A_47 = vector.broadcast %add3A_34 : i32 to vector<16xi32>
    %gather3A = tpu.vector_load_idx %arg6[%broadcast_in_dim3A_47] : memref<64xi32, #tpu.memory_space<vmem>>[vector<16xi32>], vector<16xi32>,
    %add3A_48 = arith.constant 0 : i32
    %add3A_49 = vector.broadcast %add3A_48 : i32 to vector<16xi32>
    %add3A_50 = arith.addi %add3A_49, %iota3A : vector<16xi32>
    %get3A = arith.constant 0 : i32
    %get3A_51 = arith.index_cast %get3A : i32 to index
    %get3A_52 = arith.constant 0 : index
    %get3A_53 = tpu.vector_load %arg5[%get3A_51, %get3A_52] {strides = array<i32>} : memref<2x1024xf32, #tpu.memory_space<vmem>>, vector<16xf32>,
    %lt3A = arith.cmpi slt, %add3A_50, %gather3A : vector<16xi32>
    %jit3A = arith.constant 0.000000e+00 : f32
    %broadcast_in_dim3A_54 = vector.broadcast %jit3A : f32 to vector<16xf32>
    %select_n3A = arith.select %lt3A, %get3A_53, %broadcast_in_dim3A_54 : vector<16xi1>, vector<16xf32>
    %add3A_55 = arith.addf %broadcast_in_dim3A_32, %select_n3A : vector<16xf32>
    %add3A_56 = arith.constant 16 : i32
    %add3A_57 = vector.broadcast %add3A_56 : i32 to vector<16xi32>
    %add3A_58 = arith.addi %add3A_57, %iota3A : vector<16xi32>
    %get3A_59 = arith.constant 0 : i32
    %get3A_60 = arith.index_cast %get3A_59 : i32 to index
    %get3A_61 = arith.constant 16 : index
    %get3A_62 = tpu.vector_load %arg5[%get3A_60, %get3A_61] {strides = array<i32>} : memref<2x1024xf32, #tpu.memory_space<vmem>>, vector<16xf32>,
    %lt3A_63 = arith.cmpi slt, %add3A_58, %gather3A : vector<16xi32>
    %jit3A_64 = arith.constant 0.000000e+00 : f32
    %broadcast_in_dim3A_65 = vector.broadcast %jit3A_64 : f32 to vector<16xf32>
    %select_n3A_66 = arith.select %lt3A_63, %get3A_62, %broadcast_in_dim3A_65 : vector<16xi1>, vector<16xf32>
    %add3A_67 = arith.addf %add3A_55, %select_n3A_66 : vector<16xf32>
    %add3A_68 = arith.constant 32 : i32
    %add3A_69 = vector.broadcast %add3A_68 : i32 to vector<16xi32>
    %add3A_70 = arith.addi %add3A_69, %iota3A : vector<16xi32>
    %get3A_71 = arith.constant 0 : i32
    %get3A_72 = arith.index_cast %get3A_71 : i32 to index
    %get3A_73 = arith.constant 32 : index
    %get3A_74 = tpu.vector_load %arg5[%get3A_72, %get3A_73] {strides = array<i32>} : memref<2x1024xf32, #tpu.memory_space<vmem>>, vector<16xf32>,
    %lt3A_75 = arith.cmpi slt, %add3A_70, %gather3A : vector<16xi32>
    %jit3A_76 = arith.constant 0.000000e+00 : f32
    %broadcast_in_dim3A_77 = vector.broadcast %jit3A_76 : f32 to vector<16xf32>
    %select_n3A_78 = arith.select %lt3A_75, %get3A_74, %broadcast_in_dim3A_77 : vector<16xi1>, vector<16xf32>
    %add3A_79 = arith.addf %add3A_67, %select_n3A_78 : vector<16xf32>
    %add3A_80 = arith.constant 48 : i32
    %add3A_81 = vector.broadcast %add3A_80 : i32 to vector<16xi32>
    %add3A_82 = arith.addi %add3A_81, %iota3A : vector<16xi32>
    %get3A_83 = arith.constant 0 : i32
    %get3A_84 = arith.index_cast %get3A_83 : i32 to index
    %get3A_85 = arith.constant 48 : index
    %get3A_86 = tpu.vector_load %arg5[%get3A_84, %get3A_85] {strides = array<i32>} : memref<2x1024xf32, #tpu.memory_space<vmem>>, vector<16xf32>,
    %lt3A_87 = arith.cmpi slt, %add3A_82, %gather3A : vector<16xi32>
    %jit3A_88 = arith.constant 0.000000e+00 : f32
    %broadcast_in_dim3A_89 = vector.broadcast %jit3A_88 : f32 to vector<16xf32>
    %select_n3A_90 = arith.select %lt3A_87, %get3A_86, %broadcast_in_dim3A_89 : vector<16xi1>, vector<16xf32>
    %add3A_91 = arith.addf %add3A_79, %select_n3A_90 : vector<16xf32>
    %add3A_92 = arith.constant 64 : i32
    %add3A_93 = vector.broadcast %add3A_92 : i32 to vector<16xi32>
    %add3A_94 = arith.addi %add3A_93, %iota3A : vector<16xi32>
    %get3A_95 = arith.constant 0 : i32
    %get3A_96 = arith.index_cast %get3A_95 : i32 to index
    %get3A_97 = arith.constant 64 : index
    %get3A_98 = tpu.vector_load %arg5[%get3A_96, %get3A_97] {strides = array<i32>} : memref<2x1024xf32, #tpu.memory_space<vmem>>, vector<16xf32>,
    %lt3A_99 = arith.cmpi slt, %add3A_94, %gather3A : vector<16xi32>
    %jit3A_100 = arith.constant 0.000000e+00 : f32
    %broadcast_in_dim3A_101 = vector.broadcast %jit3A_100 : f32 to vector<16xf32>
    %select_n3A_102 = arith.select %lt3A_99, %get3A_98, %broadcast_in_dim3A_101 : vector<16xi1>, vector<16xf32>
    %add3A_103 = arith.addf %add3A_91, %select_n3A_102 : vector<16xf32>
    %add3A_104 = arith.constant 80 : i32
    %add3A_105 = vector.broadcast %add3A_104 : i32 to vector<16xi32>
    %add3A_106 = arith.addi %add3A_105, %iota3A : vector<16xi32>
    %get3A_107 = arith.constant 0 : i32
    %get3A_108 = arith.index_cast %get3A_107 : i32 to index
    %get3A_109 = arith.constant 80 : index
    %get3A_110 = tpu.vector_load %arg5[%get3A_108, %get3A_109] {strides = array<i32>} : memref<2x1024xf32, #tpu.memory_space<vmem>>, vector<16xf32>,
    %lt3A_111 = arith.cmpi slt, %add3A_106, %gather3A : vector<16xi32>
    %jit3A_112 = arith.constant 0.000000e+00 : f32
    %broadcast_in_dim3A_113 = vector.broadcast %jit3A_112 : f32 to vector<16xf32>
    %select_n3A_114 = arith.select %lt3A_111, %get3A_110, %broadcast_in_dim3A_113 : vector<16xi1>, vector<16xf32>
    %add3A_115 = arith.addf %add3A_103, %select_n3A_114 : vector<16xf32>
    %add3A_116 = arith.constant 96 : i32
    %add3A_117 = vector.broadcast %add3A_116 : i32 to vector<16xi32>
    %add3A_118 = arith.addi %add3A_117, %iota3A : vector<16xi32>
    %get3A_119 = arith.constant 0 : i32
    %get3A_120 = arith.index_cast %get3A_119 : i32 to index
    %get3A_121 = arith.constant 96 : index
    %get3A_122 = tpu.vector_load %arg5[%get3A_120, %get3A_121] {strides = array<i32>} : memref<2x1024xf32, #tpu.memory_space<vmem>>, vector<16xf32>,
    %lt3A_123 = arith.cmpi slt, %add3A_118, %gather3A : vector<16xi32>
    %jit3A_124 = arith.constant 0.000000e+00 : f32
    %broadcast_in_dim3A_125 = vector.broadcast %jit3A_124 : f32 to vector<16xf32>
    %select_n3A_126 = arith.select %lt3A_123, %get3A_122, %broadcast_in_dim3A_125 : vector<16xi1>, vector<16xf32>
    %add3A_127 = arith.addf %add3A_115, %select_n3A_126 : vector<16xf32>
    %add3A_128 = arith.constant 112 : i32
    %add3A_129 = vector.broadcast %add3A_128 : i32 to vector<16xi32>
    %add3A_130 = arith.addi %add3A_129, %iota3A : vector<16xi32>
    %get3A_131 = arith.constant 0 : i32
    %get3A_132 = arith.index_cast %get3A_131 : i32 to index
    %get3A_133 = arith.constant 112 : index
    %get3A_134 = tpu.vector_load %arg5[%get3A_132, %get3A_133] {strides = array<i32>} : memref<2x1024xf32, #tpu.memory_space<vmem>>, vector<16xf32>,
    %lt3A_135 = arith.cmpi slt, %add3A_130, %gather3A : vector<16xi32>
    %jit3A_136 = arith.constant 0.000000e+00 : f32
    %broadcast_in_dim3A_137 = vector.broadcast %jit3A_136 : f32 to vector<16xf32>
    %select_n3A_138 = arith.select %lt3A_135, %get3A_134, %broadcast_in_dim3A_137 : vector<16xi1>, vector<16xf32>
    %add3A_139 = arith.addf %add3A_127, %select_n3A_138 : vector<16xf32>
    %add3A_140 = arith.constant 128 : i32
    %add3A_141 = vector.broadcast %add3A_140 : i32 to vector<16xi32>
    %add3A_142 = arith.addi %add3A_141, %iota3A : vector<16xi32>
    %get3A_143 = arith.constant 0 : i32
    %get3A_144 = arith.index_cast %get3A_143 : i32 to index
    %get3A_145 = arith.constant 128 : index
    %get3A_146 = tpu.vector_load %arg5[%get3A_144, %get3A_145] {strides = array<i32>} : memref<2x1024xf32, #tpu.memory_space<vmem>>, vector<16xf32>,
    %lt3A_147 = arith.cmpi slt, %add3A_142, %gather3A : vector<16xi32>
    %jit3A_148 = arith.constant 0.000000e+00 : f32
    %broadcast_in_dim3A_149 = vector.broadcast %jit3A_148 : f32 to vector<16xf32>
    %select_n3A_150 = arith.select %lt3A_147, %get3A_146, %broadcast_in_dim3A_149 : vector<16xi1>, vector<16xf32>
    %add3A_151 = arith.addf %add3A_139, %select_n3A_150 : vector<16xf32>
    %add3A_152 = arith.constant 144 : i32
    %add3A_153 = vector.broadcast %add3A_152 : i32 to vector<16xi32>
    %add3A_154 = arith.addi %add3A_153, %iota3A : vector<16xi32>
    %get3A_155 = arith.constant 0 : i32
    %get3A_156 = arith.index_cast %get3A_155 : i32 to index
    %get3A_157 = arith.constant 144 : index
    %get3A_158 = tpu.vector_load %arg5[%get3A_156, %get3A_157] {strides = array<i32>} : memref<2x1024xf32, #tpu.memory_space<vmem>>, vector<16xf32>,
    %lt3A_159 = arith.cmpi slt, %add3A_154, %gather3A : vector<16xi32>
    %jit3A_160 = arith.constant 0.000000e+00 : f32
    %broadcast_in_dim3A_161 = vector.broadcast %jit3A_160 : f32 to vector<16xf32>
    %select_n3A_162 = arith.select %lt3A_159, %get3A_158, %broadcast_in_dim3A_161 : vector<16xi1>, vector<16xf32>
    %add3A_163 = arith.addf %add3A_151, %select_n3A_162 : vector<16xf32>
    %add3A_164 = arith.constant 160 : i32
    %add3A_165 = vector.broadcast %add3A_164 : i32 to vector<16xi32>
    %add3A_166 = arith.addi %add3A_165, %iota3A : vector<16xi32>
    %get3A_167 = arith.constant 0 : i32
    %get3A_168 = arith.index_cast %get3A_167 : i32 to index
    %get3A_169 = arith.constant 160 : index
    %get3A_170 = tpu.vector_load %arg5[%get3A_168, %get3A_169] {strides = array<i32>} : memref<2x1024xf32, #tpu.memory_space<vmem>>, vector<16xf32>,
    %lt3A_171 = arith.cmpi slt, %add3A_166, %gather3A : vector<16xi32>
    %jit3A_172 = arith.constant 0.000000e+00 : f32
    %broadcast_in_dim3A_173 = vector.broadcast %jit3A_172 : f32 to vector<16xf32>
    %select_n3A_174 = arith.select %lt3A_171, %get3A_170, %broadcast_in_dim3A_173 : vector<16xi1>, vector<16xf32>
    %add3A_175 = arith.addf %add3A_163, %select_n3A_174 : vector<16xf32>
    %add3A_176 = arith.constant 176 : i32
    %add3A_177 = vector.broadcast %add3A_176 : i32 to vector<16xi32>
    %add3A_178 = arith.addi %add3A_177, %iota3A : vector<16xi32>
    %get3A_179 = arith.constant 0 : i32
    %get3A_180 = arith.index_cast %get3A_179 : i32 to index
    %get3A_181 = arith.constant 176 : index
    %get3A_182 = tpu.vector_load %arg5[%get3A_180, %get3A_181] {strides = array<i32>} : memref<2x1024xf32, #tpu.memory_space<vmem>>, vector<16xf32>,
    %lt3A_183 = arith.cmpi slt, %add3A_178, %gather3A : vector<16xi32>
    %jit3A_184 = arith.constant 0.000000e+00 : f32
    %broadcast_in_dim3A_185 = vector.broadcast %jit3A_184 : f32 to vector<16xf32>
    %select_n3A_186 = arith.select %lt3A_183, %get3A_182, %broadcast_in_dim3A_185 : vector<16xi1>, vector<16xf32>
    %add3A_187 = arith.addf %add3A_175, %select_n3A_186 : vector<16xf32>
    %add3A_188 = arith.constant 192 : i32
    %add3A_189 = vector.broadcast %add3A_188 : i32 to vector<16xi32>
    %add3A_190 = arith.addi %add3A_189, %iota3A : vector<16xi32>
    %get3A_191 = arith.constant 0 : i32
    %get3A_192 = arith.index_cast %get3A_191 : i32 to index
    %get3A_193 = arith.constant 192 : index
    %get3A_194 = tpu.vector_load %arg5[%get3A_192, %get3A_193] {strides = array<i32>} : memref<2x1024xf32, #tpu.memory_space<vmem>>, vector<16xf32>,
    %lt3A_195 = arith.cmpi slt, %add3A_190, %gather3A : vector<16xi32>
    %jit3A_196 = arith.constant 0.000000e+00 : f32
    %broadcast_in_dim3A_197 = vector.broadcast %jit3A_196 : f32 to vector<16xf32>
    %select_n3A_198 = arith.select %lt3A_195, %get3A_194, %broadcast_in_dim3A_197 : vector<16xi1>, vector<16xf32>
    %add3A_199 = arith.addf %add3A_187, %select_n3A_198 : vector<16xf32>
    %add3A_200 = arith.constant 208 : i32
    %add3A_201 = vector.broadcast %add3A_200 : i32 to vector<16xi32>
    %add3A_202 = arith.addi %add3A_201, %iota3A : vector<16xi32>
    %get3A_203 = arith.constant 0 : i32
    %get3A_204 = arith.index_cast %get3A_203 : i32 to index
    %get3A_205 = arith.constant 208 : index
    %get3A_206 = tpu.vector_load %arg5[%get3A_204, %get3A_205] {strides = array<i32>} : memref<2x1024xf32, #tpu.memory_space<vmem>>, vector<16xf32>,
    %lt3A_207 = arith.cmpi slt, %add3A_202, %gather3A : vector<16xi32>
    %jit3A_208 = arith.constant 0.000000e+00 : f32
    %broadcast_in_dim3A_209 = vector.broadcast %jit3A_208 : f32 to vector<16xf32>
    %select_n3A_210 = arith.select %lt3A_207, %get3A_206, %broadcast_in_dim3A_209 : vector<16xi1>, vector<16xf32>
    %add3A_211 = arith.addf %add3A_199, %select_n3A_210 : vector<16xf32>
    %add3A_212 = arith.constant 224 : i32
    %add3A_213 = vector.broadcast %add3A_212 : i32 to vector<16xi32>
    %add3A_214 = arith.addi %add3A_213, %iota3A : vector<16xi32>
    %get3A_215 = arith.constant 0 : i32
    %get3A_216 = arith.index_cast %get3A_215 : i32 to index
    %get3A_217 = arith.constant 224 : index
    %get3A_218 = tpu.vector_load %arg5[%get3A_216, %get3A_217] {strides = array<i32>} : memref<2x1024xf32, #tpu.memory_space<vmem>>, vector<16xf32>,
    %lt3A_219 = arith.cmpi slt, %add3A_214, %gather3A : vector<16xi32>
    %jit3A_220 = arith.constant 0.000000e+00 : f32
    %broadcast_in_dim3A_221 = vector.broadcast %jit3A_220 : f32 to vector<16xf32>
    %select_n3A_222 = arith.select %lt3A_219, %get3A_218, %broadcast_in_dim3A_221 : vector<16xi1>, vector<16xf32>
    %add3A_223 = arith.addf %add3A_211, %select_n3A_222 : vector<16xf32>
    %add3A_224 = arith.constant 240 : i32
    %add3A_225 = vector.broadcast %add3A_224 : i32 to vector<16xi32>
    %add3A_226 = arith.addi %add3A_225, %iota3A : vector<16xi32>
    %get3A_227 = arith.constant 0 : i32
    %get3A_228 = arith.index_cast %get3A_227 : i32 to index
    %get3A_229 = arith.constant 240 : index
    %get3A_230 = tpu.vector_load %arg5[%get3A_228, %get3A_229] {strides = array<i32>} : memref<2x1024xf32, #tpu.memory_space<vmem>>, vector<16xf32>,
    %lt3A_231 = arith.cmpi slt, %add3A_226, %gather3A : vector<16xi32>
    %jit3A_232 = arith.constant 0.000000e+00 : f32
    %broadcast_in_dim3A_233 = vector.broadcast %jit3A_232 : f32 to vector<16xf32>
    %select_n3A_234 = arith.select %lt3A_231, %get3A_230, %broadcast_in_dim3A_233 : vector<16xi1>, vector<16xf32>
    %add3A_235 = arith.addf %add3A_223, %select_n3A_234 : vector<16xf32>
    %add3A_236 = arith.constant 256 : i32
    %add3A_237 = vector.broadcast %add3A_236 : i32 to vector<16xi32>
    %add3A_238 = arith.addi %add3A_237, %iota3A : vector<16xi32>
    %get3A_239 = arith.constant 0 : i32
    %get3A_240 = arith.index_cast %get3A_239 : i32 to index
    %get3A_241 = arith.constant 256 : index
    %get3A_242 = tpu.vector_load %arg5[%get3A_240, %get3A_241] {strides = array<i32>} : memref<2x1024xf32, #tpu.memory_space<vmem>>, vector<16xf32>,
    %lt3A_243 = arith.cmpi slt, %add3A_238, %gather3A : vector<16xi32>
    %jit3A_244 = arith.constant 0.000000e+00 : f32
    %broadcast_in_dim3A_245 = vector.broadcast %jit3A_244 : f32 to vector<16xf32>
    %select_n3A_246 = arith.select %lt3A_243, %get3A_242, %broadcast_in_dim3A_245 : vector<16xi1>, vector<16xf32>
    %add3A_247 = arith.addf %add3A_235, %select_n3A_246 : vector<16xf32>
    %add3A_248 = arith.constant 272 : i32
    %add3A_249 = vector.broadcast %add3A_248 : i32 to vector<16xi32>
    %add3A_250 = arith.addi %add3A_249, %iota3A : vector<16xi32>
    %get3A_251 = arith.constant 0 : i32
    %get3A_252 = arith.index_cast %get3A_251 : i32 to index
    %get3A_253 = arith.constant 272 : index
    %get3A_254 = tpu.vector_load %arg5[%get3A_252, %get3A_253] {strides = array<i32>} : memref<2x1024xf32, #tpu.memory_space<vmem>>, vector<16xf32>,
    %lt3A_255 = arith.cmpi slt, %add3A_250, %gather3A : vector<16xi32>
    %jit3A_256 = arith.constant 0.000000e+00 : f32
    %broadcast_in_dim3A_257 = vector.broadcast %jit3A_256 : f32 to vector<16xf32>
    %select_n3A_258 = arith.select %lt3A_255, %get3A_254, %broadcast_in_dim3A_257 : vector<16xi1>, vector<16xf32>
    %add3A_259 = arith.addf %add3A_247, %select_n3A_258 : vector<16xf32>
    %add3A_260 = arith.constant 288 : i32
    %add3A_261 = vector.broadcast %add3A_260 : i32 to vector<16xi32>
    %add3A_262 = arith.addi %add3A_261, %iota3A : vector<16xi32>
    %get3A_263 = arith.constant 0 : i32
    %get3A_264 = arith.index_cast %get3A_263 : i32 to index
    %get3A_265 = arith.constant 288 : index
    %get3A_266 = tpu.vector_load %arg5[%get3A_264, %get3A_265] {strides = array<i32>} : memref<2x1024xf32, #tpu.memory_space<vmem>>, vector<16xf32>,
    %lt3A_267 = arith.cmpi slt, %add3A_262, %gather3A : vector<16xi32>
    %jit3A_268 = arith.constant 0.000000e+00 : f32
    %broadcast_in_dim3A_269 = vector.broadcast %jit3A_268 : f32 to vector<16xf32>
    %select_n3A_270 = arith.select %lt3A_267, %get3A_266, %broadcast_in_dim3A_269 : vector<16xi1>, vector<16xf32>
    %add3A_271 = arith.addf %add3A_259, %select_n3A_270 : vector<16xf32>
    %add3A_272 = arith.constant 304 : i32
    %add3A_273 = vector.broadcast %add3A_272 : i32 to vector<16xi32>
    %add3A_274 = arith.addi %add3A_273, %iota3A : vector<16xi32>
    %get3A_275 = arith.constant 0 : i32
    %get3A_276 = arith.index_cast %get3A_275 : i32 to index
    %get3A_277 = arith.constant 304 : index
    %get3A_278 = tpu.vector_load %arg5[%get3A_276, %get3A_277] {strides = array<i32>} : memref<2x1024xf32, #tpu.memory_space<vmem>>, vector<16xf32>,
    %lt3A_279 = arith.cmpi slt, %add3A_274, %gather3A : vector<16xi32>
    %jit3A_280 = arith.constant 0.000000e+00 : f32
    %broadcast_in_dim3A_281 = vector.broadcast %jit3A_280 : f32 to vector<16xf32>
    %select_n3A_282 = arith.select %lt3A_279, %get3A_278, %broadcast_in_dim3A_281 : vector<16xi1>, vector<16xf32>
    %add3A_283 = arith.addf %add3A_271, %select_n3A_282 : vector<16xf32>
    %add3A_284 = arith.constant 320 : i32
    %add3A_285 = vector.broadcast %add3A_284 : i32 to vector<16xi32>
    %add3A_286 = arith.addi %add3A_285, %iota3A : vector<16xi32>
    %get3A_287 = arith.constant 0 : i32
    %get3A_288 = arith.index_cast %get3A_287 : i32 to index
    %get3A_289 = arith.constant 320 : index
    %get3A_290 = tpu.vector_load %arg5[%get3A_288, %get3A_289] {strides = array<i32>} : memref<2x1024xf32, #tpu.memory_space<vmem>>, vector<16xf32>,
    %lt3A_291 = arith.cmpi slt, %add3A_286, %gather3A : vector<16xi32>
    %jit3A_292 = arith.constant 0.000000e+00 : f32
    %broadcast_in_dim3A_293 = vector.broadcast %jit3A_292 : f32 to vector<16xf32>
    %select_n3A_294 = arith.select %lt3A_291, %get3A_290, %broadcast_in_dim3A_293 : vector<16xi1>, vector<16xf32>
    %add3A_295 = arith.addf %add3A_283, %select_n3A_294 : vector<16xf32>
    %add3A_296 = arith.constant 336 : i32
    %add3A_297 = vector.broadcast %add3A_296 : i32 to vector<16xi32>
    %add3A_298 = arith.addi %add3A_297, %iota3A : vector<16xi32>
    %get3A_299 = arith.constant 0 : i32
    %get3A_300 = arith.index_cast %get3A_299 : i32 to index
    %get3A_301 = arith.constant 336 : index
    %get3A_302 = tpu.vector_load %arg5[%get3A_300, %get3A_301] {strides = array<i32>} : memref<2x1024xf32, #tpu.memory_space<vmem>>, vector<16xf32>,
    %lt3A_303 = arith.cmpi slt, %add3A_298, %gather3A : vector<16xi32>
    %jit3A_304 = arith.constant 0.000000e+00 : f32
    %broadcast_in_dim3A_305 = vector.broadcast %jit3A_304 : f32 to vector<16xf32>
    %select_n3A_306 = arith.select %lt3A_303, %get3A_302, %broadcast_in_dim3A_305 : vector<16xi1>, vector<16xf32>
    %add3A_307 = arith.addf %add3A_295, %select_n3A_306 : vector<16xf32>
    %add3A_308 = arith.constant 352 : i32
    %add3A_309 = vector.broadcast %add3A_308 : i32 to vector<16xi32>
    %add3A_310 = arith.addi %add3A_309, %iota3A : vector<16xi32>
    %get3A_311 = arith.constant 0 : i32
    %get3A_312 = arith.index_cast %get3A_311 : i32 to index
    %get3A_313 = arith.constant 352 : index
    %get3A_314 = tpu.vector_load %arg5[%get3A_312, %get3A_313] {strides = array<i32>} : memref<2x1024xf32, #tpu.memory_space<vmem>>, vector<16xf32>,
    %lt3A_315 = arith.cmpi slt, %add3A_310, %gather3A : vector<16xi32>
    %jit3A_316 = arith.constant 0.000000e+00 : f32
    %broadcast_in_dim3A_317 = vector.broadcast %jit3A_316 : f32 to vector<16xf32>
    %select_n3A_318 = arith.select %lt3A_315, %get3A_314, %broadcast_in_dim3A_317 : vector<16xi1>, vector<16xf32>
    %add3A_319 = arith.addf %add3A_307, %select_n3A_318 : vector<16xf32>
    %add3A_320 = arith.constant 368 : i32
    %add3A_321 = vector.broadcast %add3A_320 : i32 to vector<16xi32>
    %add3A_322 = arith.addi %add3A_321, %iota3A : vector<16xi32>
    %get3A_323 = arith.constant 0 : i32
    %get3A_324 = arith.index_cast %get3A_323 : i32 to index
    %get3A_325 = arith.constant 368 : index
    %get3A_326 = tpu.vector_load %arg5[%get3A_324, %get3A_325] {strides = array<i32>} : memref<2x1024xf32, #tpu.memory_space<vmem>>, vector<16xf32>,
    %lt3A_327 = arith.cmpi slt, %add3A_322, %gather3A : vector<16xi32>
    %jit3A_328 = arith.constant 0.000000e+00 : f32
    %broadcast_in_dim3A_329 = vector.broadcast %jit3A_328 : f32 to vector<16xf32>
    %select_n3A_330 = arith.select %lt3A_327, %get3A_326, %broadcast_in_dim3A_329 : vector<16xi1>, vector<16xf32>
    %add3A_331 = arith.addf %add3A_319, %select_n3A_330 : vector<16xf32>
    %add3A_332 = arith.constant 384 : i32
    %add3A_333 = vector.broadcast %add3A_332 : i32 to vector<16xi32>
    %add3A_334 = arith.addi %add3A_333, %iota3A : vector<16xi32>
    %get3A_335 = arith.constant 0 : i32
    %get3A_336 = arith.index_cast %get3A_335 : i32 to index
    %get3A_337 = arith.constant 384 : index
    %get3A_338 = tpu.vector_load %arg5[%get3A_336, %get3A_337] {strides = array<i32>} : memref<2x1024xf32, #tpu.memory_space<vmem>>, vector<16xf32>,
    %lt3A_339 = arith.cmpi slt, %add3A_334, %gather3A : vector<16xi32>
    %jit3A_340 = arith.constant 0.000000e+00 : f32
    %broadcast_in_dim3A_341 = vector.broadcast %jit3A_340 : f32 to vector<16xf32>
    %select_n3A_342 = arith.select %lt3A_339, %get3A_338, %broadcast_in_dim3A_341 : vector<16xi1>, vector<16xf32>
    %add3A_343 = arith.addf %add3A_331, %select_n3A_342 : vector<16xf32>
    %add3A_344 = arith.constant 400 : i32
    %add3A_345 = vector.broadcast %add3A_344 : i32 to vector<16xi32>
    %add3A_346 = arith.addi %add3A_345, %iota3A : vector<16xi32>
    %get3A_347 = arith.constant 0 : i32
    %get3A_348 = arith.index_cast %get3A_347 : i32 to index
    %get3A_349 = arith.constant 400 : index
    %get3A_350 = tpu.vector_load %arg5[%get3A_348, %get3A_349] {strides = array<i32>} : memref<2x1024xf32, #tpu.memory_space<vmem>>, vector<16xf32>,
    %lt3A_351 = arith.cmpi slt, %add3A_346, %gather3A : vector<16xi32>
    %jit3A_352 = arith.constant 0.000000e+00 : f32
    %broadcast_in_dim3A_353 = vector.broadcast %jit3A_352 : f32 to vector<16xf32>
    %select_n3A_354 = arith.select %lt3A_351, %get3A_350, %broadcast_in_dim3A_353 : vector<16xi1>, vector<16xf32>
    %add3A_355 = arith.addf %add3A_343, %select_n3A_354 : vector<16xf32>
    %add3A_356 = arith.constant 416 : i32
    %add3A_357 = vector.broadcast %add3A_356 : i32 to vector<16xi32>
    %add3A_358 = arith.addi %add3A_357, %iota3A : vector<16xi32>
    %get3A_359 = arith.constant 0 : i32
    %get3A_360 = arith.index_cast %get3A_359 : i32 to index
    %get3A_361 = arith.constant 416 : index
    %get3A_362 = tpu.vector_load %arg5[%get3A_360, %get3A_361] {strides = array<i32>} : memref<2x1024xf32, #tpu.memory_space<vmem>>, vector<16xf32>,
    %lt3A_363 = arith.cmpi slt, %add3A_358, %gather3A : vector<16xi32>
    %jit3A_364 = arith.constant 0.000000e+00 : f32
    %broadcast_in_dim3A_365 = vector.broadcast %jit3A_364 : f32 to vector<16xf32>
    %select_n3A_366 = arith.select %lt3A_363, %get3A_362, %broadcast_in_dim3A_365 : vector<16xi1>, vector<16xf32>
    %add3A_367 = arith.addf %add3A_355, %select_n3A_366 : vector<16xf32>
    %add3A_368 = arith.constant 432 : i32
    %add3A_369 = vector.broadcast %add3A_368 : i32 to vector<16xi32>
    %add3A_370 = arith.addi %add3A_369, %iota3A : vector<16xi32>
    %get3A_371 = arith.constant 0 : i32
    %get3A_372 = arith.index_cast %get3A_371 : i32 to index
    %get3A_373 = arith.constant 432 : index
    %get3A_374 = tpu.vector_load %arg5[%get3A_372, %get3A_373] {strides = array<i32>} : memref<2x1024xf32, #tpu.memory_space<vmem>>, vector<16xf32>,
    %lt3A_375 = arith.cmpi slt, %add3A_370, %gather3A : vector<16xi32>
    %jit3A_376 = arith.constant 0.000000e+00 : f32
    %broadcast_in_dim3A_377 = vector.broadcast %jit3A_376 : f32 to vector<16xf32>
    %select_n3A_378 = arith.select %lt3A_375, %get3A_374, %broadcast_in_dim3A_377 : vector<16xi1>, vector<16xf32>
    %add3A_379 = arith.addf %add3A_367, %select_n3A_378 : vector<16xf32>
    %add3A_380 = arith.constant 448 : i32
    %add3A_381 = vector.broadcast %add3A_380 : i32 to vector<16xi32>
    %add3A_382 = arith.addi %add3A_381, %iota3A : vector<16xi32>
    %get3A_383 = arith.constant 0 : i32
    %get3A_384 = arith.index_cast %get3A_383 : i32 to index
    %get3A_385 = arith.constant 448 : index
    %get3A_386 = tpu.vector_load %arg5[%get3A_384, %get3A_385] {strides = array<i32>} : memref<2x1024xf32, #tpu.memory_space<vmem>>, vector<16xf32>,
    %lt3A_387 = arith.cmpi slt, %add3A_382, %gather3A : vector<16xi32>
    %jit3A_388 = arith.constant 0.000000e+00 : f32
    %broadcast_in_dim3A_389 = vector.broadcast %jit3A_388 : f32 to vector<16xf32>
    %select_n3A_390 = arith.select %lt3A_387, %get3A_386, %broadcast_in_dim3A_389 : vector<16xi1>, vector<16xf32>
    %add3A_391 = arith.addf %add3A_379, %select_n3A_390 : vector<16xf32>
    %add3A_392 = arith.constant 464 : i32
    %add3A_393 = vector.broadcast %add3A_392 : i32 to vector<16xi32>
    %add3A_394 = arith.addi %add3A_393, %iota3A : vector<16xi32>
    %get3A_395 = arith.constant 0 : i32
    %get3A_396 = arith.index_cast %get3A_395 : i32 to index
    %get3A_397 = arith.constant 464 : index
    %get3A_398 = tpu.vector_load %arg5[%get3A_396, %get3A_397] {strides = array<i32>} : memref<2x1024xf32, #tpu.memory_space<vmem>>, vector<16xf32>,
    %lt3A_399 = arith.cmpi slt, %add3A_394, %gather3A : vector<16xi32>
    %jit3A_400 = arith.constant 0.000000e+00 : f32
    %broadcast_in_dim3A_401 = vector.broadcast %jit3A_400 : f32 to vector<16xf32>
    %select_n3A_402 = arith.select %lt3A_399, %get3A_398, %broadcast_in_dim3A_401 : vector<16xi1>, vector<16xf32>
    %add3A_403 = arith.addf %add3A_391, %select_n3A_402 : vector<16xf32>
    %add3A_404 = arith.constant 480 : i32
    %add3A_405 = vector.broadcast %add3A_404 : i32 to vector<16xi32>
    %add3A_406 = arith.addi %add3A_405, %iota3A : vector<16xi32>
    %get3A_407 = arith.constant 0 : i32
    %get3A_408 = arith.index_cast %get3A_407 : i32 to index
    %get3A_409 = arith.constant 480 : index
    %get3A_410 = tpu.vector_load %arg5[%get3A_408, %get3A_409] {strides = array<i32>} : memref<2x1024xf32, #tpu.memory_space<vmem>>, vector<16xf32>,
    %lt3A_411 = arith.cmpi slt, %add3A_406, %gather3A : vector<16xi32>
    %jit3A_412 = arith.constant 0.000000e+00 : f32
    %broadcast_in_dim3A_413 = vector.broadcast %jit3A_412 : f32 to vector<16xf32>
    %select_n3A_414 = arith.select %lt3A_411, %get3A_410, %broadcast_in_dim3A_413 : vector<16xi1>, vector<16xf32>
    %add3A_415 = arith.addf %add3A_403, %select_n3A_414 : vector<16xf32>
    %add3A_416 = arith.constant 496 : i32
    %add3A_417 = vector.broadcast %add3A_416 : i32 to vector<16xi32>
    %add3A_418 = arith.addi %add3A_417, %iota3A : vector<16xi32>
    %get3A_419 = arith.constant 0 : i32
    %get3A_420 = arith.index_cast %get3A_419 : i32 to index
    %get3A_421 = arith.constant 496 : index
    %get3A_422 = tpu.vector_load %arg5[%get3A_420, %get3A_421] {strides = array<i32>} : memref<2x1024xf32, #tpu.memory_space<vmem>>, vector<16xf32>,
    %lt3A_423 = arith.cmpi slt, %add3A_418, %gather3A : vector<16xi32>
    %jit3A_424 = arith.constant 0.000000e+00 : f32
    %broadcast_in_dim3A_425 = vector.broadcast %jit3A_424 : f32 to vector<16xf32>
    %select_n3A_426 = arith.select %lt3A_423, %get3A_422, %broadcast_in_dim3A_425 : vector<16xi1>, vector<16xf32>
    %add3A_427 = arith.addf %add3A_415, %select_n3A_426 : vector<16xf32>
    %add3A_428 = arith.constant 512 : i32
    %add3A_429 = vector.broadcast %add3A_428 : i32 to vector<16xi32>
    %add3A_430 = arith.addi %add3A_429, %iota3A : vector<16xi32>
    %get3A_431 = arith.constant 0 : i32
    %get3A_432 = arith.index_cast %get3A_431 : i32 to index
    %get3A_433 = arith.constant 512 : index
    %get3A_434 = tpu.vector_load %arg5[%get3A_432, %get3A_433] {strides = array<i32>} : memref<2x1024xf32, #tpu.memory_space<vmem>>, vector<16xf32>,
    %lt3A_435 = arith.cmpi slt, %add3A_430, %gather3A : vector<16xi32>
    %jit3A_436 = arith.constant 0.000000e+00 : f32
    %broadcast_in_dim3A_437 = vector.broadcast %jit3A_436 : f32 to vector<16xf32>
    %select_n3A_438 = arith.select %lt3A_435, %get3A_434, %broadcast_in_dim3A_437 : vector<16xi1>, vector<16xf32>
    %add3A_439 = arith.addf %add3A_427, %select_n3A_438 : vector<16xf32>
    %add3A_440 = arith.constant 528 : i32
    %add3A_441 = vector.broadcast %add3A_440 : i32 to vector<16xi32>
    %add3A_442 = arith.addi %add3A_441, %iota3A : vector<16xi32>
    %get3A_443 = arith.constant 0 : i32
    %get3A_444 = arith.index_cast %get3A_443 : i32 to index
    %get3A_445 = arith.constant 528 : index
    %get3A_446 = tpu.vector_load %arg5[%get3A_444, %get3A_445] {strides = array<i32>} : memref<2x1024xf32, #tpu.memory_space<vmem>>, vector<16xf32>,
    %lt3A_447 = arith.cmpi slt, %add3A_442, %gather3A : vector<16xi32>
    %jit3A_448 = arith.constant 0.000000e+00 : f32
    %broadcast_in_dim3A_449 = vector.broadcast %jit3A_448 : f32 to vector<16xf32>
    %select_n3A_450 = arith.select %lt3A_447, %get3A_446, %broadcast_in_dim3A_449 : vector<16xi1>, vector<16xf32>
    %add3A_451 = arith.addf %add3A_439, %select_n3A_450 : vector<16xf32>
    %add3A_452 = arith.constant 544 : i32
    %add3A_453 = vector.broadcast %add3A_452 : i32 to vector<16xi32>
    %add3A_454 = arith.addi %add3A_453, %iota3A : vector<16xi32>
    %get3A_455 = arith.constant 0 : i32
    %get3A_456 = arith.index_cast %get3A_455 : i32 to index
    %get3A_457 = arith.constant 544 : index
    %get3A_458 = tpu.vector_load %arg5[%get3A_456, %get3A_457] {strides = array<i32>} : memref<2x1024xf32, #tpu.memory_space<vmem>>, vector<16xf32>,
    %lt3A_459 = arith.cmpi slt, %add3A_454, %gather3A : vector<16xi32>
    %jit3A_460 = arith.constant 0.000000e+00 : f32
    %broadcast_in_dim3A_461 = vector.broadcast %jit3A_460 : f32 to vector<16xf32>
    %select_n3A_462 = arith.select %lt3A_459, %get3A_458, %broadcast_in_dim3A_461 : vector<16xi1>, vector<16xf32>
    %add3A_463 = arith.addf %add3A_451, %select_n3A_462 : vector<16xf32>
    %add3A_464 = arith.constant 560 : i32
    %add3A_465 = vector.broadcast %add3A_464 : i32 to vector<16xi32>
    %add3A_466 = arith.addi %add3A_465, %iota3A : vector<16xi32>
    %get3A_467 = arith.constant 0 : i32
    %get3A_468 = arith.index_cast %get3A_467 : i32 to index
    %get3A_469 = arith.constant 560 : index
    %get3A_470 = tpu.vector_load %arg5[%get3A_468, %get3A_469] {strides = array<i32>} : memref<2x1024xf32, #tpu.memory_space<vmem>>, vector<16xf32>,
    %lt3A_471 = arith.cmpi slt, %add3A_466, %gather3A : vector<16xi32>
    %jit3A_472 = arith.constant 0.000000e+00 : f32
    %broadcast_in_dim3A_473 = vector.broadcast %jit3A_472 : f32 to vector<16xf32>
    %select_n3A_474 = arith.select %lt3A_471, %get3A_470, %broadcast_in_dim3A_473 : vector<16xi1>, vector<16xf32>
    %add3A_475 = arith.addf %add3A_463, %select_n3A_474 : vector<16xf32>
    %add3A_476 = arith.constant 576 : i32
    %add3A_477 = vector.broadcast %add3A_476 : i32 to vector<16xi32>
    %add3A_478 = arith.addi %add3A_477, %iota3A : vector<16xi32>
    %get3A_479 = arith.constant 0 : i32
    %get3A_480 = arith.index_cast %get3A_479 : i32 to index
    %get3A_481 = arith.constant 576 : index
    %get3A_482 = tpu.vector_load %arg5[%get3A_480, %get3A_481] {strides = array<i32>} : memref<2x1024xf32, #tpu.memory_space<vmem>>, vector<16xf32>,
    %lt3A_483 = arith.cmpi slt, %add3A_478, %gather3A : vector<16xi32>
    %jit3A_484 = arith.constant 0.000000e+00 : f32
    %broadcast_in_dim3A_485 = vector.broadcast %jit3A_484 : f32 to vector<16xf32>
    %select_n3A_486 = arith.select %lt3A_483, %get3A_482, %broadcast_in_dim3A_485 : vector<16xi1>, vector<16xf32>
    %add3A_487 = arith.addf %add3A_475, %select_n3A_486 : vector<16xf32>
    %add3A_488 = arith.constant 592 : i32
    %add3A_489 = vector.broadcast %add3A_488 : i32 to vector<16xi32>
    %add3A_490 = arith.addi %add3A_489, %iota3A : vector<16xi32>
    %get3A_491 = arith.constant 0 : i32
    %get3A_492 = arith.index_cast %get3A_491 : i32 to index
    %get3A_493 = arith.constant 592 : index
    %get3A_494 = tpu.vector_load %arg5[%get3A_492, %get3A_493] {strides = array<i32>} : memref<2x1024xf32, #tpu.memory_space<vmem>>, vector<16xf32>,
    %lt3A_495 = arith.cmpi slt, %add3A_490, %gather3A : vector<16xi32>
    %jit3A_496 = arith.constant 0.000000e+00 : f32
    %broadcast_in_dim3A_497 = vector.broadcast %jit3A_496 : f32 to vector<16xf32>
    %select_n3A_498 = arith.select %lt3A_495, %get3A_494, %broadcast_in_dim3A_497 : vector<16xi1>, vector<16xf32>
    %add3A_499 = arith.addf %add3A_487, %select_n3A_498 : vector<16xf32>
    %add3A_500 = arith.constant 608 : i32
    %add3A_501 = vector.broadcast %add3A_500 : i32 to vector<16xi32>
    %add3A_502 = arith.addi %add3A_501, %iota3A : vector<16xi32>
    %get3A_503 = arith.constant 0 : i32
    %get3A_504 = arith.index_cast %get3A_503 : i32 to index
    %get3A_505 = arith.constant 608 : index
    %get3A_506 = tpu.vector_load %arg5[%get3A_504, %get3A_505] {strides = array<i32>} : memref<2x1024xf32, #tpu.memory_space<vmem>>, vector<16xf32>,
    %lt3A_507 = arith.cmpi slt, %add3A_502, %gather3A : vector<16xi32>
    %jit3A_508 = arith.constant 0.000000e+00 : f32
    %broadcast_in_dim3A_509 = vector.broadcast %jit3A_508 : f32 to vector<16xf32>
    %select_n3A_510 = arith.select %lt3A_507, %get3A_506, %broadcast_in_dim3A_509 : vector<16xi1>, vector<16xf32>
    %add3A_511 = arith.addf %add3A_499, %select_n3A_510 : vector<16xf32>
    %add3A_512 = arith.constant 624 : i32
    %add3A_513 = vector.broadcast %add3A_512 : i32 to vector<16xi32>
    %add3A_514 = arith.addi %add3A_513, %iota3A : vector<16xi32>
    %get3A_515 = arith.constant 0 : i32
    %get3A_516 = arith.index_cast %get3A_515 : i32 to index
    %get3A_517 = arith.constant 624 : index
    %get3A_518 = tpu.vector_load %arg5[%get3A_516, %get3A_517] {strides = array<i32>} : memref<2x1024xf32, #tpu.memory_space<vmem>>, vector<16xf32>,
    %lt3A_519 = arith.cmpi slt, %add3A_514, %gather3A : vector<16xi32>
    %jit3A_520 = arith.constant 0.000000e+00 : f32
    %broadcast_in_dim3A_521 = vector.broadcast %jit3A_520 : f32 to vector<16xf32>
    %select_n3A_522 = arith.select %lt3A_519, %get3A_518, %broadcast_in_dim3A_521 : vector<16xi1>, vector<16xf32>
    %add3A_523 = arith.addf %add3A_511, %select_n3A_522 : vector<16xf32>
    %add3A_524 = arith.constant 640 : i32
    %add3A_525 = vector.broadcast %add3A_524 : i32 to vector<16xi32>
    %add3A_526 = arith.addi %add3A_525, %iota3A : vector<16xi32>
    %get3A_527 = arith.constant 0 : i32
    %get3A_528 = arith.index_cast %get3A_527 : i32 to index
    %get3A_529 = arith.constant 640 : index
    %get3A_530 = tpu.vector_load %arg5[%get3A_528, %get3A_529] {strides = array<i32>} : memref<2x1024xf32, #tpu.memory_space<vmem>>, vector<16xf32>,
    %lt3A_531 = arith.cmpi slt, %add3A_526, %gather3A : vector<16xi32>
    %jit3A_532 = arith.constant 0.000000e+00 : f32
    %broadcast_in_dim3A_533 = vector.broadcast %jit3A_532 : f32 to vector<16xf32>
    %select_n3A_534 = arith.select %lt3A_531, %get3A_530, %broadcast_in_dim3A_533 : vector<16xi1>, vector<16xf32>
    %add3A_535 = arith.addf %add3A_523, %select_n3A_534 : vector<16xf32>
    %add3A_536 = arith.constant 656 : i32
    %add3A_537 = vector.broadcast %add3A_536 : i32 to vector<16xi32>
    %add3A_538 = arith.addi %add3A_537, %iota3A : vector<16xi32>
    %get3A_539 = arith.constant 0 : i32
    %get3A_540 = arith.index_cast %get3A_539 : i32 to index
    %get3A_541 = arith.constant 656 : index
    %get3A_542 = tpu.vector_load %arg5[%get3A_540, %get3A_541] {strides = array<i32>} : memref<2x1024xf32, #tpu.memory_space<vmem>>, vector<16xf32>,
    %lt3A_543 = arith.cmpi slt, %add3A_538, %gather3A : vector<16xi32>
    %jit3A_544 = arith.constant 0.000000e+00 : f32
    %broadcast_in_dim3A_545 = vector.broadcast %jit3A_544 : f32 to vector<16xf32>
    %select_n3A_546 = arith.select %lt3A_543, %get3A_542, %broadcast_in_dim3A_545 : vector<16xi1>, vector<16xf32>
    %add3A_547 = arith.addf %add3A_535, %select_n3A_546 : vector<16xf32>
    %add3A_548 = arith.constant 672 : i32
    %add3A_549 = vector.broadcast %add3A_548 : i32 to vector<16xi32>
    %add3A_550 = arith.addi %add3A_549, %iota3A : vector<16xi32>
    %get3A_551 = arith.constant 0 : i32
    %get3A_552 = arith.index_cast %get3A_551 : i32 to index
    %get3A_553 = arith.constant 672 : index
    %get3A_554 = tpu.vector_load %arg5[%get3A_552, %get3A_553] {strides = array<i32>} : memref<2x1024xf32, #tpu.memory_space<vmem>>, vector<16xf32>,
    %lt3A_555 = arith.cmpi slt, %add3A_550, %gather3A : vector<16xi32>
    %jit3A_556 = arith.constant 0.000000e+00 : f32
    %broadcast_in_dim3A_557 = vector.broadcast %jit3A_556 : f32 to vector<16xf32>
    %select_n3A_558 = arith.select %lt3A_555, %get3A_554, %broadcast_in_dim3A_557 : vector<16xi1>, vector<16xf32>
    %add3A_559 = arith.addf %add3A_547, %select_n3A_558 : vector<16xf32>
    %add3A_560 = arith.constant 688 : i32
    %add3A_561 = vector.broadcast %add3A_560 : i32 to vector<16xi32>
    %add3A_562 = arith.addi %add3A_561, %iota3A : vector<16xi32>
    %get3A_563 = arith.constant 0 : i32
    %get3A_564 = arith.index_cast %get3A_563 : i32 to index
    %get3A_565 = arith.constant 688 : index
    %get3A_566 = tpu.vector_load %arg5[%get3A_564, %get3A_565] {strides = array<i32>} : memref<2x1024xf32, #tpu.memory_space<vmem>>, vector<16xf32>,
    %lt3A_567 = arith.cmpi slt, %add3A_562, %gather3A : vector<16xi32>
    %jit3A_568 = arith.constant 0.000000e+00 : f32
    %broadcast_in_dim3A_569 = vector.broadcast %jit3A_568 : f32 to vector<16xf32>
    %select_n3A_570 = arith.select %lt3A_567, %get3A_566, %broadcast_in_dim3A_569 : vector<16xi1>, vector<16xf32>
    %add3A_571 = arith.addf %add3A_559, %select_n3A_570 : vector<16xf32>
    %add3A_572 = arith.constant 704 : i32
    %add3A_573 = vector.broadcast %add3A_572 : i32 to vector<16xi32>
    %add3A_574 = arith.addi %add3A_573, %iota3A : vector<16xi32>
    %get3A_575 = arith.constant 0 : i32
    %get3A_576 = arith.index_cast %get3A_575 : i32 to index
    %get3A_577 = arith.constant 704 : index
    %get3A_578 = tpu.vector_load %arg5[%get3A_576, %get3A_577] {strides = array<i32>} : memref<2x1024xf32, #tpu.memory_space<vmem>>, vector<16xf32>,
    %lt3A_579 = arith.cmpi slt, %add3A_574, %gather3A : vector<16xi32>
    %jit3A_580 = arith.constant 0.000000e+00 : f32
    %broadcast_in_dim3A_581 = vector.broadcast %jit3A_580 : f32 to vector<16xf32>
    %select_n3A_582 = arith.select %lt3A_579, %get3A_578, %broadcast_in_dim3A_581 : vector<16xi1>, vector<16xf32>
    %add3A_583 = arith.addf %add3A_571, %select_n3A_582 : vector<16xf32>
    %add3A_584 = arith.constant 720 : i32
    %add3A_585 = vector.broadcast %add3A_584 : i32 to vector<16xi32>
    %add3A_586 = arith.addi %add3A_585, %iota3A : vector<16xi32>
    %get3A_587 = arith.constant 0 : i32
    %get3A_588 = arith.index_cast %get3A_587 : i32 to index
    %get3A_589 = arith.constant 720 : index
    %get3A_590 = tpu.vector_load %arg5[%get3A_588, %get3A_589] {strides = array<i32>} : memref<2x1024xf32, #tpu.memory_space<vmem>>, vector<16xf32>,
    %lt3A_591 = arith.cmpi slt, %add3A_586, %gather3A : vector<16xi32>
    %jit3A_592 = arith.constant 0.000000e+00 : f32
    %broadcast_in_dim3A_593 = vector.broadcast %jit3A_592 : f32 to vector<16xf32>
    %select_n3A_594 = arith.select %lt3A_591, %get3A_590, %broadcast_in_dim3A_593 : vector<16xi1>, vector<16xf32>
    %add3A_595 = arith.addf %add3A_583, %select_n3A_594 : vector<16xf32>
    %add3A_596 = arith.constant 736 : i32
    %add3A_597 = vector.broadcast %add3A_596 : i32 to vector<16xi32>
    %add3A_598 = arith.addi %add3A_597, %iota3A : vector<16xi32>
    %get3A_599 = arith.constant 0 : i32
    %get3A_600 = arith.index_cast %get3A_599 : i32 to index
    %get3A_601 = arith.constant 736 : index
    %get3A_602 = tpu.vector_load %arg5[%get3A_600, %get3A_601] {strides = array<i32>} : memref<2x1024xf32, #tpu.memory_space<vmem>>, vector<16xf32>,
    %lt3A_603 = arith.cmpi slt, %add3A_598, %gather3A : vector<16xi32>
    %jit3A_604 = arith.constant 0.000000e+00 : f32
    %broadcast_in_dim3A_605 = vector.broadcast %jit3A_604 : f32 to vector<16xf32>
    %select_n3A_606 = arith.select %lt3A_603, %get3A_602, %broadcast_in_dim3A_605 : vector<16xi1>, vector<16xf32>
    %add3A_607 = arith.addf %add3A_595, %select_n3A_606 : vector<16xf32>
    %add3A_608 = arith.constant 752 : i32
    %add3A_609 = vector.broadcast %add3A_608 : i32 to vector<16xi32>
    %add3A_610 = arith.addi %add3A_609, %iota3A : vector<16xi32>
    %get3A_611 = arith.constant 0 : i32
    %get3A_612 = arith.index_cast %get3A_611 : i32 to index
    %get3A_613 = arith.constant 752 : index
    %get3A_614 = tpu.vector_load %arg5[%get3A_612, %get3A_613] {strides = array<i32>} : memref<2x1024xf32, #tpu.memory_space<vmem>>, vector<16xf32>,
    %lt3A_615 = arith.cmpi slt, %add3A_610, %gather3A : vector<16xi32>
    %jit3A_616 = arith.constant 0.000000e+00 : f32
    %broadcast_in_dim3A_617 = vector.broadcast %jit3A_616 : f32 to vector<16xf32>
    %select_n3A_618 = arith.select %lt3A_615, %get3A_614, %broadcast_in_dim3A_617 : vector<16xi1>, vector<16xf32>
    %add3A_619 = arith.addf %add3A_607, %select_n3A_618 : vector<16xf32>
    %add3A_620 = arith.constant 768 : i32
    %add3A_621 = vector.broadcast %add3A_620 : i32 to vector<16xi32>
    %add3A_622 = arith.addi %add3A_621, %iota3A : vector<16xi32>
    %get3A_623 = arith.constant 0 : i32
    %get3A_624 = arith.index_cast %get3A_623 : i32 to index
    %get3A_625 = arith.constant 768 : index
    %get3A_626 = tpu.vector_load %arg5[%get3A_624, %get3A_625] {strides = array<i32>} : memref<2x1024xf32, #tpu.memory_space<vmem>>, vector<16xf32>,
    %lt3A_627 = arith.cmpi slt, %add3A_622, %gather3A : vector<16xi32>
    %jit3A_628 = arith.constant 0.000000e+00 : f32
    %broadcast_in_dim3A_629 = vector.broadcast %jit3A_628 : f32 to vector<16xf32>
    %select_n3A_630 = arith.select %lt3A_627, %get3A_626, %broadcast_in_dim3A_629 : vector<16xi1>, vector<16xf32>
    %add3A_631 = arith.addf %add3A_619, %select_n3A_630 : vector<16xf32>
    %add3A_632 = arith.constant 784 : i32
    %add3A_633 = vector.broadcast %add3A_632 : i32 to vector<16xi32>
    %add3A_634 = arith.addi %add3A_633, %iota3A : vector<16xi32>
    %get3A_635 = arith.constant 0 : i32
    %get3A_636 = arith.index_cast %get3A_635 : i32 to index
    %get3A_637 = arith.constant 784 : index
    %get3A_638 = tpu.vector_load %arg5[%get3A_636, %get3A_637] {strides = array<i32>} : memref<2x1024xf32, #tpu.memory_space<vmem>>, vector<16xf32>,
    %lt3A_639 = arith.cmpi slt, %add3A_634, %gather3A : vector<16xi32>
    %jit3A_640 = arith.constant 0.000000e+00 : f32
    %broadcast_in_dim3A_641 = vector.broadcast %jit3A_640 : f32 to vector<16xf32>
    %select_n3A_642 = arith.select %lt3A_639, %get3A_638, %broadcast_in_dim3A_641 : vector<16xi1>, vector<16xf32>
    %add3A_643 = arith.addf %add3A_631, %select_n3A_642 : vector<16xf32>
    %add3A_644 = arith.constant 800 : i32
    %add3A_645 = vector.broadcast %add3A_644 : i32 to vector<16xi32>
    %add3A_646 = arith.addi %add3A_645, %iota3A : vector<16xi32>
    %get3A_647 = arith.constant 0 : i32
    %get3A_648 = arith.index_cast %get3A_647 : i32 to index
    %get3A_649 = arith.constant 800 : index
    %get3A_650 = tpu.vector_load %arg5[%get3A_648, %get3A_649] {strides = array<i32>} : memref<2x1024xf32, #tpu.memory_space<vmem>>, vector<16xf32>,
    %lt3A_651 = arith.cmpi slt, %add3A_646, %gather3A : vector<16xi32>
    %jit3A_652 = arith.constant 0.000000e+00 : f32
    %broadcast_in_dim3A_653 = vector.broadcast %jit3A_652 : f32 to vector<16xf32>
    %select_n3A_654 = arith.select %lt3A_651, %get3A_650, %broadcast_in_dim3A_653 : vector<16xi1>, vector<16xf32>
    %add3A_655 = arith.addf %add3A_643, %select_n3A_654 : vector<16xf32>
    %add3A_656 = arith.constant 816 : i32
    %add3A_657 = vector.broadcast %add3A_656 : i32 to vector<16xi32>
    %add3A_658 = arith.addi %add3A_657, %iota3A : vector<16xi32>
    %get3A_659 = arith.constant 0 : i32
    %get3A_660 = arith.index_cast %get3A_659 : i32 to index
    %get3A_661 = arith.constant 816 : index
    %get3A_662 = tpu.vector_load %arg5[%get3A_660, %get3A_661] {strides = array<i32>} : memref<2x1024xf32, #tpu.memory_space<vmem>>, vector<16xf32>,
    %lt3A_663 = arith.cmpi slt, %add3A_658, %gather3A : vector<16xi32>
    %jit3A_664 = arith.constant 0.000000e+00 : f32
    %broadcast_in_dim3A_665 = vector.broadcast %jit3A_664 : f32 to vector<16xf32>
    %select_n3A_666 = arith.select %lt3A_663, %get3A_662, %broadcast_in_dim3A_665 : vector<16xi1>, vector<16xf32>
    %add3A_667 = arith.addf %add3A_655, %select_n3A_666 : vector<16xf32>
    %add3A_668 = arith.constant 832 : i32
    %add3A_669 = vector.broadcast %add3A_668 : i32 to vector<16xi32>
    %add3A_670 = arith.addi %add3A_669, %iota3A : vector<16xi32>
    %get3A_671 = arith.constant 0 : i32
    %get3A_672 = arith.index_cast %get3A_671 : i32 to index
    %get3A_673 = arith.constant 832 : index
    %get3A_674 = tpu.vector_load %arg5[%get3A_672, %get3A_673] {strides = array<i32>} : memref<2x1024xf32, #tpu.memory_space<vmem>>, vector<16xf32>,
    %lt3A_675 = arith.cmpi slt, %add3A_670, %gather3A : vector<16xi32>
    %jit3A_676 = arith.constant 0.000000e+00 : f32
    %broadcast_in_dim3A_677 = vector.broadcast %jit3A_676 : f32 to vector<16xf32>
    %select_n3A_678 = arith.select %lt3A_675, %get3A_674, %broadcast_in_dim3A_677 : vector<16xi1>, vector<16xf32>
    %add3A_679 = arith.addf %add3A_667, %select_n3A_678 : vector<16xf32>
    %add3A_680 = arith.constant 848 : i32
    %add3A_681 = vector.broadcast %add3A_680 : i32 to vector<16xi32>
    %add3A_682 = arith.addi %add3A_681, %iota3A : vector<16xi32>
    %get3A_683 = arith.constant 0 : i32
    %get3A_684 = arith.index_cast %get3A_683 : i32 to index
    %get3A_685 = arith.constant 848 : index
    %get3A_686 = tpu.vector_load %arg5[%get3A_684, %get3A_685] {strides = array<i32>} : memref<2x1024xf32, #tpu.memory_space<vmem>>, vector<16xf32>,
    %lt3A_687 = arith.cmpi slt, %add3A_682, %gather3A : vector<16xi32>
    %jit3A_688 = arith.constant 0.000000e+00 : f32
    %broadcast_in_dim3A_689 = vector.broadcast %jit3A_688 : f32 to vector<16xf32>
    %select_n3A_690 = arith.select %lt3A_687, %get3A_686, %broadcast_in_dim3A_689 : vector<16xi1>, vector<16xf32>
    %add3A_691 = arith.addf %add3A_679, %select_n3A_690 : vector<16xf32>
    %add3A_692 = arith.constant 864 : i32
    %add3A_693 = vector.broadcast %add3A_692 : i32 to vector<16xi32>
    %add3A_694 = arith.addi %add3A_693, %iota3A : vector<16xi32>
    %get3A_695 = arith.constant 0 : i32
    %get3A_696 = arith.index_cast %get3A_695 : i32 to index
    %get3A_697 = arith.constant 864 : index
    %get3A_698 = tpu.vector_load %arg5[%get3A_696, %get3A_697] {strides = array<i32>} : memref<2x1024xf32, #tpu.memory_space<vmem>>, vector<16xf32>,
    %lt3A_699 = arith.cmpi slt, %add3A_694, %gather3A : vector<16xi32>
    %jit3A_700 = arith.constant 0.000000e+00 : f32
    %broadcast_in_dim3A_701 = vector.broadcast %jit3A_700 : f32 to vector<16xf32>
    %select_n3A_702 = arith.select %lt3A_699, %get3A_698, %broadcast_in_dim3A_701 : vector<16xi1>, vector<16xf32>
    %add3A_703 = arith.addf %add3A_691, %select_n3A_702 : vector<16xf32>
    %add3A_704 = arith.constant 880 : i32
    %add3A_705 = vector.broadcast %add3A_704 : i32 to vector<16xi32>
    %add3A_706 = arith.addi %add3A_705, %iota3A : vector<16xi32>
    %get3A_707 = arith.constant 0 : i32
    %get3A_708 = arith.index_cast %get3A_707 : i32 to index
    %get3A_709 = arith.constant 880 : index
    %get3A_710 = tpu.vector_load %arg5[%get3A_708, %get3A_709] {strides = array<i32>} : memref<2x1024xf32, #tpu.memory_space<vmem>>, vector<16xf32>,
    %lt3A_711 = arith.cmpi slt, %add3A_706, %gather3A : vector<16xi32>
    %jit3A_712 = arith.constant 0.000000e+00 : f32
    %broadcast_in_dim3A_713 = vector.broadcast %jit3A_712 : f32 to vector<16xf32>
    %select_n3A_714 = arith.select %lt3A_711, %get3A_710, %broadcast_in_dim3A_713 : vector<16xi1>, vector<16xf32>
    %add3A_715 = arith.addf %add3A_703, %select_n3A_714 : vector<16xf32>
    %add3A_716 = arith.constant 896 : i32
    %add3A_717 = vector.broadcast %add3A_716 : i32 to vector<16xi32>
    %add3A_718 = arith.addi %add3A_717, %iota3A : vector<16xi32>
    %get3A_719 = arith.constant 0 : i32
    %get3A_720 = arith.index_cast %get3A_719 : i32 to index
    %get3A_721 = arith.constant 896 : index
    %get3A_722 = tpu.vector_load %arg5[%get3A_720, %get3A_721] {strides = array<i32>} : memref<2x1024xf32, #tpu.memory_space<vmem>>, vector<16xf32>,
    %lt3A_723 = arith.cmpi slt, %add3A_718, %gather3A : vector<16xi32>
    %jit3A_724 = arith.constant 0.000000e+00 : f32
    %broadcast_in_dim3A_725 = vector.broadcast %jit3A_724 : f32 to vector<16xf32>
    %select_n3A_726 = arith.select %lt3A_723, %get3A_722, %broadcast_in_dim3A_725 : vector<16xi1>, vector<16xf32>
    %add3A_727 = arith.addf %add3A_715, %select_n3A_726 : vector<16xf32>
    %add3A_728 = arith.constant 912 : i32
    %add3A_729 = vector.broadcast %add3A_728 : i32 to vector<16xi32>
    %add3A_730 = arith.addi %add3A_729, %iota3A : vector<16xi32>
    %get3A_731 = arith.constant 0 : i32
    %get3A_732 = arith.index_cast %get3A_731 : i32 to index
    %get3A_733 = arith.constant 912 : index
    %get3A_734 = tpu.vector_load %arg5[%get3A_732, %get3A_733] {strides = array<i32>} : memref<2x1024xf32, #tpu.memory_space<vmem>>, vector<16xf32>,
    %lt3A_735 = arith.cmpi slt, %add3A_730, %gather3A : vector<16xi32>
    %jit3A_736 = arith.constant 0.000000e+00 : f32
    %broadcast_in_dim3A_737 = vector.broadcast %jit3A_736 : f32 to vector<16xf32>
    %select_n3A_738 = arith.select %lt3A_735, %get3A_734, %broadcast_in_dim3A_737 : vector<16xi1>, vector<16xf32>
    %add3A_739 = arith.addf %add3A_727, %select_n3A_738 : vector<16xf32>
    %add3A_740 = arith.constant 928 : i32
    %add3A_741 = vector.broadcast %add3A_740 : i32 to vector<16xi32>
    %add3A_742 = arith.addi %add3A_741, %iota3A : vector<16xi32>
    %get3A_743 = arith.constant 0 : i32
    %get3A_744 = arith.index_cast %get3A_743 : i32 to index
    %get3A_745 = arith.constant 928 : index
    %get3A_746 = tpu.vector_load %arg5[%get3A_744, %get3A_745] {strides = array<i32>} : memref<2x1024xf32, #tpu.memory_space<vmem>>, vector<16xf32>,
    %lt3A_747 = arith.cmpi slt, %add3A_742, %gather3A : vector<16xi32>
    %jit3A_748 = arith.constant 0.000000e+00 : f32
    %broadcast_in_dim3A_749 = vector.broadcast %jit3A_748 : f32 to vector<16xf32>
    %select_n3A_750 = arith.select %lt3A_747, %get3A_746, %broadcast_in_dim3A_749 : vector<16xi1>, vector<16xf32>
    %add3A_751 = arith.addf %add3A_739, %select_n3A_750 : vector<16xf32>
    %add3A_752 = arith.constant 944 : i32
    %add3A_753 = vector.broadcast %add3A_752 : i32 to vector<16xi32>
    %add3A_754 = arith.addi %add3A_753, %iota3A : vector<16xi32>
    %get3A_755 = arith.constant 0 : i32
    %get3A_756 = arith.index_cast %get3A_755 : i32 to index
    %get3A_757 = arith.constant 944 : index
    %get3A_758 = tpu.vector_load %arg5[%get3A_756, %get3A_757] {strides = array<i32>} : memref<2x1024xf32, #tpu.memory_space<vmem>>, vector<16xf32>,
    %lt3A_759 = arith.cmpi slt, %add3A_754, %gather3A : vector<16xi32>
    %jit3A_760 = arith.constant 0.000000e+00 : f32
    %broadcast_in_dim3A_761 = vector.broadcast %jit3A_760 : f32 to vector<16xf32>
    %select_n3A_762 = arith.select %lt3A_759, %get3A_758, %broadcast_in_dim3A_761 : vector<16xi1>, vector<16xf32>
    %add3A_763 = arith.addf %add3A_751, %select_n3A_762 : vector<16xf32>
    %add3A_764 = arith.constant 960 : i32
    %add3A_765 = vector.broadcast %add3A_764 : i32 to vector<16xi32>
    %add3A_766 = arith.addi %add3A_765, %iota3A : vector<16xi32>
    %get3A_767 = arith.constant 0 : i32
    %get3A_768 = arith.index_cast %get3A_767 : i32 to index
    %get3A_769 = arith.constant 960 : index
    %get3A_770 = tpu.vector_load %arg5[%get3A_768, %get3A_769] {strides = array<i32>} : memref<2x1024xf32, #tpu.memory_space<vmem>>, vector<16xf32>,
    %lt3A_771 = arith.cmpi slt, %add3A_766, %gather3A : vector<16xi32>
    %jit3A_772 = arith.constant 0.000000e+00 : f32
    %broadcast_in_dim3A_773 = vector.broadcast %jit3A_772 : f32 to vector<16xf32>
    %select_n3A_774 = arith.select %lt3A_771, %get3A_770, %broadcast_in_dim3A_773 : vector<16xi1>, vector<16xf32>
    %add3A_775 = arith.addf %add3A_763, %select_n3A_774 : vector<16xf32>
    %add3A_776 = arith.constant 976 : i32
    %add3A_777 = vector.broadcast %add3A_776 : i32 to vector<16xi32>
    %add3A_778 = arith.addi %add3A_777, %iota3A : vector<16xi32>
    %get3A_779 = arith.constant 0 : i32
    %get3A_780 = arith.index_cast %get3A_779 : i32 to index
    %get3A_781 = arith.constant 976 : index
    %get3A_782 = tpu.vector_load %arg5[%get3A_780, %get3A_781] {strides = array<i32>} : memref<2x1024xf32, #tpu.memory_space<vmem>>, vector<16xf32>,
    %lt3A_783 = arith.cmpi slt, %add3A_778, %gather3A : vector<16xi32>
    %jit3A_784 = arith.constant 0.000000e+00 : f32
    %broadcast_in_dim3A_785 = vector.broadcast %jit3A_784 : f32 to vector<16xf32>
    %select_n3A_786 = arith.select %lt3A_783, %get3A_782, %broadcast_in_dim3A_785 : vector<16xi1>, vector<16xf32>
    %add3A_787 = arith.addf %add3A_775, %select_n3A_786 : vector<16xf32>
    %add3A_788 = arith.constant 992 : i32
    %add3A_789 = vector.broadcast %add3A_788 : i32 to vector<16xi32>
    %add3A_790 = arith.addi %add3A_789, %iota3A : vector<16xi32>
    %get3A_791 = arith.constant 0 : i32
    %get3A_792 = arith.index_cast %get3A_791 : i32 to index
    %get3A_793 = arith.constant 992 : index
    %get3A_794 = tpu.vector_load %arg5[%get3A_792, %get3A_793] {strides = array<i32>} : memref<2x1024xf32, #tpu.memory_space<vmem>>, vector<16xf32>,
    %lt3A_795 = arith.cmpi slt, %add3A_790, %gather3A : vector<16xi32>
    %jit3A_796 = arith.constant 0.000000e+00 : f32
    %broadcast_in_dim3A_797 = vector.broadcast %jit3A_796 : f32 to vector<16xf32>
    %select_n3A_798 = arith.select %lt3A_795, %get3A_794, %broadcast_in_dim3A_797 : vector<16xi1>, vector<16xf32>
    %add3A_799 = arith.addf %add3A_787, %select_n3A_798 : vector<16xf32>
    %add3A_800 = arith.constant 1008 : i32
    %add3A_801 = vector.broadcast %add3A_800 : i32 to vector<16xi32>
    %add3A_802 = arith.addi %add3A_801, %iota3A : vector<16xi32>
    %get3A_803 = arith.constant 0 : i32
    %get3A_804 = arith.index_cast %get3A_803 : i32 to index
    %get3A_805 = arith.constant 1008 : index
    %get3A_806 = tpu.vector_load %arg5[%get3A_804, %get3A_805] {strides = array<i32>} : memref<2x1024xf32, #tpu.memory_space<vmem>>, vector<16xf32>,
    %lt3A_807 = arith.cmpi slt, %add3A_802, %gather3A : vector<16xi32>
    %jit3A_808 = arith.constant 0.000000e+00 : f32
    %broadcast_in_dim3A_809 = vector.broadcast %jit3A_808 : f32 to vector<16xf32>
    %select_n3A_810 = arith.select %lt3A_807, %get3A_806, %broadcast_in_dim3A_809 : vector<16xi1>, vector<16xf32>
    %add3A_811 = arith.addf %add3A_799, %select_n3A_810 : vector<16xf32>
    %add3A_812 = arith.constant 1 : i32
    %add3A_813 = arith.addi %mul3A_2, %add3A_812 : i32
    %dma_wait3A_814 = arith.constant 1 : i32
    %dma_wait3A_815 = arith.constant 0 : i32
    %dma_wait3A_816 = tpu.memref_slice %arg5[%dma_wait3A_814, %dma_wait3A_815] : memref<2x1024xf32, #tpu.memory_space<vmem>> -> memref<1x1024xf32, #tpu.memory_space<vmem>>
    %dma_wait3A_817 = tpu.memref_squeeze %dma_wait3A_816 : memref<1x1024xf32, #tpu.memory_space<vmem>> -> memref<1024xf32, #tpu.memory_space<vmem>>
    %dma_wait3A_818 = arith.constant 0 : i32
    %dma_wait3A_819 = tpu.memref_slice %arg2[%add3A_18, %dma_wait3A_818] : memref<64x1024xf32, #tpu.memory_space<hbm>> -> memref<1x1024xf32, #tpu.memory_space<hbm>>
    %dma_wait3A_820 = tpu.memref_squeeze %dma_wait3A_819 : memref<1x1024xf32, #tpu.memory_space<hbm>> -> memref<1024xf32, #tpu.memory_space<hbm>>
    %dma_wait3A_821 = arith.constant 0 : i32
    %dma_wait3A_822 = tpu.memref_slice %arg5[%dma_wait3A_814, %dma_wait3A_821] : memref<2x1024xf32, #tpu.memory_space<vmem>> -> memref<1x1024xf32, #tpu.memory_space<vmem>>
    %dma_wait3A_823 = tpu.memref_squeeze %dma_wait3A_822 : memref<1x1024xf32, #tpu.memory_space<vmem>> -> memref<1024xf32, #tpu.memory_space<vmem>>
    %dma_wait3A_824 = arith.constant 0 : i32
    %dma_wait3A_825 = tpu.memref_slice %arg2[%add3A_18, %dma_wait3A_824] : memref<64x1024xf32, #tpu.memory_space<hbm>> -> memref<1x1024xf32, #tpu.memory_space<hbm>>
    %dma_wait3A_826 = tpu.memref_squeeze %dma_wait3A_825 : memref<1x1024xf32, #tpu.memory_space<hbm>> -> memref<1024xf32, #tpu.memory_space<hbm>>
    tpu.wait_dma2 semaphore(%arg9 : memref<!tpu.dma_semaphore, #tpu.memory_space<semaphore_mem>>) src(%dma_wait3A_826 : memref<1024xf32, #tpu.memory_space<hbm>>) dst(%dma_wait3A_823 : memref<1024xf32, #tpu.memory_space<vmem>>)
    %broadcast_in_dim3A_827 = vector.broadcast %add3A_813 : i32 to vector<16xi32>
    %gather3A_828 = tpu.vector_load_idx %arg6[%broadcast_in_dim3A_827] : memref<64xi32, #tpu.memory_space<vmem>>[vector<16xi32>], vector<16xi32>,
    %add3A_829 = arith.constant 0 : i32
    %add3A_830 = vector.broadcast %add3A_829 : i32 to vector<16xi32>
    %add3A_831 = arith.addi %add3A_830, %iota3A : vector<16xi32>
    %get3A_832 = arith.constant 1 : i32
    %get3A_833 = arith.index_cast %get3A_832 : i32 to index
    %get3A_834 = arith.constant 0 : index
    %get3A_835 = tpu.vector_load %arg5[%get3A_833, %get3A_834] {strides = array<i32>} : memref<2x1024xf32, #tpu.memory_space<vmem>>, vector<16xf32>,
    %lt3A_836 = arith.cmpi slt, %add3A_831, %gather3A_828 : vector<16xi32>
    %jit3A_837 = arith.constant 0.000000e+00 : f32
    %broadcast_in_dim3A_838 = vector.broadcast %jit3A_837 : f32 to vector<16xf32>
    %select_n3A_839 = arith.select %lt3A_836, %get3A_835, %broadcast_in_dim3A_838 : vector<16xi1>, vector<16xf32>
    %add3A_840 = arith.addf %add3A_811, %select_n3A_839 : vector<16xf32>
    %add3A_841 = arith.constant 16 : i32
    %add3A_842 = vector.broadcast %add3A_841 : i32 to vector<16xi32>
    %add3A_843 = arith.addi %add3A_842, %iota3A : vector<16xi32>
    %get3A_844 = arith.constant 1 : i32
    %get3A_845 = arith.index_cast %get3A_844 : i32 to index
    %get3A_846 = arith.constant 16 : index
    %get3A_847 = tpu.vector_load %arg5[%get3A_845, %get3A_846] {strides = array<i32>} : memref<2x1024xf32, #tpu.memory_space<vmem>>, vector<16xf32>,
    %lt3A_848 = arith.cmpi slt, %add3A_843, %gather3A_828 : vector<16xi32>
    %jit3A_849 = arith.constant 0.000000e+00 : f32
    %broadcast_in_dim3A_850 = vector.broadcast %jit3A_849 : f32 to vector<16xf32>
    %select_n3A_851 = arith.select %lt3A_848, %get3A_847, %broadcast_in_dim3A_850 : vector<16xi1>, vector<16xf32>
    %add3A_852 = arith.addf %add3A_840, %select_n3A_851 : vector<16xf32>
    %add3A_853 = arith.constant 32 : i32
    %add3A_854 = vector.broadcast %add3A_853 : i32 to vector<16xi32>
    %add3A_855 = arith.addi %add3A_854, %iota3A : vector<16xi32>
    %get3A_856 = arith.constant 1 : i32
    %get3A_857 = arith.index_cast %get3A_856 : i32 to index
    %get3A_858 = arith.constant 32 : index
    %get3A_859 = tpu.vector_load %arg5[%get3A_857, %get3A_858] {strides = array<i32>} : memref<2x1024xf32, #tpu.memory_space<vmem>>, vector<16xf32>,
    %lt3A_860 = arith.cmpi slt, %add3A_855, %gather3A_828 : vector<16xi32>
    %jit3A_861 = arith.constant 0.000000e+00 : f32
    %broadcast_in_dim3A_862 = vector.broadcast %jit3A_861 : f32 to vector<16xf32>
    %select_n3A_863 = arith.select %lt3A_860, %get3A_859, %broadcast_in_dim3A_862 : vector<16xi1>, vector<16xf32>
    %add3A_864 = arith.addf %add3A_852, %select_n3A_863 : vector<16xf32>
    %add3A_865 = arith.constant 48 : i32
    %add3A_866 = vector.broadcast %add3A_865 : i32 to vector<16xi32>
    %add3A_867 = arith.addi %add3A_866, %iota3A : vector<16xi32>
    %get3A_868 = arith.constant 1 : i32
    %get3A_869 = arith.index_cast %get3A_868 : i32 to index
    %get3A_870 = arith.constant 48 : index
    %get3A_871 = tpu.vector_load %arg5[%get3A_869, %get3A_870] {strides = array<i32>} : memref<2x1024xf32, #tpu.memory_space<vmem>>, vector<16xf32>,
    %lt3A_872 = arith.cmpi slt, %add3A_867, %gather3A_828 : vector<16xi32>
    %jit3A_873 = arith.constant 0.000000e+00 : f32
    %broadcast_in_dim3A_874 = vector.broadcast %jit3A_873 : f32 to vector<16xf32>
    %select_n3A_875 = arith.select %lt3A_872, %get3A_871, %broadcast_in_dim3A_874 : vector<16xi1>, vector<16xf32>
    %add3A_876 = arith.addf %add3A_864, %select_n3A_875 : vector<16xf32>
    %add3A_877 = arith.constant 64 : i32
    %add3A_878 = vector.broadcast %add3A_877 : i32 to vector<16xi32>
    %add3A_879 = arith.addi %add3A_878, %iota3A : vector<16xi32>
    %get3A_880 = arith.constant 1 : i32
    %get3A_881 = arith.index_cast %get3A_880 : i32 to index
    %get3A_882 = arith.constant 64 : index
    %get3A_883 = tpu.vector_load %arg5[%get3A_881, %get3A_882] {strides = array<i32>} : memref<2x1024xf32, #tpu.memory_space<vmem>>, vector<16xf32>,
    %lt3A_884 = arith.cmpi slt, %add3A_879, %gather3A_828 : vector<16xi32>
    %jit3A_885 = arith.constant 0.000000e+00 : f32
    %broadcast_in_dim3A_886 = vector.broadcast %jit3A_885 : f32 to vector<16xf32>
    %select_n3A_887 = arith.select %lt3A_884, %get3A_883, %broadcast_in_dim3A_886 : vector<16xi1>, vector<16xf32>
    %add3A_888 = arith.addf %add3A_876, %select_n3A_887 : vector<16xf32>
    %add3A_889 = arith.constant 80 : i32
    %add3A_890 = vector.broadcast %add3A_889 : i32 to vector<16xi32>
    %add3A_891 = arith.addi %add3A_890, %iota3A : vector<16xi32>
    %get3A_892 = arith.constant 1 : i32
    %get3A_893 = arith.index_cast %get3A_892 : i32 to index
    %get3A_894 = arith.constant 80 : index
    %get3A_895 = tpu.vector_load %arg5[%get3A_893, %get3A_894] {strides = array<i32>} : memref<2x1024xf32, #tpu.memory_space<vmem>>, vector<16xf32>,
    %lt3A_896 = arith.cmpi slt, %add3A_891, %gather3A_828 : vector<16xi32>
    %jit3A_897 = arith.constant 0.000000e+00 : f32
    %broadcast_in_dim3A_898 = vector.broadcast %jit3A_897 : f32 to vector<16xf32>
    %select_n3A_899 = arith.select %lt3A_896, %get3A_895, %broadcast_in_dim3A_898 : vector<16xi1>, vector<16xf32>
    %add3A_900 = arith.addf %add3A_888, %select_n3A_899 : vector<16xf32>
    %add3A_901 = arith.constant 96 : i32
    %add3A_902 = vector.broadcast %add3A_901 : i32 to vector<16xi32>
    %add3A_903 = arith.addi %add3A_902, %iota3A : vector<16xi32>
    %get3A_904 = arith.constant 1 : i32
    %get3A_905 = arith.index_cast %get3A_904 : i32 to index
    %get3A_906 = arith.constant 96 : index
    %get3A_907 = tpu.vector_load %arg5[%get3A_905, %get3A_906] {strides = array<i32>} : memref<2x1024xf32, #tpu.memory_space<vmem>>, vector<16xf32>,
    %lt3A_908 = arith.cmpi slt, %add3A_903, %gather3A_828 : vector<16xi32>
    %jit3A_909 = arith.constant 0.000000e+00 : f32
    %broadcast_in_dim3A_910 = vector.broadcast %jit3A_909 : f32 to vector<16xf32>
    %select_n3A_911 = arith.select %lt3A_908, %get3A_907, %broadcast_in_dim3A_910 : vector<16xi1>, vector<16xf32>
    %add3A_912 = arith.addf %add3A_900, %select_n3A_911 : vector<16xf32>
    %add3A_913 = arith.constant 112 : i32
    %add3A_914 = vector.broadcast %add3A_913 : i32 to vector<16xi32>
    %add3A_915 = arith.addi %add3A_914, %iota3A : vector<16xi32>
    %get3A_916 = arith.constant 1 : i32
    %get3A_917 = arith.index_cast %get3A_916 : i32 to index
    %get3A_918 = arith.constant 112 : index
    %get3A_919 = tpu.vector_load %arg5[%get3A_917, %get3A_918] {strides = array<i32>} : memref<2x1024xf32, #tpu.memory_space<vmem>>, vector<16xf32>,
    %lt3A_920 = arith.cmpi slt, %add3A_915, %gather3A_828 : vector<16xi32>
    %jit3A_921 = arith.constant 0.000000e+00 : f32
    %broadcast_in_dim3A_922 = vector.broadcast %jit3A_921 : f32 to vector<16xf32>
    %select_n3A_923 = arith.select %lt3A_920, %get3A_919, %broadcast_in_dim3A_922 : vector<16xi1>, vector<16xf32>
    %add3A_924 = arith.addf %add3A_912, %select_n3A_923 : vector<16xf32>
    %add3A_925 = arith.constant 128 : i32
    %add3A_926 = vector.broadcast %add3A_925 : i32 to vector<16xi32>
    %add3A_927 = arith.addi %add3A_926, %iota3A : vector<16xi32>
    %get3A_928 = arith.constant 1 : i32
    %get3A_929 = arith.index_cast %get3A_928 : i32 to index
    %get3A_930 = arith.constant 128 : index
    %get3A_931 = tpu.vector_load %arg5[%get3A_929, %get3A_930] {strides = array<i32>} : memref<2x1024xf32, #tpu.memory_space<vmem>>, vector<16xf32>,
    %lt3A_932 = arith.cmpi slt, %add3A_927, %gather3A_828 : vector<16xi32>
    %jit3A_933 = arith.constant 0.000000e+00 : f32
    %broadcast_in_dim3A_934 = vector.broadcast %jit3A_933 : f32 to vector<16xf32>
    %select_n3A_935 = arith.select %lt3A_932, %get3A_931, %broadcast_in_dim3A_934 : vector<16xi1>, vector<16xf32>
    %add3A_936 = arith.addf %add3A_924, %select_n3A_935 : vector<16xf32>
    %add3A_937 = arith.constant 144 : i32
    %add3A_938 = vector.broadcast %add3A_937 : i32 to vector<16xi32>
    %add3A_939 = arith.addi %add3A_938, %iota3A : vector<16xi32>
    %get3A_940 = arith.constant 1 : i32
    %get3A_941 = arith.index_cast %get3A_940 : i32 to index
    %get3A_942 = arith.constant 144 : index
    %get3A_943 = tpu.vector_load %arg5[%get3A_941, %get3A_942] {strides = array<i32>} : memref<2x1024xf32, #tpu.memory_space<vmem>>, vector<16xf32>,
    %lt3A_944 = arith.cmpi slt, %add3A_939, %gather3A_828 : vector<16xi32>
    %jit3A_945 = arith.constant 0.000000e+00 : f32
    %broadcast_in_dim3A_946 = vector.broadcast %jit3A_945 : f32 to vector<16xf32>
    %select_n3A_947 = arith.select %lt3A_944, %get3A_943, %broadcast_in_dim3A_946 : vector<16xi1>, vector<16xf32>
    %add3A_948 = arith.addf %add3A_936, %select_n3A_947 : vector<16xf32>
    %add3A_949 = arith.constant 160 : i32
    %add3A_950 = vector.broadcast %add3A_949 : i32 to vector<16xi32>
    %add3A_951 = arith.addi %add3A_950, %iota3A : vector<16xi32>
    %get3A_952 = arith.constant 1 : i32
    %get3A_953 = arith.index_cast %get3A_952 : i32 to index
    %get3A_954 = arith.constant 160 : index
    %get3A_955 = tpu.vector_load %arg5[%get3A_953, %get3A_954] {strides = array<i32>} : memref<2x1024xf32, #tpu.memory_space<vmem>>, vector<16xf32>,
    %lt3A_956 = arith.cmpi slt, %add3A_951, %gather3A_828 : vector<16xi32>
    %jit3A_957 = arith.constant 0.000000e+00 : f32
    %broadcast_in_dim3A_958 = vector.broadcast %jit3A_957 : f32 to vector<16xf32>
    %select_n3A_959 = arith.select %lt3A_956, %get3A_955, %broadcast_in_dim3A_958 : vector<16xi1>, vector<16xf32>
    %add3A_960 = arith.addf %add3A_948, %select_n3A_959 : vector<16xf32>
    %add3A_961 = arith.constant 176 : i32
    %add3A_962 = vector.broadcast %add3A_961 : i32 to vector<16xi32>
    %add3A_963 = arith.addi %add3A_962, %iota3A : vector<16xi32>
    %get3A_964 = arith.constant 1 : i32
    %get3A_965 = arith.index_cast %get3A_964 : i32 to index
    %get3A_966 = arith.constant 176 : index
    %get3A_967 = tpu.vector_load %arg5[%get3A_965, %get3A_966] {strides = array<i32>} : memref<2x1024xf32, #tpu.memory_space<vmem>>, vector<16xf32>,
    %lt3A_968 = arith.cmpi slt, %add3A_963, %gather3A_828 : vector<16xi32>
    %jit3A_969 = arith.constant 0.000000e+00 : f32
    %broadcast_in_dim3A_970 = vector.broadcast %jit3A_969 : f32 to vector<16xf32>
    %select_n3A_971 = arith.select %lt3A_968, %get3A_967, %broadcast_in_dim3A_970 : vector<16xi1>, vector<16xf32>
    %add3A_972 = arith.addf %add3A_960, %select_n3A_971 : vector<16xf32>
    %add3A_973 = arith.constant 192 : i32
    %add3A_974 = vector.broadcast %add3A_973 : i32 to vector<16xi32>
    %add3A_975 = arith.addi %add3A_974, %iota3A : vector<16xi32>
    %get3A_976 = arith.constant 1 : i32
    %get3A_977 = arith.index_cast %get3A_976 : i32 to index
    %get3A_978 = arith.constant 192 : index
    %get3A_979 = tpu.vector_load %arg5[%get3A_977, %get3A_978] {strides = array<i32>} : memref<2x1024xf32, #tpu.memory_space<vmem>>, vector<16xf32>,
    %lt3A_980 = arith.cmpi slt, %add3A_975, %gather3A_828 : vector<16xi32>
    %jit3A_981 = arith.constant 0.000000e+00 : f32
    %broadcast_in_dim3A_982 = vector.broadcast %jit3A_981 : f32 to vector<16xf32>
    %select_n3A_983 = arith.select %lt3A_980, %get3A_979, %broadcast_in_dim3A_982 : vector<16xi1>, vector<16xf32>
    %add3A_984 = arith.addf %add3A_972, %select_n3A_983 : vector<16xf32>
    %add3A_985 = arith.constant 208 : i32
    %add3A_986 = vector.broadcast %add3A_985 : i32 to vector<16xi32>
    %add3A_987 = arith.addi %add3A_986, %iota3A : vector<16xi32>
    %get3A_988 = arith.constant 1 : i32
    %get3A_989 = arith.index_cast %get3A_988 : i32 to index
    %get3A_990 = arith.constant 208 : index
    %get3A_991 = tpu.vector_load %arg5[%get3A_989, %get3A_990] {strides = array<i32>} : memref<2x1024xf32, #tpu.memory_space<vmem>>, vector<16xf32>,
    %lt3A_992 = arith.cmpi slt, %add3A_987, %gather3A_828 : vector<16xi32>
    %jit3A_993 = arith.constant 0.000000e+00 : f32
    %broadcast_in_dim3A_994 = vector.broadcast %jit3A_993 : f32 to vector<16xf32>
    %select_n3A_995 = arith.select %lt3A_992, %get3A_991, %broadcast_in_dim3A_994 : vector<16xi1>, vector<16xf32>
    %add3A_996 = arith.addf %add3A_984, %select_n3A_995 : vector<16xf32>
    %add3A_997 = arith.constant 224 : i32
    %add3A_998 = vector.broadcast %add3A_997 : i32 to vector<16xi32>
    %add3A_999 = arith.addi %add3A_998, %iota3A : vector<16xi32>
    %get3A_1000 = arith.constant 1 : i32
    %get3A_1001 = arith.index_cast %get3A_1000 : i32 to index
    %get3A_1002 = arith.constant 224 : index
    %get3A_1003 = tpu.vector_load %arg5[%get3A_1001, %get3A_1002] {strides = array<i32>} : memref<2x1024xf32, #tpu.memory_space<vmem>>, vector<16xf32>,
    %lt3A_1004 = arith.cmpi slt, %add3A_999, %gather3A_828 : vector<16xi32>
    %jit3A_1005 = arith.constant 0.000000e+00 : f32
    %broadcast_in_dim3A_1006 = vector.broadcast %jit3A_1005 : f32 to vector<16xf32>
    %select_n3A_1007 = arith.select %lt3A_1004, %get3A_1003, %broadcast_in_dim3A_1006 : vector<16xi1>, vector<16xf32>
    %add3A_1008 = arith.addf %add3A_996, %select_n3A_1007 : vector<16xf32>
    %add3A_1009 = arith.constant 240 : i32
    %add3A_1010 = vector.broadcast %add3A_1009 : i32 to vector<16xi32>
    %add3A_1011 = arith.addi %add3A_1010, %iota3A : vector<16xi32>
    %get3A_1012 = arith.constant 1 : i32
    %get3A_1013 = arith.index_cast %get3A_1012 : i32 to index
    %get3A_1014 = arith.constant 240 : index
    %get3A_1015 = tpu.vector_load %arg5[%get3A_1013, %get3A_1014] {strides = array<i32>} : memref<2x1024xf32, #tpu.memory_space<vmem>>, vector<16xf32>,
    %lt3A_1016 = arith.cmpi slt, %add3A_1011, %gather3A_828 : vector<16xi32>
    %jit3A_1017 = arith.constant 0.000000e+00 : f32
    %broadcast_in_dim3A_1018 = vector.broadcast %jit3A_1017 : f32 to vector<16xf32>
    %select_n3A_1019 = arith.select %lt3A_1016, %get3A_1015, %broadcast_in_dim3A_1018 : vector<16xi1>, vector<16xf32>
    %add3A_1020 = arith.addf %add3A_1008, %select_n3A_1019 : vector<16xf32>
    %add3A_1021 = arith.constant 256 : i32
    %add3A_1022 = vector.broadcast %add3A_1021 : i32 to vector<16xi32>
    %add3A_1023 = arith.addi %add3A_1022, %iota3A : vector<16xi32>
    %get3A_1024 = arith.constant 1 : i32
    %get3A_1025 = arith.index_cast %get3A_1024 : i32 to index
    %get3A_1026 = arith.constant 256 : index
    %get3A_1027 = tpu.vector_load %arg5[%get3A_1025, %get3A_1026] {strides = array<i32>} : memref<2x1024xf32, #tpu.memory_space<vmem>>, vector<16xf32>,
    %lt3A_1028 = arith.cmpi slt, %add3A_1023, %gather3A_828 : vector<16xi32>
    %jit3A_1029 = arith.constant 0.000000e+00 : f32
    %broadcast_in_dim3A_1030 = vector.broadcast %jit3A_1029 : f32 to vector<16xf32>
    %select_n3A_1031 = arith.select %lt3A_1028, %get3A_1027, %broadcast_in_dim3A_1030 : vector<16xi1>, vector<16xf32>
    %add3A_1032 = arith.addf %add3A_1020, %select_n3A_1031 : vector<16xf32>
    %add3A_1033 = arith.constant 272 : i32
    %add3A_1034 = vector.broadcast %add3A_1033 : i32 to vector<16xi32>
    %add3A_1035 = arith.addi %add3A_1034, %iota3A : vector<16xi32>
    %get3A_1036 = arith.constant 1 : i32
    %get3A_1037 = arith.index_cast %get3A_1036 : i32 to index
    %get3A_1038 = arith.constant 272 : index
    %get3A_1039 = tpu.vector_load %arg5[%get3A_1037, %get3A_1038] {strides = array<i32>} : memref<2x1024xf32, #tpu.memory_space<vmem>>, vector<16xf32>,
    %lt3A_1040 = arith.cmpi slt, %add3A_1035, %gather3A_828 : vector<16xi32>
    %jit3A_1041 = arith.constant 0.000000e+00 : f32
    %broadcast_in_dim3A_1042 = vector.broadcast %jit3A_1041 : f32 to vector<16xf32>
    %select_n3A_1043 = arith.select %lt3A_1040, %get3A_1039, %broadcast_in_dim3A_1042 : vector<16xi1>, vector<16xf32>
    %add3A_1044 = arith.addf %add3A_1032, %select_n3A_1043 : vector<16xf32>
    %add3A_1045 = arith.constant 288 : i32
    %add3A_1046 = vector.broadcast %add3A_1045 : i32 to vector<16xi32>
    %add3A_1047 = arith.addi %add3A_1046, %iota3A : vector<16xi32>
    %get3A_1048 = arith.constant 1 : i32
    %get3A_1049 = arith.index_cast %get3A_1048 : i32 to index
    %get3A_1050 = arith.constant 288 : index
    %get3A_1051 = tpu.vector_load %arg5[%get3A_1049, %get3A_1050] {strides = array<i32>} : memref<2x1024xf32, #tpu.memory_space<vmem>>, vector<16xf32>,
    %lt3A_1052 = arith.cmpi slt, %add3A_1047, %gather3A_828 : vector<16xi32>
    %jit3A_1053 = arith.constant 0.000000e+00 : f32
    %broadcast_in_dim3A_1054 = vector.broadcast %jit3A_1053 : f32 to vector<16xf32>
    %select_n3A_1055 = arith.select %lt3A_1052, %get3A_1051, %broadcast_in_dim3A_1054 : vector<16xi1>, vector<16xf32>
    %add3A_1056 = arith.addf %add3A_1044, %select_n3A_1055 : vector<16xf32>
    %add3A_1057 = arith.constant 304 : i32
    %add3A_1058 = vector.broadcast %add3A_1057 : i32 to vector<16xi32>
    %add3A_1059 = arith.addi %add3A_1058, %iota3A : vector<16xi32>
    %get3A_1060 = arith.constant 1 : i32
    %get3A_1061 = arith.index_cast %get3A_1060 : i32 to index
    %get3A_1062 = arith.constant 304 : index
    %get3A_1063 = tpu.vector_load %arg5[%get3A_1061, %get3A_1062] {strides = array<i32>} : memref<2x1024xf32, #tpu.memory_space<vmem>>, vector<16xf32>,
    %lt3A_1064 = arith.cmpi slt, %add3A_1059, %gather3A_828 : vector<16xi32>
    %jit3A_1065 = arith.constant 0.000000e+00 : f32
    %broadcast_in_dim3A_1066 = vector.broadcast %jit3A_1065 : f32 to vector<16xf32>
    %select_n3A_1067 = arith.select %lt3A_1064, %get3A_1063, %broadcast_in_dim3A_1066 : vector<16xi1>, vector<16xf32>
    %add3A_1068 = arith.addf %add3A_1056, %select_n3A_1067 : vector<16xf32>
    %add3A_1069 = arith.constant 320 : i32
    %add3A_1070 = vector.broadcast %add3A_1069 : i32 to vector<16xi32>
    %add3A_1071 = arith.addi %add3A_1070, %iota3A : vector<16xi32>
    %get3A_1072 = arith.constant 1 : i32
    %get3A_1073 = arith.index_cast %get3A_1072 : i32 to index
    %get3A_1074 = arith.constant 320 : index
    %get3A_1075 = tpu.vector_load %arg5[%get3A_1073, %get3A_1074] {strides = array<i32>} : memref<2x1024xf32, #tpu.memory_space<vmem>>, vector<16xf32>,
    %lt3A_1076 = arith.cmpi slt, %add3A_1071, %gather3A_828 : vector<16xi32>
    %jit3A_1077 = arith.constant 0.000000e+00 : f32
    %broadcast_in_dim3A_1078 = vector.broadcast %jit3A_1077 : f32 to vector<16xf32>
    %select_n3A_1079 = arith.select %lt3A_1076, %get3A_1075, %broadcast_in_dim3A_1078 : vector<16xi1>, vector<16xf32>
    %add3A_1080 = arith.addf %add3A_1068, %select_n3A_1079 : vector<16xf32>
    %add3A_1081 = arith.constant 336 : i32
    %add3A_1082 = vector.broadcast %add3A_1081 : i32 to vector<16xi32>
    %add3A_1083 = arith.addi %add3A_1082, %iota3A : vector<16xi32>
    %get3A_1084 = arith.constant 1 : i32
    %get3A_1085 = arith.index_cast %get3A_1084 : i32 to index
    %get3A_1086 = arith.constant 336 : index
    %get3A_1087 = tpu.vector_load %arg5[%get3A_1085, %get3A_1086] {strides = array<i32>} : memref<2x1024xf32, #tpu.memory_space<vmem>>, vector<16xf32>,
    %lt3A_1088 = arith.cmpi slt, %add3A_1083, %gather3A_828 : vector<16xi32>
    %jit3A_1089 = arith.constant 0.000000e+00 : f32
    %broadcast_in_dim3A_1090 = vector.broadcast %jit3A_1089 : f32 to vector<16xf32>
    %select_n3A_1091 = arith.select %lt3A_1088, %get3A_1087, %broadcast_in_dim3A_1090 : vector<16xi1>, vector<16xf32>
    %add3A_1092 = arith.addf %add3A_1080, %select_n3A_1091 : vector<16xf32>
    %add3A_1093 = arith.constant 352 : i32
    %add3A_1094 = vector.broadcast %add3A_1093 : i32 to vector<16xi32>
    %add3A_1095 = arith.addi %add3A_1094, %iota3A : vector<16xi32>
    %get3A_1096 = arith.constant 1 : i32
    %get3A_1097 = arith.index_cast %get3A_1096 : i32 to index
    %get3A_1098 = arith.constant 352 : index
    %get3A_1099 = tpu.vector_load %arg5[%get3A_1097, %get3A_1098] {strides = array<i32>} : memref<2x1024xf32, #tpu.memory_space<vmem>>, vector<16xf32>,
    %lt3A_1100 = arith.cmpi slt, %add3A_1095, %gather3A_828 : vector<16xi32>
    %jit3A_1101 = arith.constant 0.000000e+00 : f32
    %broadcast_in_dim3A_1102 = vector.broadcast %jit3A_1101 : f32 to vector<16xf32>
    %select_n3A_1103 = arith.select %lt3A_1100, %get3A_1099, %broadcast_in_dim3A_1102 : vector<16xi1>, vector<16xf32>
    %add3A_1104 = arith.addf %add3A_1092, %select_n3A_1103 : vector<16xf32>
    %add3A_1105 = arith.constant 368 : i32
    %add3A_1106 = vector.broadcast %add3A_1105 : i32 to vector<16xi32>
    %add3A_1107 = arith.addi %add3A_1106, %iota3A : vector<16xi32>
    %get3A_1108 = arith.constant 1 : i32
    %get3A_1109 = arith.index_cast %get3A_1108 : i32 to index
    %get3A_1110 = arith.constant 368 : index
    %get3A_1111 = tpu.vector_load %arg5[%get3A_1109, %get3A_1110] {strides = array<i32>} : memref<2x1024xf32, #tpu.memory_space<vmem>>, vector<16xf32>,
    %lt3A_1112 = arith.cmpi slt, %add3A_1107, %gather3A_828 : vector<16xi32>
    %jit3A_1113 = arith.constant 0.000000e+00 : f32
    %broadcast_in_dim3A_1114 = vector.broadcast %jit3A_1113 : f32 to vector<16xf32>
    %select_n3A_1115 = arith.select %lt3A_1112, %get3A_1111, %broadcast_in_dim3A_1114 : vector<16xi1>, vector<16xf32>
    %add3A_1116 = arith.addf %add3A_1104, %select_n3A_1115 : vector<16xf32>
    %add3A_1117 = arith.constant 384 : i32
    %add3A_1118 = vector.broadcast %add3A_1117 : i32 to vector<16xi32>
    %add3A_1119 = arith.addi %add3A_1118, %iota3A : vector<16xi32>
    %get3A_1120 = arith.constant 1 : i32
    %get3A_1121 = arith.index_cast %get3A_1120 : i32 to index
    %get3A_1122 = arith.constant 384 : index
    %get3A_1123 = tpu.vector_load %arg5[%get3A_1121, %get3A_1122] {strides = array<i32>} : memref<2x1024xf32, #tpu.memory_space<vmem>>, vector<16xf32>,
    %lt3A_1124 = arith.cmpi slt, %add3A_1119, %gather3A_828 : vector<16xi32>
    %jit3A_1125 = arith.constant 0.000000e+00 : f32
    %broadcast_in_dim3A_1126 = vector.broadcast %jit3A_1125 : f32 to vector<16xf32>
    %select_n3A_1127 = arith.select %lt3A_1124, %get3A_1123, %broadcast_in_dim3A_1126 : vector<16xi1>, vector<16xf32>
    %add3A_1128 = arith.addf %add3A_1116, %select_n3A_1127 : vector<16xf32>
    %add3A_1129 = arith.constant 400 : i32
    %add3A_1130 = vector.broadcast %add3A_1129 : i32 to vector<16xi32>
    %add3A_1131 = arith.addi %add3A_1130, %iota3A : vector<16xi32>
    %get3A_1132 = arith.constant 1 : i32
    %get3A_1133 = arith.index_cast %get3A_1132 : i32 to index
    %get3A_1134 = arith.constant 400 : index
    %get3A_1135 = tpu.vector_load %arg5[%get3A_1133, %get3A_1134] {strides = array<i32>} : memref<2x1024xf32, #tpu.memory_space<vmem>>, vector<16xf32>,
    %lt3A_1136 = arith.cmpi slt, %add3A_1131, %gather3A_828 : vector<16xi32>
    %jit3A_1137 = arith.constant 0.000000e+00 : f32
    %broadcast_in_dim3A_1138 = vector.broadcast %jit3A_1137 : f32 to vector<16xf32>
    %select_n3A_1139 = arith.select %lt3A_1136, %get3A_1135, %broadcast_in_dim3A_1138 : vector<16xi1>, vector<16xf32>
    %add3A_1140 = arith.addf %add3A_1128, %select_n3A_1139 : vector<16xf32>
    %add3A_1141 = arith.constant 416 : i32
    %add3A_1142 = vector.broadcast %add3A_1141 : i32 to vector<16xi32>
    %add3A_1143 = arith.addi %add3A_1142, %iota3A : vector<16xi32>
    %get3A_1144 = arith.constant 1 : i32
    %get3A_1145 = arith.index_cast %get3A_1144 : i32 to index
    %get3A_1146 = arith.constant 416 : index
    %get3A_1147 = tpu.vector_load %arg5[%get3A_1145, %get3A_1146] {strides = array<i32>} : memref<2x1024xf32, #tpu.memory_space<vmem>>, vector<16xf32>,
    %lt3A_1148 = arith.cmpi slt, %add3A_1143, %gather3A_828 : vector<16xi32>
    %jit3A_1149 = arith.constant 0.000000e+00 : f32
    %broadcast_in_dim3A_1150 = vector.broadcast %jit3A_1149 : f32 to vector<16xf32>
    %select_n3A_1151 = arith.select %lt3A_1148, %get3A_1147, %broadcast_in_dim3A_1150 : vector<16xi1>, vector<16xf32>
    %add3A_1152 = arith.addf %add3A_1140, %select_n3A_1151 : vector<16xf32>
    %add3A_1153 = arith.constant 432 : i32
    %add3A_1154 = vector.broadcast %add3A_1153 : i32 to vector<16xi32>
    %add3A_1155 = arith.addi %add3A_1154, %iota3A : vector<16xi32>
    %get3A_1156 = arith.constant 1 : i32
    %get3A_1157 = arith.index_cast %get3A_1156 : i32 to index
    %get3A_1158 = arith.constant 432 : index
    %get3A_1159 = tpu.vector_load %arg5[%get3A_1157, %get3A_1158] {strides = array<i32>} : memref<2x1024xf32, #tpu.memory_space<vmem>>, vector<16xf32>,
    %lt3A_1160 = arith.cmpi slt, %add3A_1155, %gather3A_828 : vector<16xi32>
    %jit3A_1161 = arith.constant 0.000000e+00 : f32
    %broadcast_in_dim3A_1162 = vector.broadcast %jit3A_1161 : f32 to vector<16xf32>
    %select_n3A_1163 = arith.select %lt3A_1160, %get3A_1159, %broadcast_in_dim3A_1162 : vector<16xi1>, vector<16xf32>
    %add3A_1164 = arith.addf %add3A_1152, %select_n3A_1163 : vector<16xf32>
    %add3A_1165 = arith.constant 448 : i32
    %add3A_1166 = vector.broadcast %add3A_1165 : i32 to vector<16xi32>
    %add3A_1167 = arith.addi %add3A_1166, %iota3A : vector<16xi32>
    %get3A_1168 = arith.constant 1 : i32
    %get3A_1169 = arith.index_cast %get3A_1168 : i32 to index
    %get3A_1170 = arith.constant 448 : index
    %get3A_1171 = tpu.vector_load %arg5[%get3A_1169, %get3A_1170] {strides = array<i32>} : memref<2x1024xf32, #tpu.memory_space<vmem>>, vector<16xf32>,
    %lt3A_1172 = arith.cmpi slt, %add3A_1167, %gather3A_828 : vector<16xi32>
    %jit3A_1173 = arith.constant 0.000000e+00 : f32
    %broadcast_in_dim3A_1174 = vector.broadcast %jit3A_1173 : f32 to vector<16xf32>
    %select_n3A_1175 = arith.select %lt3A_1172, %get3A_1171, %broadcast_in_dim3A_1174 : vector<16xi1>, vector<16xf32>
    %add3A_1176 = arith.addf %add3A_1164, %select_n3A_1175 : vector<16xf32>
    %add3A_1177 = arith.constant 464 : i32
    %add3A_1178 = vector.broadcast %add3A_1177 : i32 to vector<16xi32>
    %add3A_1179 = arith.addi %add3A_1178, %iota3A : vector<16xi32>
    %get3A_1180 = arith.constant 1 : i32
    %get3A_1181 = arith.index_cast %get3A_1180 : i32 to index
    %get3A_1182 = arith.constant 464 : index
    %get3A_1183 = tpu.vector_load %arg5[%get3A_1181, %get3A_1182] {strides = array<i32>} : memref<2x1024xf32, #tpu.memory_space<vmem>>, vector<16xf32>,
    %lt3A_1184 = arith.cmpi slt, %add3A_1179, %gather3A_828 : vector<16xi32>
    %jit3A_1185 = arith.constant 0.000000e+00 : f32
    %broadcast_in_dim3A_1186 = vector.broadcast %jit3A_1185 : f32 to vector<16xf32>
    %select_n3A_1187 = arith.select %lt3A_1184, %get3A_1183, %broadcast_in_dim3A_1186 : vector<16xi1>, vector<16xf32>
    %add3A_1188 = arith.addf %add3A_1176, %select_n3A_1187 : vector<16xf32>
    %add3A_1189 = arith.constant 480 : i32
    %add3A_1190 = vector.broadcast %add3A_1189 : i32 to vector<16xi32>
    %add3A_1191 = arith.addi %add3A_1190, %iota3A : vector<16xi32>
    %get3A_1192 = arith.constant 1 : i32
    %get3A_1193 = arith.index_cast %get3A_1192 : i32 to index
    %get3A_1194 = arith.constant 480 : index
    %get3A_1195 = tpu.vector_load %arg5[%get3A_1193, %get3A_1194] {strides = array<i32>} : memref<2x1024xf32, #tpu.memory_space<vmem>>, vector<16xf32>,
    %lt3A_1196 = arith.cmpi slt, %add3A_1191, %gather3A_828 : vector<16xi32>
    %jit3A_1197 = arith.constant 0.000000e+00 : f32
    %broadcast_in_dim3A_1198 = vector.broadcast %jit3A_1197 : f32 to vector<16xf32>
    %select_n3A_1199 = arith.select %lt3A_1196, %get3A_1195, %broadcast_in_dim3A_1198 : vector<16xi1>, vector<16xf32>
    %add3A_1200 = arith.addf %add3A_1188, %select_n3A_1199 : vector<16xf32>
    %add3A_1201 = arith.constant 496 : i32
    %add3A_1202 = vector.broadcast %add3A_1201 : i32 to vector<16xi32>
    %add3A_1203 = arith.addi %add3A_1202, %iota3A : vector<16xi32>
    %get3A_1204 = arith.constant 1 : i32
    %get3A_1205 = arith.index_cast %get3A_1204 : i32 to index
    %get3A_1206 = arith.constant 496 : index
    %get3A_1207 = tpu.vector_load %arg5[%get3A_1205, %get3A_1206] {strides = array<i32>} : memref<2x1024xf32, #tpu.memory_space<vmem>>, vector<16xf32>,
    %lt3A_1208 = arith.cmpi slt, %add3A_1203, %gather3A_828 : vector<16xi32>
    %jit3A_1209 = arith.constant 0.000000e+00 : f32
    %broadcast_in_dim3A_1210 = vector.broadcast %jit3A_1209 : f32 to vector<16xf32>
    %select_n3A_1211 = arith.select %lt3A_1208, %get3A_1207, %broadcast_in_dim3A_1210 : vector<16xi1>, vector<16xf32>
    %add3A_1212 = arith.addf %add3A_1200, %select_n3A_1211 : vector<16xf32>
    %add3A_1213 = arith.constant 512 : i32
    %add3A_1214 = vector.broadcast %add3A_1213 : i32 to vector<16xi32>
    %add3A_1215 = arith.addi %add3A_1214, %iota3A : vector<16xi32>
    %get3A_1216 = arith.constant 1 : i32
    %get3A_1217 = arith.index_cast %get3A_1216 : i32 to index
    %get3A_1218 = arith.constant 512 : index
    %get3A_1219 = tpu.vector_load %arg5[%get3A_1217, %get3A_1218] {strides = array<i32>} : memref<2x1024xf32, #tpu.memory_space<vmem>>, vector<16xf32>,
    %lt3A_1220 = arith.cmpi slt, %add3A_1215, %gather3A_828 : vector<16xi32>
    %jit3A_1221 = arith.constant 0.000000e+00 : f32
    %broadcast_in_dim3A_1222 = vector.broadcast %jit3A_1221 : f32 to vector<16xf32>
    %select_n3A_1223 = arith.select %lt3A_1220, %get3A_1219, %broadcast_in_dim3A_1222 : vector<16xi1>, vector<16xf32>
    %add3A_1224 = arith.addf %add3A_1212, %select_n3A_1223 : vector<16xf32>
    %add3A_1225 = arith.constant 528 : i32
    %add3A_1226 = vector.broadcast %add3A_1225 : i32 to vector<16xi32>
    %add3A_1227 = arith.addi %add3A_1226, %iota3A : vector<16xi32>
    %get3A_1228 = arith.constant 1 : i32
    %get3A_1229 = arith.index_cast %get3A_1228 : i32 to index
    %get3A_1230 = arith.constant 528 : index
    %get3A_1231 = tpu.vector_load %arg5[%get3A_1229, %get3A_1230] {strides = array<i32>} : memref<2x1024xf32, #tpu.memory_space<vmem>>, vector<16xf32>,
    %lt3A_1232 = arith.cmpi slt, %add3A_1227, %gather3A_828 : vector<16xi32>
    %jit3A_1233 = arith.constant 0.000000e+00 : f32
    %broadcast_in_dim3A_1234 = vector.broadcast %jit3A_1233 : f32 to vector<16xf32>
    %select_n3A_1235 = arith.select %lt3A_1232, %get3A_1231, %broadcast_in_dim3A_1234 : vector<16xi1>, vector<16xf32>
    %add3A_1236 = arith.addf %add3A_1224, %select_n3A_1235 : vector<16xf32>
    %add3A_1237 = arith.constant 544 : i32
    %add3A_1238 = vector.broadcast %add3A_1237 : i32 to vector<16xi32>
    %add3A_1239 = arith.addi %add3A_1238, %iota3A : vector<16xi32>
    %get3A_1240 = arith.constant 1 : i32
    %get3A_1241 = arith.index_cast %get3A_1240 : i32 to index
    %get3A_1242 = arith.constant 544 : index
    %get3A_1243 = tpu.vector_load %arg5[%get3A_1241, %get3A_1242] {strides = array<i32>} : memref<2x1024xf32, #tpu.memory_space<vmem>>, vector<16xf32>,
    %lt3A_1244 = arith.cmpi slt, %add3A_1239, %gather3A_828 : vector<16xi32>
    %jit3A_1245 = arith.constant 0.000000e+00 : f32
    %broadcast_in_dim3A_1246 = vector.broadcast %jit3A_1245 : f32 to vector<16xf32>
    %select_n3A_1247 = arith.select %lt3A_1244, %get3A_1243, %broadcast_in_dim3A_1246 : vector<16xi1>, vector<16xf32>
    %add3A_1248 = arith.addf %add3A_1236, %select_n3A_1247 : vector<16xf32>
    %add3A_1249 = arith.constant 560 : i32
    %add3A_1250 = vector.broadcast %add3A_1249 : i32 to vector<16xi32>
    %add3A_1251 = arith.addi %add3A_1250, %iota3A : vector<16xi32>
    %get3A_1252 = arith.constant 1 : i32
    %get3A_1253 = arith.index_cast %get3A_1252 : i32 to index
    %get3A_1254 = arith.constant 560 : index
    %get3A_1255 = tpu.vector_load %arg5[%get3A_1253, %get3A_1254] {strides = array<i32>} : memref<2x1024xf32, #tpu.memory_space<vmem>>, vector<16xf32>,
    %lt3A_1256 = arith.cmpi slt, %add3A_1251, %gather3A_828 : vector<16xi32>
    %jit3A_1257 = arith.constant 0.000000e+00 : f32
    %broadcast_in_dim3A_1258 = vector.broadcast %jit3A_1257 : f32 to vector<16xf32>
    %select_n3A_1259 = arith.select %lt3A_1256, %get3A_1255, %broadcast_in_dim3A_1258 : vector<16xi1>, vector<16xf32>
    %add3A_1260 = arith.addf %add3A_1248, %select_n3A_1259 : vector<16xf32>
    %add3A_1261 = arith.constant 576 : i32
    %add3A_1262 = vector.broadcast %add3A_1261 : i32 to vector<16xi32>
    %add3A_1263 = arith.addi %add3A_1262, %iota3A : vector<16xi32>
    %get3A_1264 = arith.constant 1 : i32
    %get3A_1265 = arith.index_cast %get3A_1264 : i32 to index
    %get3A_1266 = arith.constant 576 : index
    %get3A_1267 = tpu.vector_load %arg5[%get3A_1265, %get3A_1266] {strides = array<i32>} : memref<2x1024xf32, #tpu.memory_space<vmem>>, vector<16xf32>,
    %lt3A_1268 = arith.cmpi slt, %add3A_1263, %gather3A_828 : vector<16xi32>
    %jit3A_1269 = arith.constant 0.000000e+00 : f32
    %broadcast_in_dim3A_1270 = vector.broadcast %jit3A_1269 : f32 to vector<16xf32>
    %select_n3A_1271 = arith.select %lt3A_1268, %get3A_1267, %broadcast_in_dim3A_1270 : vector<16xi1>, vector<16xf32>
    %add3A_1272 = arith.addf %add3A_1260, %select_n3A_1271 : vector<16xf32>
    %add3A_1273 = arith.constant 592 : i32
    %add3A_1274 = vector.broadcast %add3A_1273 : i32 to vector<16xi32>
    %add3A_1275 = arith.addi %add3A_1274, %iota3A : vector<16xi32>
    %get3A_1276 = arith.constant 1 : i32
    %get3A_1277 = arith.index_cast %get3A_1276 : i32 to index
    %get3A_1278 = arith.constant 592 : index
    %get3A_1279 = tpu.vector_load %arg5[%get3A_1277, %get3A_1278] {strides = array<i32>} : memref<2x1024xf32, #tpu.memory_space<vmem>>, vector<16xf32>,
    %lt3A_1280 = arith.cmpi slt, %add3A_1275, %gather3A_828 : vector<16xi32>
    %jit3A_1281 = arith.constant 0.000000e+00 : f32
    %broadcast_in_dim3A_1282 = vector.broadcast %jit3A_1281 : f32 to vector<16xf32>
    %select_n3A_1283 = arith.select %lt3A_1280, %get3A_1279, %broadcast_in_dim3A_1282 : vector<16xi1>, vector<16xf32>
    %add3A_1284 = arith.addf %add3A_1272, %select_n3A_1283 : vector<16xf32>
    %add3A_1285 = arith.constant 608 : i32
    %add3A_1286 = vector.broadcast %add3A_1285 : i32 to vector<16xi32>
    %add3A_1287 = arith.addi %add3A_1286, %iota3A : vector<16xi32>
    %get3A_1288 = arith.constant 1 : i32
    %get3A_1289 = arith.index_cast %get3A_1288 : i32 to index
    %get3A_1290 = arith.constant 608 : index
    %get3A_1291 = tpu.vector_load %arg5[%get3A_1289, %get3A_1290] {strides = array<i32>} : memref<2x1024xf32, #tpu.memory_space<vmem>>, vector<16xf32>,
    %lt3A_1292 = arith.cmpi slt, %add3A_1287, %gather3A_828 : vector<16xi32>
    %jit3A_1293 = arith.constant 0.000000e+00 : f32
    %broadcast_in_dim3A_1294 = vector.broadcast %jit3A_1293 : f32 to vector<16xf32>
    %select_n3A_1295 = arith.select %lt3A_1292, %get3A_1291, %broadcast_in_dim3A_1294 : vector<16xi1>, vector<16xf32>
    %add3A_1296 = arith.addf %add3A_1284, %select_n3A_1295 : vector<16xf32>
    %add3A_1297 = arith.constant 624 : i32
    %add3A_1298 = vector.broadcast %add3A_1297 : i32 to vector<16xi32>
    %add3A_1299 = arith.addi %add3A_1298, %iota3A : vector<16xi32>
    %get3A_1300 = arith.constant 1 : i32
    %get3A_1301 = arith.index_cast %get3A_1300 : i32 to index
    %get3A_1302 = arith.constant 624 : index
    %get3A_1303 = tpu.vector_load %arg5[%get3A_1301, %get3A_1302] {strides = array<i32>} : memref<2x1024xf32, #tpu.memory_space<vmem>>, vector<16xf32>,
    %lt3A_1304 = arith.cmpi slt, %add3A_1299, %gather3A_828 : vector<16xi32>
    %jit3A_1305 = arith.constant 0.000000e+00 : f32
    %broadcast_in_dim3A_1306 = vector.broadcast %jit3A_1305 : f32 to vector<16xf32>
    %select_n3A_1307 = arith.select %lt3A_1304, %get3A_1303, %broadcast_in_dim3A_1306 : vector<16xi1>, vector<16xf32>
    %add3A_1308 = arith.addf %add3A_1296, %select_n3A_1307 : vector<16xf32>
    %add3A_1309 = arith.constant 640 : i32
    %add3A_1310 = vector.broadcast %add3A_1309 : i32 to vector<16xi32>
    %add3A_1311 = arith.addi %add3A_1310, %iota3A : vector<16xi32>
    %get3A_1312 = arith.constant 1 : i32
    %get3A_1313 = arith.index_cast %get3A_1312 : i32 to index
    %get3A_1314 = arith.constant 640 : index
    %get3A_1315 = tpu.vector_load %arg5[%get3A_1313, %get3A_1314] {strides = array<i32>} : memref<2x1024xf32, #tpu.memory_space<vmem>>, vector<16xf32>,
    %lt3A_1316 = arith.cmpi slt, %add3A_1311, %gather3A_828 : vector<16xi32>
    %jit3A_1317 = arith.constant 0.000000e+00 : f32
    %broadcast_in_dim3A_1318 = vector.broadcast %jit3A_1317 : f32 to vector<16xf32>
    %select_n3A_1319 = arith.select %lt3A_1316, %get3A_1315, %broadcast_in_dim3A_1318 : vector<16xi1>, vector<16xf32>
    %add3A_1320 = arith.addf %add3A_1308, %select_n3A_1319 : vector<16xf32>
    %add3A_1321 = arith.constant 656 : i32
    %add3A_1322 = vector.broadcast %add3A_1321 : i32 to vector<16xi32>
    %add3A_1323 = arith.addi %add3A_1322, %iota3A : vector<16xi32>
    %get3A_1324 = arith.constant 1 : i32
    %get3A_1325 = arith.index_cast %get3A_1324 : i32 to index
    %get3A_1326 = arith.constant 656 : index
    %get3A_1327 = tpu.vector_load %arg5[%get3A_1325, %get3A_1326] {strides = array<i32>} : memref<2x1024xf32, #tpu.memory_space<vmem>>, vector<16xf32>,
    %lt3A_1328 = arith.cmpi slt, %add3A_1323, %gather3A_828 : vector<16xi32>
    %jit3A_1329 = arith.constant 0.000000e+00 : f32
    %broadcast_in_dim3A_1330 = vector.broadcast %jit3A_1329 : f32 to vector<16xf32>
    %select_n3A_1331 = arith.select %lt3A_1328, %get3A_1327, %broadcast_in_dim3A_1330 : vector<16xi1>, vector<16xf32>
    %add3A_1332 = arith.addf %add3A_1320, %select_n3A_1331 : vector<16xf32>
    %add3A_1333 = arith.constant 672 : i32
    %add3A_1334 = vector.broadcast %add3A_1333 : i32 to vector<16xi32>
    %add3A_1335 = arith.addi %add3A_1334, %iota3A : vector<16xi32>
    %get3A_1336 = arith.constant 1 : i32
    %get3A_1337 = arith.index_cast %get3A_1336 : i32 to index
    %get3A_1338 = arith.constant 672 : index
    %get3A_1339 = tpu.vector_load %arg5[%get3A_1337, %get3A_1338] {strides = array<i32>} : memref<2x1024xf32, #tpu.memory_space<vmem>>, vector<16xf32>,
    %lt3A_1340 = arith.cmpi slt, %add3A_1335, %gather3A_828 : vector<16xi32>
    %jit3A_1341 = arith.constant 0.000000e+00 : f32
    %broadcast_in_dim3A_1342 = vector.broadcast %jit3A_1341 : f32 to vector<16xf32>
    %select_n3A_1343 = arith.select %lt3A_1340, %get3A_1339, %broadcast_in_dim3A_1342 : vector<16xi1>, vector<16xf32>
    %add3A_1344 = arith.addf %add3A_1332, %select_n3A_1343 : vector<16xf32>
    %add3A_1345 = arith.constant 688 : i32
    %add3A_1346 = vector.broadcast %add3A_1345 : i32 to vector<16xi32>
    %add3A_1347 = arith.addi %add3A_1346, %iota3A : vector<16xi32>
    %get3A_1348 = arith.constant 1 : i32
    %get3A_1349 = arith.index_cast %get3A_1348 : i32 to index
    %get3A_1350 = arith.constant 688 : index
    %get3A_1351 = tpu.vector_load %arg5[%get3A_1349, %get3A_1350] {strides = array<i32>} : memref<2x1024xf32, #tpu.memory_space<vmem>>, vector<16xf32>,
    %lt3A_1352 = arith.cmpi slt, %add3A_1347, %gather3A_828 : vector<16xi32>
    %jit3A_1353 = arith.constant 0.000000e+00 : f32
    %broadcast_in_dim3A_1354 = vector.broadcast %jit3A_1353 : f32 to vector<16xf32>
    %select_n3A_1355 = arith.select %lt3A_1352, %get3A_1351, %broadcast_in_dim3A_1354 : vector<16xi1>, vector<16xf32>
    %add3A_1356 = arith.addf %add3A_1344, %select_n3A_1355 : vector<16xf32>
    %add3A_1357 = arith.constant 704 : i32
    %add3A_1358 = vector.broadcast %add3A_1357 : i32 to vector<16xi32>
    %add3A_1359 = arith.addi %add3A_1358, %iota3A : vector<16xi32>
    %get3A_1360 = arith.constant 1 : i32
    %get3A_1361 = arith.index_cast %get3A_1360 : i32 to index
    %get3A_1362 = arith.constant 704 : index
    %get3A_1363 = tpu.vector_load %arg5[%get3A_1361, %get3A_1362] {strides = array<i32>} : memref<2x1024xf32, #tpu.memory_space<vmem>>, vector<16xf32>,
    %lt3A_1364 = arith.cmpi slt, %add3A_1359, %gather3A_828 : vector<16xi32>
    %jit3A_1365 = arith.constant 0.000000e+00 : f32
    %broadcast_in_dim3A_1366 = vector.broadcast %jit3A_1365 : f32 to vector<16xf32>
    %select_n3A_1367 = arith.select %lt3A_1364, %get3A_1363, %broadcast_in_dim3A_1366 : vector<16xi1>, vector<16xf32>
    %add3A_1368 = arith.addf %add3A_1356, %select_n3A_1367 : vector<16xf32>
    %add3A_1369 = arith.constant 720 : i32
    %add3A_1370 = vector.broadcast %add3A_1369 : i32 to vector<16xi32>
    %add3A_1371 = arith.addi %add3A_1370, %iota3A : vector<16xi32>
    %get3A_1372 = arith.constant 1 : i32
    %get3A_1373 = arith.index_cast %get3A_1372 : i32 to index
    %get3A_1374 = arith.constant 720 : index
    %get3A_1375 = tpu.vector_load %arg5[%get3A_1373, %get3A_1374] {strides = array<i32>} : memref<2x1024xf32, #tpu.memory_space<vmem>>, vector<16xf32>,
    %lt3A_1376 = arith.cmpi slt, %add3A_1371, %gather3A_828 : vector<16xi32>
    %jit3A_1377 = arith.constant 0.000000e+00 : f32
    %broadcast_in_dim3A_1378 = vector.broadcast %jit3A_1377 : f32 to vector<16xf32>
    %select_n3A_1379 = arith.select %lt3A_1376, %get3A_1375, %broadcast_in_dim3A_1378 : vector<16xi1>, vector<16xf32>
    %add3A_1380 = arith.addf %add3A_1368, %select_n3A_1379 : vector<16xf32>
    %add3A_1381 = arith.constant 736 : i32
    %add3A_1382 = vector.broadcast %add3A_1381 : i32 to vector<16xi32>
    %add3A_1383 = arith.addi %add3A_1382, %iota3A : vector<16xi32>
    %get3A_1384 = arith.constant 1 : i32
    %get3A_1385 = arith.index_cast %get3A_1384 : i32 to index
    %get3A_1386 = arith.constant 736 : index
    %get3A_1387 = tpu.vector_load %arg5[%get3A_1385, %get3A_1386] {strides = array<i32>} : memref<2x1024xf32, #tpu.memory_space<vmem>>, vector<16xf32>,
    %lt3A_1388 = arith.cmpi slt, %add3A_1383, %gather3A_828 : vector<16xi32>
    %jit3A_1389 = arith.constant 0.000000e+00 : f32
    %broadcast_in_dim3A_1390 = vector.broadcast %jit3A_1389 : f32 to vector<16xf32>
    %select_n3A_1391 = arith.select %lt3A_1388, %get3A_1387, %broadcast_in_dim3A_1390 : vector<16xi1>, vector<16xf32>
    %add3A_1392 = arith.addf %add3A_1380, %select_n3A_1391 : vector<16xf32>
    %add3A_1393 = arith.constant 752 : i32
    %add3A_1394 = vector.broadcast %add3A_1393 : i32 to vector<16xi32>
    %add3A_1395 = arith.addi %add3A_1394, %iota3A : vector<16xi32>
    %get3A_1396 = arith.constant 1 : i32
    %get3A_1397 = arith.index_cast %get3A_1396 : i32 to index
    %get3A_1398 = arith.constant 752 : index
    %get3A_1399 = tpu.vector_load %arg5[%get3A_1397, %get3A_1398] {strides = array<i32>} : memref<2x1024xf32, #tpu.memory_space<vmem>>, vector<16xf32>,
    %lt3A_1400 = arith.cmpi slt, %add3A_1395, %gather3A_828 : vector<16xi32>
    %jit3A_1401 = arith.constant 0.000000e+00 : f32
    %broadcast_in_dim3A_1402 = vector.broadcast %jit3A_1401 : f32 to vector<16xf32>
    %select_n3A_1403 = arith.select %lt3A_1400, %get3A_1399, %broadcast_in_dim3A_1402 : vector<16xi1>, vector<16xf32>
    %add3A_1404 = arith.addf %add3A_1392, %select_n3A_1403 : vector<16xf32>
    %add3A_1405 = arith.constant 768 : i32
    %add3A_1406 = vector.broadcast %add3A_1405 : i32 to vector<16xi32>
    %add3A_1407 = arith.addi %add3A_1406, %iota3A : vector<16xi32>
    %get3A_1408 = arith.constant 1 : i32
    %get3A_1409 = arith.index_cast %get3A_1408 : i32 to index
    %get3A_1410 = arith.constant 768 : index
    %get3A_1411 = tpu.vector_load %arg5[%get3A_1409, %get3A_1410] {strides = array<i32>} : memref<2x1024xf32, #tpu.memory_space<vmem>>, vector<16xf32>,
    %lt3A_1412 = arith.cmpi slt, %add3A_1407, %gather3A_828 : vector<16xi32>
    %jit3A_1413 = arith.constant 0.000000e+00 : f32
    %broadcast_in_dim3A_1414 = vector.broadcast %jit3A_1413 : f32 to vector<16xf32>
    %select_n3A_1415 = arith.select %lt3A_1412, %get3A_1411, %broadcast_in_dim3A_1414 : vector<16xi1>, vector<16xf32>
    %add3A_1416 = arith.addf %add3A_1404, %select_n3A_1415 : vector<16xf32>
    %add3A_1417 = arith.constant 784 : i32
    %add3A_1418 = vector.broadcast %add3A_1417 : i32 to vector<16xi32>
    %add3A_1419 = arith.addi %add3A_1418, %iota3A : vector<16xi32>
    %get3A_1420 = arith.constant 1 : i32
    %get3A_1421 = arith.index_cast %get3A_1420 : i32 to index
    %get3A_1422 = arith.constant 784 : index
    %get3A_1423 = tpu.vector_load %arg5[%get3A_1421, %get3A_1422] {strides = array<i32>} : memref<2x1024xf32, #tpu.memory_space<vmem>>, vector<16xf32>,
    %lt3A_1424 = arith.cmpi slt, %add3A_1419, %gather3A_828 : vector<16xi32>
    %jit3A_1425 = arith.constant 0.000000e+00 : f32
    %broadcast_in_dim3A_1426 = vector.broadcast %jit3A_1425 : f32 to vector<16xf32>
    %select_n3A_1427 = arith.select %lt3A_1424, %get3A_1423, %broadcast_in_dim3A_1426 : vector<16xi1>, vector<16xf32>
    %add3A_1428 = arith.addf %add3A_1416, %select_n3A_1427 : vector<16xf32>
    %add3A_1429 = arith.constant 800 : i32
    %add3A_1430 = vector.broadcast %add3A_1429 : i32 to vector<16xi32>
    %add3A_1431 = arith.addi %add3A_1430, %iota3A : vector<16xi32>
    %get3A_1432 = arith.constant 1 : i32
    %get3A_1433 = arith.index_cast %get3A_1432 : i32 to index
    %get3A_1434 = arith.constant 800 : index
    %get3A_1435 = tpu.vector_load %arg5[%get3A_1433, %get3A_1434] {strides = array<i32>} : memref<2x1024xf32, #tpu.memory_space<vmem>>, vector<16xf32>,
    %lt3A_1436 = arith.cmpi slt, %add3A_1431, %gather3A_828 : vector<16xi32>
    %jit3A_1437 = arith.constant 0.000000e+00 : f32
    %broadcast_in_dim3A_1438 = vector.broadcast %jit3A_1437 : f32 to vector<16xf32>
    %select_n3A_1439 = arith.select %lt3A_1436, %get3A_1435, %broadcast_in_dim3A_1438 : vector<16xi1>, vector<16xf32>
    %add3A_1440 = arith.addf %add3A_1428, %select_n3A_1439 : vector<16xf32>
    %add3A_1441 = arith.constant 816 : i32
    %add3A_1442 = vector.broadcast %add3A_1441 : i32 to vector<16xi32>
    %add3A_1443 = arith.addi %add3A_1442, %iota3A : vector<16xi32>
    %get3A_1444 = arith.constant 1 : i32
    %get3A_1445 = arith.index_cast %get3A_1444 : i32 to index
    %get3A_1446 = arith.constant 816 : index
    %get3A_1447 = tpu.vector_load %arg5[%get3A_1445, %get3A_1446] {strides = array<i32>} : memref<2x1024xf32, #tpu.memory_space<vmem>>, vector<16xf32>,
    %lt3A_1448 = arith.cmpi slt, %add3A_1443, %gather3A_828 : vector<16xi32>
    %jit3A_1449 = arith.constant 0.000000e+00 : f32
    %broadcast_in_dim3A_1450 = vector.broadcast %jit3A_1449 : f32 to vector<16xf32>
    %select_n3A_1451 = arith.select %lt3A_1448, %get3A_1447, %broadcast_in_dim3A_1450 : vector<16xi1>, vector<16xf32>
    %add3A_1452 = arith.addf %add3A_1440, %select_n3A_1451 : vector<16xf32>
    %add3A_1453 = arith.constant 832 : i32
    %add3A_1454 = vector.broadcast %add3A_1453 : i32 to vector<16xi32>
    %add3A_1455 = arith.addi %add3A_1454, %iota3A : vector<16xi32>
    %get3A_1456 = arith.constant 1 : i32
    %get3A_1457 = arith.index_cast %get3A_1456 : i32 to index
    %get3A_1458 = arith.constant 832 : index
    %get3A_1459 = tpu.vector_load %arg5[%get3A_1457, %get3A_1458] {strides = array<i32>} : memref<2x1024xf32, #tpu.memory_space<vmem>>, vector<16xf32>,
    %lt3A_1460 = arith.cmpi slt, %add3A_1455, %gather3A_828 : vector<16xi32>
    %jit3A_1461 = arith.constant 0.000000e+00 : f32
    %broadcast_in_dim3A_1462 = vector.broadcast %jit3A_1461 : f32 to vector<16xf32>
    %select_n3A_1463 = arith.select %lt3A_1460, %get3A_1459, %broadcast_in_dim3A_1462 : vector<16xi1>, vector<16xf32>
    %add3A_1464 = arith.addf %add3A_1452, %select_n3A_1463 : vector<16xf32>
    %add3A_1465 = arith.constant 848 : i32
    %add3A_1466 = vector.broadcast %add3A_1465 : i32 to vector<16xi32>
    %add3A_1467 = arith.addi %add3A_1466, %iota3A : vector<16xi32>
    %get3A_1468 = arith.constant 1 : i32
    %get3A_1469 = arith.index_cast %get3A_1468 : i32 to index
    %get3A_1470 = arith.constant 848 : index
    %get3A_1471 = tpu.vector_load %arg5[%get3A_1469, %get3A_1470] {strides = array<i32>} : memref<2x1024xf32, #tpu.memory_space<vmem>>, vector<16xf32>,
    %lt3A_1472 = arith.cmpi slt, %add3A_1467, %gather3A_828 : vector<16xi32>
    %jit3A_1473 = arith.constant 0.000000e+00 : f32
    %broadcast_in_dim3A_1474 = vector.broadcast %jit3A_1473 : f32 to vector<16xf32>
    %select_n3A_1475 = arith.select %lt3A_1472, %get3A_1471, %broadcast_in_dim3A_1474 : vector<16xi1>, vector<16xf32>
    %add3A_1476 = arith.addf %add3A_1464, %select_n3A_1475 : vector<16xf32>
    %add3A_1477 = arith.constant 864 : i32
    %add3A_1478 = vector.broadcast %add3A_1477 : i32 to vector<16xi32>
    %add3A_1479 = arith.addi %add3A_1478, %iota3A : vector<16xi32>
    %get3A_1480 = arith.constant 1 : i32
    %get3A_1481 = arith.index_cast %get3A_1480 : i32 to index
    %get3A_1482 = arith.constant 864 : index
    %get3A_1483 = tpu.vector_load %arg5[%get3A_1481, %get3A_1482] {strides = array<i32>} : memref<2x1024xf32, #tpu.memory_space<vmem>>, vector<16xf32>,
    %lt3A_1484 = arith.cmpi slt, %add3A_1479, %gather3A_828 : vector<16xi32>
    %jit3A_1485 = arith.constant 0.000000e+00 : f32
    %broadcast_in_dim3A_1486 = vector.broadcast %jit3A_1485 : f32 to vector<16xf32>
    %select_n3A_1487 = arith.select %lt3A_1484, %get3A_1483, %broadcast_in_dim3A_1486 : vector<16xi1>, vector<16xf32>
    %add3A_1488 = arith.addf %add3A_1476, %select_n3A_1487 : vector<16xf32>
    %add3A_1489 = arith.constant 880 : i32
    %add3A_1490 = vector.broadcast %add3A_1489 : i32 to vector<16xi32>
    %add3A_1491 = arith.addi %add3A_1490, %iota3A : vector<16xi32>
    %get3A_1492 = arith.constant 1 : i32
    %get3A_1493 = arith.index_cast %get3A_1492 : i32 to index
    %get3A_1494 = arith.constant 880 : index
    %get3A_1495 = tpu.vector_load %arg5[%get3A_1493, %get3A_1494] {strides = array<i32>} : memref<2x1024xf32, #tpu.memory_space<vmem>>, vector<16xf32>,
    %lt3A_1496 = arith.cmpi slt, %add3A_1491, %gather3A_828 : vector<16xi32>
    %jit3A_1497 = arith.constant 0.000000e+00 : f32
    %broadcast_in_dim3A_1498 = vector.broadcast %jit3A_1497 : f32 to vector<16xf32>
    %select_n3A_1499 = arith.select %lt3A_1496, %get3A_1495, %broadcast_in_dim3A_1498 : vector<16xi1>, vector<16xf32>
    %add3A_1500 = arith.addf %add3A_1488, %select_n3A_1499 : vector<16xf32>
    %add3A_1501 = arith.constant 896 : i32
    %add3A_1502 = vector.broadcast %add3A_1501 : i32 to vector<16xi32>
    %add3A_1503 = arith.addi %add3A_1502, %iota3A : vector<16xi32>
    %get3A_1504 = arith.constant 1 : i32
    %get3A_1505 = arith.index_cast %get3A_1504 : i32 to index
    %get3A_1506 = arith.constant 896 : index
    %get3A_1507 = tpu.vector_load %arg5[%get3A_1505, %get3A_1506] {strides = array<i32>} : memref<2x1024xf32, #tpu.memory_space<vmem>>, vector<16xf32>,
    %lt3A_1508 = arith.cmpi slt, %add3A_1503, %gather3A_828 : vector<16xi32>
    %jit3A_1509 = arith.constant 0.000000e+00 : f32
    %broadcast_in_dim3A_1510 = vector.broadcast %jit3A_1509 : f32 to vector<16xf32>
    %select_n3A_1511 = arith.select %lt3A_1508, %get3A_1507, %broadcast_in_dim3A_1510 : vector<16xi1>, vector<16xf32>
    %add3A_1512 = arith.addf %add3A_1500, %select_n3A_1511 : vector<16xf32>
    %add3A_1513 = arith.constant 912 : i32
    %add3A_1514 = vector.broadcast %add3A_1513 : i32 to vector<16xi32>
    %add3A_1515 = arith.addi %add3A_1514, %iota3A : vector<16xi32>
    %get3A_1516 = arith.constant 1 : i32
    %get3A_1517 = arith.index_cast %get3A_1516 : i32 to index
    %get3A_1518 = arith.constant 912 : index
    %get3A_1519 = tpu.vector_load %arg5[%get3A_1517, %get3A_1518] {strides = array<i32>} : memref<2x1024xf32, #tpu.memory_space<vmem>>, vector<16xf32>,
    %lt3A_1520 = arith.cmpi slt, %add3A_1515, %gather3A_828 : vector<16xi32>
    %jit3A_1521 = arith.constant 0.000000e+00 : f32
    %broadcast_in_dim3A_1522 = vector.broadcast %jit3A_1521 : f32 to vector<16xf32>
    %select_n3A_1523 = arith.select %lt3A_1520, %get3A_1519, %broadcast_in_dim3A_1522 : vector<16xi1>, vector<16xf32>
    %add3A_1524 = arith.addf %add3A_1512, %select_n3A_1523 : vector<16xf32>
    %add3A_1525 = arith.constant 928 : i32
    %add3A_1526 = vector.broadcast %add3A_1525 : i32 to vector<16xi32>
    %add3A_1527 = arith.addi %add3A_1526, %iota3A : vector<16xi32>
    %get3A_1528 = arith.constant 1 : i32
    %get3A_1529 = arith.index_cast %get3A_1528 : i32 to index
    %get3A_1530 = arith.constant 928 : index
    %get3A_1531 = tpu.vector_load %arg5[%get3A_1529, %get3A_1530] {strides = array<i32>} : memref<2x1024xf32, #tpu.memory_space<vmem>>, vector<16xf32>,
    %lt3A_1532 = arith.cmpi slt, %add3A_1527, %gather3A_828 : vector<16xi32>
    %jit3A_1533 = arith.constant 0.000000e+00 : f32
    %broadcast_in_dim3A_1534 = vector.broadcast %jit3A_1533 : f32 to vector<16xf32>
    %select_n3A_1535 = arith.select %lt3A_1532, %get3A_1531, %broadcast_in_dim3A_1534 : vector<16xi1>, vector<16xf32>
    %add3A_1536 = arith.addf %add3A_1524, %select_n3A_1535 : vector<16xf32>
    %add3A_1537 = arith.constant 944 : i32
    %add3A_1538 = vector.broadcast %add3A_1537 : i32 to vector<16xi32>
    %add3A_1539 = arith.addi %add3A_1538, %iota3A : vector<16xi32>
    %get3A_1540 = arith.constant 1 : i32
    %get3A_1541 = arith.index_cast %get3A_1540 : i32 to index
    %get3A_1542 = arith.constant 944 : index
    %get3A_1543 = tpu.vector_load %arg5[%get3A_1541, %get3A_1542] {strides = array<i32>} : memref<2x1024xf32, #tpu.memory_space<vmem>>, vector<16xf32>,
    %lt3A_1544 = arith.cmpi slt, %add3A_1539, %gather3A_828 : vector<16xi32>
    %jit3A_1545 = arith.constant 0.000000e+00 : f32
    %broadcast_in_dim3A_1546 = vector.broadcast %jit3A_1545 : f32 to vector<16xf32>
    %select_n3A_1547 = arith.select %lt3A_1544, %get3A_1543, %broadcast_in_dim3A_1546 : vector<16xi1>, vector<16xf32>
    %add3A_1548 = arith.addf %add3A_1536, %select_n3A_1547 : vector<16xf32>
    %add3A_1549 = arith.constant 960 : i32
    %add3A_1550 = vector.broadcast %add3A_1549 : i32 to vector<16xi32>
    %add3A_1551 = arith.addi %add3A_1550, %iota3A : vector<16xi32>
    %get3A_1552 = arith.constant 1 : i32
    %get3A_1553 = arith.index_cast %get3A_1552 : i32 to index
    %get3A_1554 = arith.constant 960 : index
    %get3A_1555 = tpu.vector_load %arg5[%get3A_1553, %get3A_1554] {strides = array<i32>} : memref<2x1024xf32, #tpu.memory_space<vmem>>, vector<16xf32>,
    %lt3A_1556 = arith.cmpi slt, %add3A_1551, %gather3A_828 : vector<16xi32>
    %jit3A_1557 = arith.constant 0.000000e+00 : f32
    %broadcast_in_dim3A_1558 = vector.broadcast %jit3A_1557 : f32 to vector<16xf32>
    %select_n3A_1559 = arith.select %lt3A_1556, %get3A_1555, %broadcast_in_dim3A_1558 : vector<16xi1>, vector<16xf32>
    %add3A_1560 = arith.addf %add3A_1548, %select_n3A_1559 : vector<16xf32>
    %add3A_1561 = arith.constant 976 : i32
    %add3A_1562 = vector.broadcast %add3A_1561 : i32 to vector<16xi32>
    %add3A_1563 = arith.addi %add3A_1562, %iota3A : vector<16xi32>
    %get3A_1564 = arith.constant 1 : i32
    %get3A_1565 = arith.index_cast %get3A_1564 : i32 to index
    %get3A_1566 = arith.constant 976 : index
    %get3A_1567 = tpu.vector_load %arg5[%get3A_1565, %get3A_1566] {strides = array<i32>} : memref<2x1024xf32, #tpu.memory_space<vmem>>, vector<16xf32>,
    %lt3A_1568 = arith.cmpi slt, %add3A_1563, %gather3A_828 : vector<16xi32>
    %jit3A_1569 = arith.constant 0.000000e+00 : f32
    %broadcast_in_dim3A_1570 = vector.broadcast %jit3A_1569 : f32 to vector<16xf32>
    %select_n3A_1571 = arith.select %lt3A_1568, %get3A_1567, %broadcast_in_dim3A_1570 : vector<16xi1>, vector<16xf32>
    %add3A_1572 = arith.addf %add3A_1560, %select_n3A_1571 : vector<16xf32>
    %add3A_1573 = arith.constant 992 : i32
    %add3A_1574 = vector.broadcast %add3A_1573 : i32 to vector<16xi32>
    %add3A_1575 = arith.addi %add3A_1574, %iota3A : vector<16xi32>
    %get3A_1576 = arith.constant 1 : i32
    %get3A_1577 = arith.index_cast %get3A_1576 : i32 to index
    %get3A_1578 = arith.constant 992 : index
    %get3A_1579 = tpu.vector_load %arg5[%get3A_1577, %get3A_1578] {strides = array<i32>} : memref<2x1024xf32, #tpu.memory_space<vmem>>, vector<16xf32>,
    %lt3A_1580 = arith.cmpi slt, %add3A_1575, %gather3A_828 : vector<16xi32>
    %jit3A_1581 = arith.constant 0.000000e+00 : f32
    %broadcast_in_dim3A_1582 = vector.broadcast %jit3A_1581 : f32 to vector<16xf32>
    %select_n3A_1583 = arith.select %lt3A_1580, %get3A_1579, %broadcast_in_dim3A_1582 : vector<16xi1>, vector<16xf32>
    %add3A_1584 = arith.addf %add3A_1572, %select_n3A_1583 : vector<16xf32>
    %add3A_1585 = arith.constant 1008 : i32
    %add3A_1586 = vector.broadcast %add3A_1585 : i32 to vector<16xi32>
    %add3A_1587 = arith.addi %add3A_1586, %iota3A : vector<16xi32>
    %get3A_1588 = arith.constant 1 : i32
    %get3A_1589 = arith.index_cast %get3A_1588 : i32 to index
    %get3A_1590 = arith.constant 1008 : index
    %get3A_1591 = tpu.vector_load %arg5[%get3A_1589, %get3A_1590] {strides = array<i32>} : memref<2x1024xf32, #tpu.memory_space<vmem>>, vector<16xf32>,
    %lt3A_1592 = arith.cmpi slt, %add3A_1587, %gather3A_828 : vector<16xi32>
    %jit3A_1593 = arith.constant 0.000000e+00 : f32
    %broadcast_in_dim3A_1594 = vector.broadcast %jit3A_1593 : f32 to vector<16xf32>
    %select_n3A_1595 = arith.select %lt3A_1592, %get3A_1591, %broadcast_in_dim3A_1594 : vector<16xi1>, vector<16xf32>
    %add3A_1596 = arith.addf %add3A_1584, %select_n3A_1595 : vector<16xf32>
    %swap3A = arith.constant 0 : index
    %swap3A_1597 = tpu.vector_load %arg7[%swap3A] {strides = array<i32>} : memref<16xf32, #tpu.memory_space<vmem>>, vector<16xf32>,
    tpu.vector_store %arg7[%swap3A], %add3A_1596 {strides = array<i32>} : memref<16xf32, #tpu.memory_space<vmem>>, vector<16xf32>,
    "tpu.region"() ({
      %run_scoped3A = tpu.sem_alloc : memref<!tpu.dma_semaphore, #tpu.memory_space<semaphore_mem>>
      %dma_start3A_1598 = arith.constant 0 : i32
      %dma_start3A_1599 = tpu.memref_slice %arg4[%add3A, %dma_start3A_1598] : memref<32x16xf32, #tpu.memory_space<hbm>> -> memref<1x16xf32, #tpu.memory_space<hbm>>
      %dma_start3A_1600 = tpu.memref_squeeze %dma_start3A_1599 : memref<1x16xf32, #tpu.memory_space<hbm>> -> memref<16xf32, #tpu.memory_space<hbm>>
      %dma_start3A_1601 = arith.constant 0 : i32
      %dma_start3A_1602 = tpu.memref_slice %arg4[%add3A, %dma_start3A_1601] : memref<32x16xf32, #tpu.memory_space<hbm>> -> memref<1x16xf32, #tpu.memory_space<hbm>>
      %dma_start3A_1603 = tpu.memref_squeeze %dma_start3A_1602 : memref<1x16xf32, #tpu.memory_space<hbm>> -> memref<16xf32, #tpu.memory_space<hbm>>
      tpu.enqueue_dma source(%arg7 : memref<16xf32, #tpu.memory_space<vmem>>) target(%dma_start3A_1603 : memref<16xf32, #tpu.memory_space<hbm>>) target_semaphore(%run_scoped3A : memref<!tpu.dma_semaphore, #tpu.memory_space<semaphore_mem>>)
      %dma_wait3A_1604 = arith.constant 0 : i32
      %dma_wait3A_1605 = tpu.memref_slice %arg4[%add3A, %dma_wait3A_1604] : memref<32x16xf32, #tpu.memory_space<hbm>> -> memref<1x16xf32, #tpu.memory_space<hbm>>
      %dma_wait3A_1606 = tpu.memref_squeeze %dma_wait3A_1605 : memref<1x16xf32, #tpu.memory_space<hbm>> -> memref<16xf32, #tpu.memory_space<hbm>>
      %dma_wait3A_1607 = arith.constant 0 : i32
      %dma_wait3A_1608 = tpu.memref_slice %arg4[%add3A, %dma_wait3A_1607] : memref<32x16xf32, #tpu.memory_space<hbm>> -> memref<1x16xf32, #tpu.memory_space<hbm>>
      %dma_wait3A_1609 = tpu.memref_squeeze %dma_wait3A_1608 : memref<1x16xf32, #tpu.memory_space<hbm>> -> memref<16xf32, #tpu.memory_space<hbm>>
      tpu.wait_dma2 semaphore(%run_scoped3A : memref<!tpu.dma_semaphore, #tpu.memory_space<semaphore_mem>>) src(%arg7 : memref<16xf32, #tpu.memory_space<vmem>>) dst(%dma_wait3A_1609 : memref<16xf32, #tpu.memory_space<hbm>>)
      tpu.yield
    }) : () -> ()
    return
  }
}

module attributes {stable_mosaic.version = 14 : i64} {
  func.func @_den_body(%arg0: i32, %arg1: memref<8x128xf32, #tpu.memory_space<vmem>>, %arg2: memref<256x128xf32, #tpu.memory_space<vmem>>, %arg3: memref<1x128xf32, #tpu.memory_space<vmem>>, %arg4: memref<8x8xi32, #tpu.memory_space<vmem>>, %arg5: memref<8x1024xi32, #tpu.memory_space<vmem>>, %arg6: memref<43x8x1024xf32, #tpu.memory_space<vmem>>, %arg7: memref<1x1xf32, #tpu.memory_space<smem>>, %arg8: memref<8x1024xf32, #tpu.memory_space<vmem>>) attributes {dimension_semantics = [#tpu.dimension_semantics<arbitrary>], iteration_bounds = array<i64: 8>, scalar_prefetch = 0 : i64, scratch_operands = 0 : i64, tpu.core_type = #tpu.core_type<tc>, window_params = [{pipeline_mode = #tpu.pipeline_mode<synchronous>, transform_indices = @transform_0, window_bounds = array<i64: 8, 128>}, {pipeline_mode = #tpu.pipeline_mode<synchronous>, transform_indices = @transform_1, window_bounds = array<i64: 256, 128>}, {pipeline_mode = #tpu.pipeline_mode<synchronous>, transform_indices = @transform_2, window_bounds = array<i64: 1, 128>}, {transform_indices = @transform_3, window_bounds = array<i64: 8, 8>}, {transform_indices = @transform_4, window_bounds = array<i64: 8, 1024>}, {transform_indices = @transform_5, window_bounds = array<i64: 43, 8, 1024>}, {transform_indices = @transform_6, window_bounds = array<i64: 1, 1>}, {transform_indices = @transform_7, window_bounds = array<i64: 8, 1024>}]} {
    %get3A = arith.constant 0 : index
    %get3A_0 = arith.constant 0 : index
    %get3A_1 = vector.load %arg3[%get3A, %get3A_0] : memref<1x128xf32, #tpu.memory_space<vmem>>, vector<1x128xf32>
    %get3A_2 = arith.constant 0 : index
    %get3A_3 = arith.constant 0 : index
    %get3A_4 = vector.load %arg1[%get3A_2, %get3A_3] : memref<8x128xf32, #tpu.memory_space<vmem>>, vector<8x128xf32>
    %slice3A = vector.extract_strided_slice %get3A_4 {offsets = [0, 0], sizes = [1, 128], strides = [1, 1]} : vector<8x128xf32> to vector<1x128xf32>
    %slice3A_5 = vector.extract_strided_slice %get3A_4 {offsets = [1, 0], sizes = [1, 128], strides = [1, 1]} : vector<8x128xf32> to vector<1x128xf32>
    %exp3A = math.exp %get3A_1 : vector<1x128xf32>
    %mul3A = arith.mulf %exp3A, %slice3A : vector<1x128xf32>
    %reduce_sum3A = vector.shape_cast %mul3A : vector<1x128xf32> to vector<1x1x128xf32>
    %reduce_sum3A_6 = arith.constant dense<0.000000e+00> : vector<1xf32>
    %reduce_sum3A_7 = vector.multi_reduction <add>, %reduce_sum3A, %reduce_sum3A_6 [1, 2] : vector<1x1x128xf32> to vector<1xf32>
    %reduce_sum3A_8 = vector.shape_cast %reduce_sum3A_7 : vector<1xf32> to vector<1x1x1xf32>
    %reduce_sum3A_9 = vector.extract %reduce_sum3A_8[0, 0, 0] : f32 from vector<1x1x1xf32>
    %log3A = math.log %reduce_sum3A_9 : f32
    %mul3A_10 = arith.mulf %exp3A, %slice3A_5 : vector<1x128xf32>
    %reduce_sum3A_11 = vector.shape_cast %mul3A_10 : vector<1x128xf32> to vector<1x1x128xf32>
    %reduce_sum3A_12 = arith.constant dense<0.000000e+00> : vector<1xf32>
    %reduce_sum3A_13 = vector.multi_reduction <add>, %reduce_sum3A_11, %reduce_sum3A_12 [1, 2] : vector<1x1x128xf32> to vector<1xf32>
    %reduce_sum3A_14 = vector.shape_cast %reduce_sum3A_13 : vector<1xf32> to vector<1x1x1xf32>
    %reduce_sum3A_15 = vector.extract %reduce_sum3A_14[0, 0, 0] : f32 from vector<1x1x1xf32>
    %log3A_16 = math.log %reduce_sum3A_15 : f32
    %mul3A_17 = vector.broadcast %log3A : f32 to vector<1x128xf32>
    %mul3A_18 = arith.mulf %slice3A, %mul3A_17 : vector<1x128xf32>
    %sub3A = arith.subf %get3A_1, %mul3A_18 : vector<1x128xf32>
    %mul3A_19 = vector.broadcast %log3A_16 : f32 to vector<1x128xf32>
    %mul3A_20 = arith.mulf %slice3A_5, %mul3A_19 : vector<1x128xf32>
    %sub3A_21 = arith.subf %sub3A, %mul3A_20 : vector<1x128xf32>
    %exp3A_22 = math.exp %sub3A_21 : vector<1x128xf32>
    %add3A = arith.addf %slice3A, %slice3A_5 : vector<1x128xf32>
    %mul3A_23 = arith.mulf %exp3A_22, %add3A : vector<1x128xf32>
    %get3A_24 = arith.constant 0 : index
    %get3A_25 = arith.constant 0 : index
    %get3A_26 = vector.load %arg2[%get3A_24, %get3A_25] : memref<256x128xf32, #tpu.memory_space<vmem>>, vector<128x128xf32>
    %dot_general3A = arith.constant dense<0.000000e+00> : vector<1x128xf32>
    %dot_general3A_27 = tpu.matmul %mul3A_23, %get3A_26, %dot_general3A {dimension_numbers = #tpu.dot_dimension_numbers<[1], [0], [0], [1], [0, 0, 1, 1], [], []>, transpose_lhs_hint = false} : vector<1x128xf32>, vector<128x128xf32>, vector<1x128xf32> -> vector<1x128xf32>
    %get3A_28 = arith.constant 128 : index
    %get3A_29 = arith.constant 0 : index
    %get3A_30 = vector.load %arg2[%get3A_28, %get3A_29] : memref<256x128xf32, #tpu.memory_space<vmem>>, vector<128x128xf32>
    %dot_general3A_31 = arith.constant dense<0.000000e+00> : vector<1x128xf32>
    %dot_general3A_32 = tpu.matmul %mul3A_23, %get3A_30, %dot_general3A_31 {dimension_numbers = #tpu.dot_dimension_numbers<[1], [0], [0], [1], [0, 0, 1, 1], [], []>, transpose_lhs_hint = false} : vector<1x128xf32>, vector<128x128xf32>, vector<1x128xf32> -> vector<1x128xf32>
    %slice3A_33 = vector.extract_strided_slice %get3A_4 {offsets = [2, 0], sizes = [1, 128], strides = [1, 1]} : vector<8x128xf32> to vector<1x128xf32>
    %mul3A_34 = arith.mulf %sub3A_21, %slice3A_33 : vector<1x128xf32>
    %reduce_sum3A_35 = vector.shape_cast %mul3A_34 : vector<1x128xf32> to vector<1x1x128xf32>
    %reduce_sum3A_36 = arith.constant dense<0.000000e+00> : vector<1xf32>
    %reduce_sum3A_37 = vector.multi_reduction <add>, %reduce_sum3A_35, %reduce_sum3A_36 [1, 2] : vector<1x1x128xf32> to vector<1xf32>
    %reduce_sum3A_38 = vector.shape_cast %reduce_sum3A_37 : vector<1xf32> to vector<1x1x1xf32>
    %reduce_sum3A_39 = vector.extract %reduce_sum3A_38[0, 0, 0] : f32 from vector<1x1x1xf32>
    %slice3A_40 = vector.extract_strided_slice %get3A_4 {offsets = [3, 0], sizes = [1, 128], strides = [1, 1]} : vector<8x128xf32> to vector<1x128xf32>
    %mul3A_41 = arith.mulf %sub3A_21, %slice3A_40 : vector<1x128xf32>
    %reduce_sum3A_42 = vector.shape_cast %mul3A_41 : vector<1x128xf32> to vector<1x1x128xf32>
    %reduce_sum3A_43 = arith.constant dense<0.000000e+00> : vector<1xf32>
    %reduce_sum3A_44 = vector.multi_reduction <add>, %reduce_sum3A_42, %reduce_sum3A_43 [1, 2] : vector<1x1x128xf32> to vector<1xf32>
    %reduce_sum3A_45 = vector.shape_cast %reduce_sum3A_44 : vector<1xf32> to vector<1x1x1xf32>
    %reduce_sum3A_46 = vector.extract %reduce_sum3A_45[0, 0, 0] : f32 from vector<1x1x1xf32>
    %slice3A_47 = vector.extract_strided_slice %get3A_4 {offsets = [4, 0], sizes = [1, 128], strides = [1, 1]} : vector<8x128xf32> to vector<1x128xf32>
    %mul3A_48 = arith.mulf %sub3A_21, %slice3A_47 : vector<1x128xf32>
    %reduce_sum3A_49 = vector.shape_cast %mul3A_48 : vector<1x128xf32> to vector<1x1x128xf32>
    %reduce_sum3A_50 = arith.constant dense<0.000000e+00> : vector<1xf32>
    %reduce_sum3A_51 = vector.multi_reduction <add>, %reduce_sum3A_49, %reduce_sum3A_50 [1, 2] : vector<1x1x128xf32> to vector<1xf32>
    %reduce_sum3A_52 = vector.shape_cast %reduce_sum3A_51 : vector<1xf32> to vector<1x1x1xf32>
    %reduce_sum3A_53 = vector.extract %reduce_sum3A_52[0, 0, 0] : f32 from vector<1x1x1xf32>
    %transpose3A = tpu.transpose %dot_general3A_27, [1, 0] : vector<1x128xf32> -> vector<128x1xf32>
    %slice3A_54 = vector.extract_strided_slice %transpose3A {offsets = [0, 0], sizes = [43, 1], strides = [1, 1]} : vector<128x1xf32> to vector<43x1xf32>
    %reshape3A = vector.shape_cast %slice3A_54 : vector<43x1xf32> to vector<43x1x1xf32>
    %transpose3A_55 = tpu.transpose %dot_general3A_32, [1, 0] : vector<1x128xf32> -> vector<128x1xf32>
    %slice3A_56 = vector.extract_strided_slice %transpose3A_55 {offsets = [0, 0], sizes = [43, 1], strides = [1, 1]} : vector<128x1xf32> to vector<43x1xf32>
    %reshape3A_57 = vector.shape_cast %slice3A_56 : vector<43x1xf32> to vector<43x1x1xf32>
    %get3A_58 = arith.constant 0 : index
    %get3A_59 = arith.constant 0 : index
    %get3A_60 = arith.constant 0 : index
    %get3A_61 = vector.load %arg6[%get3A_58, %get3A_59, %get3A_60] : memref<43x8x1024xf32, #tpu.memory_space<vmem>>, vector<43x8x1024xf32>
    %exp3A_62 = math.exp %get3A_61 : vector<43x8x1024xf32>
    %mul3A_63 = vector.broadcast %reshape3A : vector<43x1x1xf32> to vector<43x8x1024xf32>
    %mul3A_64 = arith.mulf %exp3A_62, %mul3A_63 : vector<43x8x1024xf32>
    %reduce_sum3A_65 = arith.constant dense<0.000000e+00> : vector<8x1024xf32>
    %reduce_sum3A_66 = vector.multi_reduction <add>, %mul3A_64, %reduce_sum3A_65 [0] : vector<43x8x1024xf32> to vector<8x1024xf32>
    %mul3A_67 = vector.broadcast %reshape3A_57 : vector<43x1x1xf32> to vector<43x8x1024xf32>
    %mul3A_68 = arith.mulf %exp3A_62, %mul3A_67 : vector<43x8x1024xf32>
    %reduce_sum3A_69 = arith.constant dense<0.000000e+00> : vector<8x1024xf32>
    %reduce_sum3A_70 = vector.multi_reduction <add>, %mul3A_68, %reduce_sum3A_69 [0] : vector<43x8x1024xf32> to vector<8x1024xf32>
    %get3A_71 = arith.constant 0 : index
    %get3A_72 = arith.constant 0 : index
    %get3A_73 = vector.load %arg5[%get3A_71, %get3A_72] : memref<8x1024xi32, #tpu.memory_space<vmem>>, vector<8x1024xi32>
    %iota3A = tpu.iota {dimensions = array<i32: 0>} : vector<43x8x1024xi32>
    %broadcast_in_dim3A = vector.shape_cast %get3A_73 : vector<8x1024xi32> to vector<1x8x1024xi32>
    %eq3A = vector.broadcast %broadcast_in_dim3A : vector<1x8x1024xi32> to vector<43x8x1024xi32>
    %eq3A_74 = arith.cmpi eq, %iota3A, %eq3A : vector<43x8x1024xi32>
    %jit3A = arith.constant 0.000000e+00 : f32
    %broadcast_in_dim3A_75 = vector.broadcast %jit3A : f32 to vector<43x8x1024xf32>
    %select_n3A = arith.select %eq3A_74, %get3A_61, %broadcast_in_dim3A_75 : vector<43x8x1024xi1>, vector<43x8x1024xf32>
    %reduce_sum3A_76 = arith.constant dense<0.000000e+00> : vector<8x1024xf32>
    %reduce_sum3A_77 = vector.multi_reduction <add>, %select_n3A, %reduce_sum3A_76 [0] : vector<43x8x1024xf32> to vector<8x1024xf32>
    %swap3A = arith.constant 0 : index
    %swap3A_78 = arith.constant 0 : index
    %swap3A_79 = vector.load %arg8[%swap3A, %swap3A_78] : memref<8x1024xf32, #tpu.memory_space<vmem>>, vector<8x1024xf32>
    tpu.vector_store %arg8[%swap3A, %swap3A_78], %reduce_sum3A_77 {strides = array<i32>} : memref<8x1024xf32, #tpu.memory_space<vmem>>, vector<8x1024xf32>,
    %log3A_80 = math.log %reduce_sum3A_66 : vector<8x1024xf32>
    %log3A_81 = math.log %reduce_sum3A_70 : vector<8x1024xf32>
    %slice3A_82 = vector.extract_strided_slice %get3A_61 {offsets = [2, 0, 0], sizes = [1, 8, 1024], strides = [1, 1, 1]} : vector<43x8x1024xf32> to vector<1x8x1024xf32>
    %squeeze3A = vector.shape_cast %slice3A_82 : vector<1x8x1024xf32> to vector<8x1024xf32>
    %add3A_83 = vector.broadcast %reduce_sum3A_39 : f32 to vector<8x1024xf32>
    %add3A_84 = arith.addf %squeeze3A, %add3A_83 : vector<8x1024xf32>
    %add3A_85 = vector.broadcast %reduce_sum3A_46 : f32 to vector<8x1024xf32>
    %add3A_86 = arith.addf %squeeze3A, %add3A_85 : vector<8x1024xf32>
    %get3A_87 = arith.constant 0 : index
    %get3A_88 = arith.constant 0 : index
    %get3A_89 = vector.load %arg4[%get3A_87, %get3A_88] : memref<8x8xi32, #tpu.memory_space<vmem>>, vector<8x8xi32>
    %slice3A_90 = vector.extract_strided_slice %get3A_89 {offsets = [0, 0], sizes = [8, 1], strides = [1, 1]} : vector<8x8xi32> to vector<8x1xi32>
    %iota3A_91 = tpu.iota {dimensions = array<i32: 1>} : vector<8x1024xi32>
    %lt3A = vector.broadcast %slice3A_90 : vector<8x1xi32> to vector<8x1024xi32>
    %lt3A_92 = arith.cmpi slt, %iota3A_91, %lt3A : vector<8x1024xi32>
    %jit3A_93 = arith.constant 0.000000e+00 : f32
    %broadcast_in_dim3A_94 = vector.broadcast %jit3A_93 : f32 to vector<8x1024xf32>
    %select_n3A_95 = arith.select %lt3A_92, %log3A_80, %broadcast_in_dim3A_94 : vector<8x1024xi1>, vector<8x1024xf32>
    %jit3A_96 = arith.constant -1.000000e+30 : f32
    %broadcast_in_dim3A_97 = vector.broadcast %jit3A_96 : f32 to vector<8x1024xf32>
    %select_n3A_98 = arith.select %lt3A_92, %add3A_84, %broadcast_in_dim3A_97 : vector<8x1024xi1>, vector<8x1024xf32>
    %jit3A_99 = arith.constant -1.000000e+30 : f32
    %broadcast_in_dim3A_100 = vector.broadcast %jit3A_99 : f32 to vector<8x1024xf32>
    %select_n3A_101 = arith.select %lt3A_92, %log3A_81, %broadcast_in_dim3A_100 : vector<8x1024xi1>, vector<8x1024xf32>
    %jit3A_102 = arith.constant 0.000000e+00 : f32
    %broadcast_in_dim3A_103 = vector.broadcast %jit3A_102 : f32 to vector<8x1024xf32>
    %select_n3A_104 = arith.select %lt3A_92, %add3A_86, %broadcast_in_dim3A_103 : vector<8x1024xi1>, vector<8x1024xf32>
    %broadcast_in_dim3A_105 = arith.constant 0.000000e+00 : f32
    %broadcast_in_dim3A_106 = vector.broadcast %broadcast_in_dim3A_105 : f32 to vector<8x1xf32>
    %slice3A_107 = vector.extract_strided_slice %select_n3A_95 {offsets = [0, 0], sizes = [8, 1023], strides = [1, 1]} : vector<8x1024xf32> to vector<8x1023xf32>
    %concatenate3A = tpu.concatenate %broadcast_in_dim3A_106, %slice3A_107 in 1 : vector<8x1xf32>, vector<8x1023xf32> -> vector<8x1024xf32>
    %broadcast_in_dim3A_108 = arith.constant -1.000000e+30 : f32
    %broadcast_in_dim3A_109 = vector.broadcast %broadcast_in_dim3A_108 : f32 to vector<8x1xf32>
    %slice3A_110 = vector.extract_strided_slice %select_n3A_98 {offsets = [0, 0], sizes = [8, 1023], strides = [1, 1]} : vector<8x1024xf32> to vector<8x1023xf32>
    %concatenate3A_111 = tpu.concatenate %broadcast_in_dim3A_109, %slice3A_110 in 1 : vector<8x1xf32>, vector<8x1023xf32> -> vector<8x1024xf32>
    %broadcast_in_dim3A_112 = arith.constant -1.000000e+30 : f32
    %broadcast_in_dim3A_113 = vector.broadcast %broadcast_in_dim3A_112 : f32 to vector<8x1xf32>
    %slice3A_114 = vector.extract_strided_slice %select_n3A_101 {offsets = [0, 0], sizes = [8, 1023], strides = [1, 1]} : vector<8x1024xf32> to vector<8x1023xf32>
    %concatenate3A_115 = tpu.concatenate %broadcast_in_dim3A_113, %slice3A_114 in 1 : vector<8x1xf32>, vector<8x1023xf32> -> vector<8x1024xf32>
    %broadcast_in_dim3A_116 = arith.constant 0.000000e+00 : f32
    %broadcast_in_dim3A_117 = vector.broadcast %broadcast_in_dim3A_116 : f32 to vector<8x1xf32>
    %slice3A_118 = vector.extract_strided_slice %select_n3A_104 {offsets = [0, 0], sizes = [8, 1023], strides = [1, 1]} : vector<8x1024xf32> to vector<8x1023xf32>
    %concatenate3A_119 = tpu.concatenate %broadcast_in_dim3A_117, %slice3A_118 in 1 : vector<8x1xf32>, vector<8x1023xf32> -> vector<8x1024xf32>
    %add3A_120 = arith.addf %concatenate3A, %select_n3A_95 : vector<8x1024xf32>
    %add3A_121 = arith.addf %concatenate3A_111, %select_n3A_101 : vector<8x1024xf32>
    %max3A = arith.maximumf %add3A_120, %add3A_121 : vector<8x1024xf32>
    %sub3A_122 = arith.subf %add3A_120, %add3A_121 : vector<8x1024xf32>
    %abs3A = math.absf %sub3A_122 : vector<8x1024xf32>
    %neg3A = arith.constant 0.000000e+00 : f32
    %neg3A_123 = vector.broadcast %neg3A : f32 to vector<8x1024xf32>
    %neg3A_124 = arith.subf %neg3A_123, %abs3A : vector<8x1024xf32>
    %exp3A_125 = math.exp %neg3A_124 : vector<8x1024xf32>
    %log1p3A = math.log1p %exp3A_125 : vector<8x1024xf32>
    %add3A_126 = arith.addf %max3A, %log1p3A : vector<8x1024xf32>
    %max3A_127 = arith.constant -1.000000e+30 : f32
    %max3A_128 = vector.broadcast %max3A_127 : f32 to vector<8x1024xf32>
    %max3A_129 = arith.maximumf %add3A_126, %max3A_128 : vector<8x1024xf32>
    %add3A_130 = arith.addf %concatenate3A, %select_n3A_98 : vector<8x1024xf32>
    %add3A_131 = arith.addf %concatenate3A_111, %select_n3A_104 : vector<8x1024xf32>
    %max3A_132 = arith.maximumf %add3A_130, %add3A_131 : vector<8x1024xf32>
    %sub3A_133 = arith.subf %add3A_130, %add3A_131 : vector<8x1024xf32>
    %abs3A_134 = math.absf %sub3A_133 : vector<8x1024xf32>
    %neg3A_135 = arith.constant 0.000000e+00 : f32
    %neg3A_136 = vector.broadcast %neg3A_135 : f32 to vector<8x1024xf32>
    %neg3A_137 = arith.subf %neg3A_136, %abs3A_134 : vector<8x1024xf32>
    %exp3A_138 = math.exp %neg3A_137 : vector<8x1024xf32>
    %log1p3A_139 = math.log1p %exp3A_138 : vector<8x1024xf32>
    %add3A_140 = arith.addf %max3A_132, %log1p3A_139 : vector<8x1024xf32>
    %add3A_141 = arith.addf %concatenate3A_115, %select_n3A_95 : vector<8x1024xf32>
    %add3A_142 = arith.addf %concatenate3A_119, %select_n3A_101 : vector<8x1024xf32>
    %max3A_143 = arith.maximumf %add3A_141, %add3A_142 : vector<8x1024xf32>
    %sub3A_144 = arith.subf %add3A_141, %add3A_142 : vector<8x1024xf32>
    %abs3A_145 = math.absf %sub3A_144 : vector<8x1024xf32>
    %neg3A_146 = arith.constant 0.000000e+00 : f32
    %neg3A_147 = vector.broadcast %neg3A_146 : f32 to vector<8x1024xf32>
    %neg3A_148 = arith.subf %neg3A_147, %abs3A_145 : vector<8x1024xf32>
    %exp3A_149 = math.exp %neg3A_148 : vector<8x1024xf32>
    %log1p3A_150 = math.log1p %exp3A_149 : vector<8x1024xf32>
    %add3A_151 = arith.addf %max3A_143, %log1p3A_150 : vector<8x1024xf32>
    %add3A_152 = arith.addf %concatenate3A_115, %select_n3A_98 : vector<8x1024xf32>
    %add3A_153 = arith.addf %concatenate3A_119, %select_n3A_104 : vector<8x1024xf32>
    %max3A_154 = arith.maximumf %add3A_152, %add3A_153 : vector<8x1024xf32>
    %sub3A_155 = arith.subf %add3A_152, %add3A_153 : vector<8x1024xf32>
    %abs3A_156 = math.absf %sub3A_155 : vector<8x1024xf32>
    %neg3A_157 = arith.constant 0.000000e+00 : f32
    %neg3A_158 = vector.broadcast %neg3A_157 : f32 to vector<8x1024xf32>
    %neg3A_159 = arith.subf %neg3A_158, %abs3A_156 : vector<8x1024xf32>
    %exp3A_160 = math.exp %neg3A_159 : vector<8x1024xf32>
    %log1p3A_161 = math.log1p %exp3A_160 : vector<8x1024xf32>
    %add3A_162 = arith.addf %max3A_154, %log1p3A_161 : vector<8x1024xf32>
    %max3A_163 = arith.constant -1.000000e+30 : f32
    %max3A_164 = vector.broadcast %max3A_163 : f32 to vector<8x1024xf32>
    %max3A_165 = arith.maximumf %add3A_140, %max3A_164 : vector<8x1024xf32>
    %max3A_166 = arith.constant -1.000000e+30 : f32
    %max3A_167 = vector.broadcast %max3A_166 : f32 to vector<8x1024xf32>
    %max3A_168 = arith.maximumf %add3A_151, %max3A_167 : vector<8x1024xf32>
    %max3A_169 = arith.constant -1.000000e+30 : f32
    %max3A_170 = vector.broadcast %max3A_169 : f32 to vector<8x1024xf32>
    %max3A_171 = arith.maximumf %add3A_162, %max3A_170 : vector<8x1024xf32>
    %broadcast_in_dim3A_172 = arith.constant 0.000000e+00 : f32
    %broadcast_in_dim3A_173 = vector.broadcast %broadcast_in_dim3A_172 : f32 to vector<8x2xf32>
    %slice3A_174 = vector.extract_strided_slice %max3A_129 {offsets = [0, 0], sizes = [8, 1022], strides = [1, 1]} : vector<8x1024xf32> to vector<8x1022xf32>
    %concatenate3A_175 = tpu.concatenate %broadcast_in_dim3A_173, %slice3A_174 in 1 : vector<8x2xf32>, vector<8x1022xf32> -> vector<8x1024xf32>
    %broadcast_in_dim3A_176 = arith.constant -1.000000e+30 : f32
    %broadcast_in_dim3A_177 = vector.broadcast %broadcast_in_dim3A_176 : f32 to vector<8x2xf32>
    %slice3A_178 = vector.extract_strided_slice %max3A_165 {offsets = [0, 0], sizes = [8, 1022], strides = [1, 1]} : vector<8x1024xf32> to vector<8x1022xf32>
    %concatenate3A_179 = tpu.concatenate %broadcast_in_dim3A_177, %slice3A_178 in 1 : vector<8x2xf32>, vector<8x1022xf32> -> vector<8x1024xf32>
    %broadcast_in_dim3A_180 = arith.constant -1.000000e+30 : f32
    %broadcast_in_dim3A_181 = vector.broadcast %broadcast_in_dim3A_180 : f32 to vector<8x2xf32>
    %slice3A_182 = vector.extract_strided_slice %max3A_168 {offsets = [0, 0], sizes = [8, 1022], strides = [1, 1]} : vector<8x1024xf32> to vector<8x1022xf32>
    %concatenate3A_183 = tpu.concatenate %broadcast_in_dim3A_181, %slice3A_182 in 1 : vector<8x2xf32>, vector<8x1022xf32> -> vector<8x1024xf32>
    %broadcast_in_dim3A_184 = arith.constant 0.000000e+00 : f32
    %broadcast_in_dim3A_185 = vector.broadcast %broadcast_in_dim3A_184 : f32 to vector<8x2xf32>
    %slice3A_186 = vector.extract_strided_slice %max3A_171 {offsets = [0, 0], sizes = [8, 1022], strides = [1, 1]} : vector<8x1024xf32> to vector<8x1022xf32>
    %concatenate3A_187 = tpu.concatenate %broadcast_in_dim3A_185, %slice3A_186 in 1 : vector<8x2xf32>, vector<8x1022xf32> -> vector<8x1024xf32>
    %add3A_188 = arith.addf %concatenate3A_175, %max3A_129 : vector<8x1024xf32>
    %add3A_189 = arith.addf %concatenate3A_179, %max3A_168 : vector<8x1024xf32>
    %max3A_190 = arith.maximumf %add3A_188, %add3A_189 : vector<8x1024xf32>
    %sub3A_191 = arith.subf %add3A_188, %add3A_189 : vector<8x1024xf32>
    %abs3A_192 = math.absf %sub3A_191 : vector<8x1024xf32>
    %neg3A_193 = arith.constant 0.000000e+00 : f32
    %neg3A_194 = vector.broadcast %neg3A_193 : f32 to vector<8x1024xf32>
    %neg3A_195 = arith.subf %neg3A_194, %abs3A_192 : vector<8x1024xf32>
    %exp3A_196 = math.exp %neg3A_195 : vector<8x1024xf32>
    %log1p3A_197 = math.log1p %exp3A_196 : vector<8x1024xf32>
    %add3A_198 = arith.addf %max3A_190, %log1p3A_197 : vector<8x1024xf32>
    %max3A_199 = arith.constant -1.000000e+30 : f32
    %max3A_200 = vector.broadcast %max3A_199 : f32 to vector<8x1024xf32>
    %max3A_201 = arith.maximumf %add3A_198, %max3A_200 : vector<8x1024xf32>
    %add3A_202 = arith.addf %concatenate3A_175, %max3A_165 : vector<8x1024xf32>
    %add3A_203 = arith.addf %concatenate3A_179, %max3A_171 : vector<8x1024xf32>
    %max3A_204 = arith.maximumf %add3A_202, %add3A_203 : vector<8x1024xf32>
    %sub3A_205 = arith.subf %add3A_202, %add3A_203 : vector<8x1024xf32>
    %abs3A_206 = math.absf %sub3A_205 : vector<8x1024xf32>
    %neg3A_207 = arith.constant 0.000000e+00 : f32
    %neg3A_208 = vector.broadcast %neg3A_207 : f32 to vector<8x1024xf32>
    %neg3A_209 = arith.subf %neg3A_208, %abs3A_206 : vector<8x1024xf32>
    %exp3A_210 = math.exp %neg3A_209 : vector<8x1024xf32>
    %log1p3A_211 = math.log1p %exp3A_210 : vector<8x1024xf32>
    %add3A_212 = arith.addf %max3A_204, %log1p3A_211 : vector<8x1024xf32>
    %add3A_213 = arith.addf %concatenate3A_183, %max3A_129 : vector<8x1024xf32>
    %add3A_214 = arith.addf %concatenate3A_187, %max3A_168 : vector<8x1024xf32>
    %max3A_215 = arith.maximumf %add3A_213, %add3A_214 : vector<8x1024xf32>
    %sub3A_216 = arith.subf %add3A_213, %add3A_214 : vector<8x1024xf32>
    %abs3A_217 = math.absf %sub3A_216 : vector<8x1024xf32>
    %neg3A_218 = arith.constant 0.000000e+00 : f32
    %neg3A_219 = vector.broadcast %neg3A_218 : f32 to vector<8x1024xf32>
    %neg3A_220 = arith.subf %neg3A_219, %abs3A_217 : vector<8x1024xf32>
    %exp3A_221 = math.exp %neg3A_220 : vector<8x1024xf32>
    %log1p3A_222 = math.log1p %exp3A_221 : vector<8x1024xf32>
    %add3A_223 = arith.addf %max3A_215, %log1p3A_222 : vector<8x1024xf32>
    %add3A_224 = arith.addf %concatenate3A_183, %max3A_165 : vector<8x1024xf32>
    %add3A_225 = arith.addf %concatenate3A_187, %max3A_171 : vector<8x1024xf32>
    %max3A_226 = arith.maximumf %add3A_224, %add3A_225 : vector<8x1024xf32>
    %sub3A_227 = arith.subf %add3A_224, %add3A_225 : vector<8x1024xf32>
    %abs3A_228 = math.absf %sub3A_227 : vector<8x1024xf32>
    %neg3A_229 = arith.constant 0.000000e+00 : f32
    %neg3A_230 = vector.broadcast %neg3A_229 : f32 to vector<8x1024xf32>
    %neg3A_231 = arith.subf %neg3A_230, %abs3A_228 : vector<8x1024xf32>
    %exp3A_232 = math.exp %neg3A_231 : vector<8x1024xf32>
    %log1p3A_233 = math.log1p %exp3A_232 : vector<8x1024xf32>
    %add3A_234 = arith.addf %max3A_226, %log1p3A_233 : vector<8x1024xf32>
    %max3A_235 = arith.constant -1.000000e+30 : f32
    %max3A_236 = vector.broadcast %max3A_235 : f32 to vector<8x1024xf32>
    %max3A_237 = arith.maximumf %add3A_212, %max3A_236 : vector<8x1024xf32>
    %max3A_238 = arith.constant -1.000000e+30 : f32
    %max3A_239 = vector.broadcast %max3A_238 : f32 to vector<8x1024xf32>
    %max3A_240 = arith.maximumf %add3A_223, %max3A_239 : vector<8x1024xf32>
    %max3A_241 = arith.constant -1.000000e+30 : f32
    %max3A_242 = vector.broadcast %max3A_241 : f32 to vector<8x1024xf32>
    %max3A_243 = arith.maximumf %add3A_234, %max3A_242 : vector<8x1024xf32>
    %broadcast_in_dim3A_244 = arith.constant 0.000000e+00 : f32
    %broadcast_in_dim3A_245 = vector.broadcast %broadcast_in_dim3A_244 : f32 to vector<8x4xf32>
    %slice3A_246 = vector.extract_strided_slice %max3A_201 {offsets = [0, 0], sizes = [8, 1020], strides = [1, 1]} : vector<8x1024xf32> to vector<8x1020xf32>
    %concatenate3A_247 = tpu.concatenate %broadcast_in_dim3A_245, %slice3A_246 in 1 : vector<8x4xf32>, vector<8x1020xf32> -> vector<8x1024xf32>
    %broadcast_in_dim3A_248 = arith.constant -1.000000e+30 : f32
    %broadcast_in_dim3A_249 = vector.broadcast %broadcast_in_dim3A_248 : f32 to vector<8x4xf32>
    %slice3A_250 = vector.extract_strided_slice %max3A_237 {offsets = [0, 0], sizes = [8, 1020], strides = [1, 1]} : vector<8x1024xf32> to vector<8x1020xf32>
    %concatenate3A_251 = tpu.concatenate %broadcast_in_dim3A_249, %slice3A_250 in 1 : vector<8x4xf32>, vector<8x1020xf32> -> vector<8x1024xf32>
    %broadcast_in_dim3A_252 = arith.constant -1.000000e+30 : f32
    %broadcast_in_dim3A_253 = vector.broadcast %broadcast_in_dim3A_252 : f32 to vector<8x4xf32>
    %slice3A_254 = vector.extract_strided_slice %max3A_240 {offsets = [0, 0], sizes = [8, 1020], strides = [1, 1]} : vector<8x1024xf32> to vector<8x1020xf32>
    %concatenate3A_255 = tpu.concatenate %broadcast_in_dim3A_253, %slice3A_254 in 1 : vector<8x4xf32>, vector<8x1020xf32> -> vector<8x1024xf32>
    %broadcast_in_dim3A_256 = arith.constant 0.000000e+00 : f32
    %broadcast_in_dim3A_257 = vector.broadcast %broadcast_in_dim3A_256 : f32 to vector<8x4xf32>
    %slice3A_258 = vector.extract_strided_slice %max3A_243 {offsets = [0, 0], sizes = [8, 1020], strides = [1, 1]} : vector<8x1024xf32> to vector<8x1020xf32>
    %concatenate3A_259 = tpu.concatenate %broadcast_in_dim3A_257, %slice3A_258 in 1 : vector<8x4xf32>, vector<8x1020xf32> -> vector<8x1024xf32>
    %add3A_260 = arith.addf %concatenate3A_247, %max3A_201 : vector<8x1024xf32>
    %add3A_261 = arith.addf %concatenate3A_251, %max3A_240 : vector<8x1024xf32>
    %max3A_262 = arith.maximumf %add3A_260, %add3A_261 : vector<8x1024xf32>
    %sub3A_263 = arith.subf %add3A_260, %add3A_261 : vector<8x1024xf32>
    %abs3A_264 = math.absf %sub3A_263 : vector<8x1024xf32>
    %neg3A_265 = arith.constant 0.000000e+00 : f32
    %neg3A_266 = vector.broadcast %neg3A_265 : f32 to vector<8x1024xf32>
    %neg3A_267 = arith.subf %neg3A_266, %abs3A_264 : vector<8x1024xf32>
    %exp3A_268 = math.exp %neg3A_267 : vector<8x1024xf32>
    %log1p3A_269 = math.log1p %exp3A_268 : vector<8x1024xf32>
    %add3A_270 = arith.addf %max3A_262, %log1p3A_269 : vector<8x1024xf32>
    %max3A_271 = arith.constant -1.000000e+30 : f32
    %max3A_272 = vector.broadcast %max3A_271 : f32 to vector<8x1024xf32>
    %max3A_273 = arith.maximumf %add3A_270, %max3A_272 : vector<8x1024xf32>
    %add3A_274 = arith.addf %concatenate3A_247, %max3A_237 : vector<8x1024xf32>
    %add3A_275 = arith.addf %concatenate3A_251, %max3A_243 : vector<8x1024xf32>
    %max3A_276 = arith.maximumf %add3A_274, %add3A_275 : vector<8x1024xf32>
    %sub3A_277 = arith.subf %add3A_274, %add3A_275 : vector<8x1024xf32>
    %abs3A_278 = math.absf %sub3A_277 : vector<8x1024xf32>
    %neg3A_279 = arith.constant 0.000000e+00 : f32
    %neg3A_280 = vector.broadcast %neg3A_279 : f32 to vector<8x1024xf32>
    %neg3A_281 = arith.subf %neg3A_280, %abs3A_278 : vector<8x1024xf32>
    %exp3A_282 = math.exp %neg3A_281 : vector<8x1024xf32>
    %log1p3A_283 = math.log1p %exp3A_282 : vector<8x1024xf32>
    %add3A_284 = arith.addf %max3A_276, %log1p3A_283 : vector<8x1024xf32>
    %add3A_285 = arith.addf %concatenate3A_255, %max3A_201 : vector<8x1024xf32>
    %add3A_286 = arith.addf %concatenate3A_259, %max3A_240 : vector<8x1024xf32>
    %max3A_287 = arith.maximumf %add3A_285, %add3A_286 : vector<8x1024xf32>
    %sub3A_288 = arith.subf %add3A_285, %add3A_286 : vector<8x1024xf32>
    %abs3A_289 = math.absf %sub3A_288 : vector<8x1024xf32>
    %neg3A_290 = arith.constant 0.000000e+00 : f32
    %neg3A_291 = vector.broadcast %neg3A_290 : f32 to vector<8x1024xf32>
    %neg3A_292 = arith.subf %neg3A_291, %abs3A_289 : vector<8x1024xf32>
    %exp3A_293 = math.exp %neg3A_292 : vector<8x1024xf32>
    %log1p3A_294 = math.log1p %exp3A_293 : vector<8x1024xf32>
    %add3A_295 = arith.addf %max3A_287, %log1p3A_294 : vector<8x1024xf32>
    %add3A_296 = arith.addf %concatenate3A_255, %max3A_237 : vector<8x1024xf32>
    %add3A_297 = arith.addf %concatenate3A_259, %max3A_243 : vector<8x1024xf32>
    %max3A_298 = arith.maximumf %add3A_296, %add3A_297 : vector<8x1024xf32>
    %sub3A_299 = arith.subf %add3A_296, %add3A_297 : vector<8x1024xf32>
    %abs3A_300 = math.absf %sub3A_299 : vector<8x1024xf32>
    %neg3A_301 = arith.constant 0.000000e+00 : f32
    %neg3A_302 = vector.broadcast %neg3A_301 : f32 to vector<8x1024xf32>
    %neg3A_303 = arith.subf %neg3A_302, %abs3A_300 : vector<8x1024xf32>
    %exp3A_304 = math.exp %neg3A_303 : vector<8x1024xf32>
    %log1p3A_305 = math.log1p %exp3A_304 : vector<8x1024xf32>
    %add3A_306 = arith.addf %max3A_298, %log1p3A_305 : vector<8x1024xf32>
    %max3A_307 = arith.constant -1.000000e+30 : f32
    %max3A_308 = vector.broadcast %max3A_307 : f32 to vector<8x1024xf32>
    %max3A_309 = arith.maximumf %add3A_284, %max3A_308 : vector<8x1024xf32>
    %max3A_310 = arith.constant -1.000000e+30 : f32
    %max3A_311 = vector.broadcast %max3A_310 : f32 to vector<8x1024xf32>
    %max3A_312 = arith.maximumf %add3A_295, %max3A_311 : vector<8x1024xf32>
    %max3A_313 = arith.constant -1.000000e+30 : f32
    %max3A_314 = vector.broadcast %max3A_313 : f32 to vector<8x1024xf32>
    %max3A_315 = arith.maximumf %add3A_306, %max3A_314 : vector<8x1024xf32>
    %broadcast_in_dim3A_316 = arith.constant 0.000000e+00 : f32
    %broadcast_in_dim3A_317 = vector.broadcast %broadcast_in_dim3A_316 : f32 to vector<8x8xf32>
    %slice3A_318 = vector.extract_strided_slice %max3A_273 {offsets = [0, 0], sizes = [8, 1016], strides = [1, 1]} : vector<8x1024xf32> to vector<8x1016xf32>
    %concatenate3A_319 = tpu.concatenate %broadcast_in_dim3A_317, %slice3A_318 in 1 : vector<8x8xf32>, vector<8x1016xf32> -> vector<8x1024xf32>
    %broadcast_in_dim3A_320 = arith.constant -1.000000e+30 : f32
    %broadcast_in_dim3A_321 = vector.broadcast %broadcast_in_dim3A_320 : f32 to vector<8x8xf32>
    %slice3A_322 = vector.extract_strided_slice %max3A_309 {offsets = [0, 0], sizes = [8, 1016], strides = [1, 1]} : vector<8x1024xf32> to vector<8x1016xf32>
    %concatenate3A_323 = tpu.concatenate %broadcast_in_dim3A_321, %slice3A_322 in 1 : vector<8x8xf32>, vector<8x1016xf32> -> vector<8x1024xf32>
    %broadcast_in_dim3A_324 = arith.constant -1.000000e+30 : f32
    %broadcast_in_dim3A_325 = vector.broadcast %broadcast_in_dim3A_324 : f32 to vector<8x8xf32>
    %slice3A_326 = vector.extract_strided_slice %max3A_312 {offsets = [0, 0], sizes = [8, 1016], strides = [1, 1]} : vector<8x1024xf32> to vector<8x1016xf32>
    %concatenate3A_327 = tpu.concatenate %broadcast_in_dim3A_325, %slice3A_326 in 1 : vector<8x8xf32>, vector<8x1016xf32> -> vector<8x1024xf32>
    %broadcast_in_dim3A_328 = arith.constant 0.000000e+00 : f32
    %broadcast_in_dim3A_329 = vector.broadcast %broadcast_in_dim3A_328 : f32 to vector<8x8xf32>
    %slice3A_330 = vector.extract_strided_slice %max3A_315 {offsets = [0, 0], sizes = [8, 1016], strides = [1, 1]} : vector<8x1024xf32> to vector<8x1016xf32>
    %concatenate3A_331 = tpu.concatenate %broadcast_in_dim3A_329, %slice3A_330 in 1 : vector<8x8xf32>, vector<8x1016xf32> -> vector<8x1024xf32>
    %add3A_332 = arith.addf %concatenate3A_319, %max3A_273 : vector<8x1024xf32>
    %add3A_333 = arith.addf %concatenate3A_323, %max3A_312 : vector<8x1024xf32>
    %max3A_334 = arith.maximumf %add3A_332, %add3A_333 : vector<8x1024xf32>
    %sub3A_335 = arith.subf %add3A_332, %add3A_333 : vector<8x1024xf32>
    %abs3A_336 = math.absf %sub3A_335 : vector<8x1024xf32>
    %neg3A_337 = arith.constant 0.000000e+00 : f32
    %neg3A_338 = vector.broadcast %neg3A_337 : f32 to vector<8x1024xf32>
    %neg3A_339 = arith.subf %neg3A_338, %abs3A_336 : vector<8x1024xf32>
    %exp3A_340 = math.exp %neg3A_339 : vector<8x1024xf32>
    %log1p3A_341 = math.log1p %exp3A_340 : vector<8x1024xf32>
    %add3A_342 = arith.addf %max3A_334, %log1p3A_341 : vector<8x1024xf32>
    %max3A_343 = arith.constant -1.000000e+30 : f32
    %max3A_344 = vector.broadcast %max3A_343 : f32 to vector<8x1024xf32>
    %max3A_345 = arith.maximumf %add3A_342, %max3A_344 : vector<8x1024xf32>
    %add3A_346 = arith.addf %concatenate3A_319, %max3A_309 : vector<8x1024xf32>
    %add3A_347 = arith.addf %concatenate3A_323, %max3A_315 : vector<8x1024xf32>
    %max3A_348 = arith.maximumf %add3A_346, %add3A_347 : vector<8x1024xf32>
    %sub3A_349 = arith.subf %add3A_346, %add3A_347 : vector<8x1024xf32>
    %abs3A_350 = math.absf %sub3A_349 : vector<8x1024xf32>
    %neg3A_351 = arith.constant 0.000000e+00 : f32
    %neg3A_352 = vector.broadcast %neg3A_351 : f32 to vector<8x1024xf32>
    %neg3A_353 = arith.subf %neg3A_352, %abs3A_350 : vector<8x1024xf32>
    %exp3A_354 = math.exp %neg3A_353 : vector<8x1024xf32>
    %log1p3A_355 = math.log1p %exp3A_354 : vector<8x1024xf32>
    %add3A_356 = arith.addf %max3A_348, %log1p3A_355 : vector<8x1024xf32>
    %add3A_357 = arith.addf %concatenate3A_327, %max3A_273 : vector<8x1024xf32>
    %add3A_358 = arith.addf %concatenate3A_331, %max3A_312 : vector<8x1024xf32>
    %max3A_359 = arith.maximumf %add3A_357, %add3A_358 : vector<8x1024xf32>
    %sub3A_360 = arith.subf %add3A_357, %add3A_358 : vector<8x1024xf32>
    %abs3A_361 = math.absf %sub3A_360 : vector<8x1024xf32>
    %neg3A_362 = arith.constant 0.000000e+00 : f32
    %neg3A_363 = vector.broadcast %neg3A_362 : f32 to vector<8x1024xf32>
    %neg3A_364 = arith.subf %neg3A_363, %abs3A_361 : vector<8x1024xf32>
    %exp3A_365 = math.exp %neg3A_364 : vector<8x1024xf32>
    %log1p3A_366 = math.log1p %exp3A_365 : vector<8x1024xf32>
    %add3A_367 = arith.addf %max3A_359, %log1p3A_366 : vector<8x1024xf32>
    %add3A_368 = arith.addf %concatenate3A_327, %max3A_309 : vector<8x1024xf32>
    %add3A_369 = arith.addf %concatenate3A_331, %max3A_315 : vector<8x1024xf32>
    %max3A_370 = arith.maximumf %add3A_368, %add3A_369 : vector<8x1024xf32>
    %sub3A_371 = arith.subf %add3A_368, %add3A_369 : vector<8x1024xf32>
    %abs3A_372 = math.absf %sub3A_371 : vector<8x1024xf32>
    %neg3A_373 = arith.constant 0.000000e+00 : f32
    %neg3A_374 = vector.broadcast %neg3A_373 : f32 to vector<8x1024xf32>
    %neg3A_375 = arith.subf %neg3A_374, %abs3A_372 : vector<8x1024xf32>
    %exp3A_376 = math.exp %neg3A_375 : vector<8x1024xf32>
    %log1p3A_377 = math.log1p %exp3A_376 : vector<8x1024xf32>
    %add3A_378 = arith.addf %max3A_370, %log1p3A_377 : vector<8x1024xf32>
    %max3A_379 = arith.constant -1.000000e+30 : f32
    %max3A_380 = vector.broadcast %max3A_379 : f32 to vector<8x1024xf32>
    %max3A_381 = arith.maximumf %add3A_356, %max3A_380 : vector<8x1024xf32>
    %max3A_382 = arith.constant -1.000000e+30 : f32
    %max3A_383 = vector.broadcast %max3A_382 : f32 to vector<8x1024xf32>
    %max3A_384 = arith.maximumf %add3A_367, %max3A_383 : vector<8x1024xf32>
    %max3A_385 = arith.constant -1.000000e+30 : f32
    %max3A_386 = vector.broadcast %max3A_385 : f32 to vector<8x1024xf32>
    %max3A_387 = arith.maximumf %add3A_378, %max3A_386 : vector<8x1024xf32>
    %broadcast_in_dim3A_388 = arith.constant 0.000000e+00 : f32
    %broadcast_in_dim3A_389 = vector.broadcast %broadcast_in_dim3A_388 : f32 to vector<8x16xf32>
    %slice3A_390 = vector.extract_strided_slice %max3A_345 {offsets = [0, 0], sizes = [8, 1008], strides = [1, 1]} : vector<8x1024xf32> to vector<8x1008xf32>
    %concatenate3A_391 = tpu.concatenate %broadcast_in_dim3A_389, %slice3A_390 in 1 : vector<8x16xf32>, vector<8x1008xf32> -> vector<8x1024xf32>
    %broadcast_in_dim3A_392 = arith.constant -1.000000e+30 : f32
    %broadcast_in_dim3A_393 = vector.broadcast %broadcast_in_dim3A_392 : f32 to vector<8x16xf32>
    %slice3A_394 = vector.extract_strided_slice %max3A_381 {offsets = [0, 0], sizes = [8, 1008], strides = [1, 1]} : vector<8x1024xf32> to vector<8x1008xf32>
    %concatenate3A_395 = tpu.concatenate %broadcast_in_dim3A_393, %slice3A_394 in 1 : vector<8x16xf32>, vector<8x1008xf32> -> vector<8x1024xf32>
    %broadcast_in_dim3A_396 = arith.constant -1.000000e+30 : f32
    %broadcast_in_dim3A_397 = vector.broadcast %broadcast_in_dim3A_396 : f32 to vector<8x16xf32>
    %slice3A_398 = vector.extract_strided_slice %max3A_384 {offsets = [0, 0], sizes = [8, 1008], strides = [1, 1]} : vector<8x1024xf32> to vector<8x1008xf32>
    %concatenate3A_399 = tpu.concatenate %broadcast_in_dim3A_397, %slice3A_398 in 1 : vector<8x16xf32>, vector<8x1008xf32> -> vector<8x1024xf32>
    %broadcast_in_dim3A_400 = arith.constant 0.000000e+00 : f32
    %broadcast_in_dim3A_401 = vector.broadcast %broadcast_in_dim3A_400 : f32 to vector<8x16xf32>
    %slice3A_402 = vector.extract_strided_slice %max3A_387 {offsets = [0, 0], sizes = [8, 1008], strides = [1, 1]} : vector<8x1024xf32> to vector<8x1008xf32>
    %concatenate3A_403 = tpu.concatenate %broadcast_in_dim3A_401, %slice3A_402 in 1 : vector<8x16xf32>, vector<8x1008xf32> -> vector<8x1024xf32>
    %add3A_404 = arith.addf %concatenate3A_391, %max3A_345 : vector<8x1024xf32>
    %add3A_405 = arith.addf %concatenate3A_395, %max3A_384 : vector<8x1024xf32>
    %max3A_406 = arith.maximumf %add3A_404, %add3A_405 : vector<8x1024xf32>
    %sub3A_407 = arith.subf %add3A_404, %add3A_405 : vector<8x1024xf32>
    %abs3A_408 = math.absf %sub3A_407 : vector<8x1024xf32>
    %neg3A_409 = arith.constant 0.000000e+00 : f32
    %neg3A_410 = vector.broadcast %neg3A_409 : f32 to vector<8x1024xf32>
    %neg3A_411 = arith.subf %neg3A_410, %abs3A_408 : vector<8x1024xf32>
    %exp3A_412 = math.exp %neg3A_411 : vector<8x1024xf32>
    %log1p3A_413 = math.log1p %exp3A_412 : vector<8x1024xf32>
    %add3A_414 = arith.addf %max3A_406, %log1p3A_413 : vector<8x1024xf32>
    %max3A_415 = arith.constant -1.000000e+30 : f32
    %max3A_416 = vector.broadcast %max3A_415 : f32 to vector<8x1024xf32>
    %max3A_417 = arith.maximumf %add3A_414, %max3A_416 : vector<8x1024xf32>
    %add3A_418 = arith.addf %concatenate3A_391, %max3A_381 : vector<8x1024xf32>
    %add3A_419 = arith.addf %concatenate3A_395, %max3A_387 : vector<8x1024xf32>
    %max3A_420 = arith.maximumf %add3A_418, %add3A_419 : vector<8x1024xf32>
    %sub3A_421 = arith.subf %add3A_418, %add3A_419 : vector<8x1024xf32>
    %abs3A_422 = math.absf %sub3A_421 : vector<8x1024xf32>
    %neg3A_423 = arith.constant 0.000000e+00 : f32
    %neg3A_424 = vector.broadcast %neg3A_423 : f32 to vector<8x1024xf32>
    %neg3A_425 = arith.subf %neg3A_424, %abs3A_422 : vector<8x1024xf32>
    %exp3A_426 = math.exp %neg3A_425 : vector<8x1024xf32>
    %log1p3A_427 = math.log1p %exp3A_426 : vector<8x1024xf32>
    %add3A_428 = arith.addf %max3A_420, %log1p3A_427 : vector<8x1024xf32>
    %add3A_429 = arith.addf %concatenate3A_399, %max3A_345 : vector<8x1024xf32>
    %add3A_430 = arith.addf %concatenate3A_403, %max3A_384 : vector<8x1024xf32>
    %max3A_431 = arith.maximumf %add3A_429, %add3A_430 : vector<8x1024xf32>
    %sub3A_432 = arith.subf %add3A_429, %add3A_430 : vector<8x1024xf32>
    %abs3A_433 = math.absf %sub3A_432 : vector<8x1024xf32>
    %neg3A_434 = arith.constant 0.000000e+00 : f32
    %neg3A_435 = vector.broadcast %neg3A_434 : f32 to vector<8x1024xf32>
    %neg3A_436 = arith.subf %neg3A_435, %abs3A_433 : vector<8x1024xf32>
    %exp3A_437 = math.exp %neg3A_436 : vector<8x1024xf32>
    %log1p3A_438 = math.log1p %exp3A_437 : vector<8x1024xf32>
    %add3A_439 = arith.addf %max3A_431, %log1p3A_438 : vector<8x1024xf32>
    %add3A_440 = arith.addf %concatenate3A_399, %max3A_381 : vector<8x1024xf32>
    %add3A_441 = arith.addf %concatenate3A_403, %max3A_387 : vector<8x1024xf32>
    %max3A_442 = arith.maximumf %add3A_440, %add3A_441 : vector<8x1024xf32>
    %sub3A_443 = arith.subf %add3A_440, %add3A_441 : vector<8x1024xf32>
    %abs3A_444 = math.absf %sub3A_443 : vector<8x1024xf32>
    %neg3A_445 = arith.constant 0.000000e+00 : f32
    %neg3A_446 = vector.broadcast %neg3A_445 : f32 to vector<8x1024xf32>
    %neg3A_447 = arith.subf %neg3A_446, %abs3A_444 : vector<8x1024xf32>
    %exp3A_448 = math.exp %neg3A_447 : vector<8x1024xf32>
    %log1p3A_449 = math.log1p %exp3A_448 : vector<8x1024xf32>
    %add3A_450 = arith.addf %max3A_442, %log1p3A_449 : vector<8x1024xf32>
    %max3A_451 = arith.constant -1.000000e+30 : f32
    %max3A_452 = vector.broadcast %max3A_451 : f32 to vector<8x1024xf32>
    %max3A_453 = arith.maximumf %add3A_428, %max3A_452 : vector<8x1024xf32>
    %max3A_454 = arith.constant -1.000000e+30 : f32
    %max3A_455 = vector.broadcast %max3A_454 : f32 to vector<8x1024xf32>
    %max3A_456 = arith.maximumf %add3A_439, %max3A_455 : vector<8x1024xf32>
    %max3A_457 = arith.constant -1.000000e+30 : f32
    %max3A_458 = vector.broadcast %max3A_457 : f32 to vector<8x1024xf32>
    %max3A_459 = arith.maximumf %add3A_450, %max3A_458 : vector<8x1024xf32>
    %broadcast_in_dim3A_460 = arith.constant 0.000000e+00 : f32
    %broadcast_in_dim3A_461 = vector.broadcast %broadcast_in_dim3A_460 : f32 to vector<8x32xf32>
    %slice3A_462 = vector.extract_strided_slice %max3A_417 {offsets = [0, 0], sizes = [8, 992], strides = [1, 1]} : vector<8x1024xf32> to vector<8x992xf32>
    %concatenate3A_463 = tpu.concatenate %broadcast_in_dim3A_461, %slice3A_462 in 1 : vector<8x32xf32>, vector<8x992xf32> -> vector<8x1024xf32>
    %broadcast_in_dim3A_464 = arith.constant -1.000000e+30 : f32
    %broadcast_in_dim3A_465 = vector.broadcast %broadcast_in_dim3A_464 : f32 to vector<8x32xf32>
    %slice3A_466 = vector.extract_strided_slice %max3A_453 {offsets = [0, 0], sizes = [8, 992], strides = [1, 1]} : vector<8x1024xf32> to vector<8x992xf32>
    %concatenate3A_467 = tpu.concatenate %broadcast_in_dim3A_465, %slice3A_466 in 1 : vector<8x32xf32>, vector<8x992xf32> -> vector<8x1024xf32>
    %broadcast_in_dim3A_468 = arith.constant -1.000000e+30 : f32
    %broadcast_in_dim3A_469 = vector.broadcast %broadcast_in_dim3A_468 : f32 to vector<8x32xf32>
    %slice3A_470 = vector.extract_strided_slice %max3A_456 {offsets = [0, 0], sizes = [8, 992], strides = [1, 1]} : vector<8x1024xf32> to vector<8x992xf32>
    %concatenate3A_471 = tpu.concatenate %broadcast_in_dim3A_469, %slice3A_470 in 1 : vector<8x32xf32>, vector<8x992xf32> -> vector<8x1024xf32>
    %broadcast_in_dim3A_472 = arith.constant 0.000000e+00 : f32
    %broadcast_in_dim3A_473 = vector.broadcast %broadcast_in_dim3A_472 : f32 to vector<8x32xf32>
    %slice3A_474 = vector.extract_strided_slice %max3A_459 {offsets = [0, 0], sizes = [8, 992], strides = [1, 1]} : vector<8x1024xf32> to vector<8x992xf32>
    %concatenate3A_475 = tpu.concatenate %broadcast_in_dim3A_473, %slice3A_474 in 1 : vector<8x32xf32>, vector<8x992xf32> -> vector<8x1024xf32>
    %add3A_476 = arith.addf %concatenate3A_463, %max3A_417 : vector<8x1024xf32>
    %add3A_477 = arith.addf %concatenate3A_467, %max3A_456 : vector<8x1024xf32>
    %max3A_478 = arith.maximumf %add3A_476, %add3A_477 : vector<8x1024xf32>
    %sub3A_479 = arith.subf %add3A_476, %add3A_477 : vector<8x1024xf32>
    %abs3A_480 = math.absf %sub3A_479 : vector<8x1024xf32>
    %neg3A_481 = arith.constant 0.000000e+00 : f32
    %neg3A_482 = vector.broadcast %neg3A_481 : f32 to vector<8x1024xf32>
    %neg3A_483 = arith.subf %neg3A_482, %abs3A_480 : vector<8x1024xf32>
    %exp3A_484 = math.exp %neg3A_483 : vector<8x1024xf32>
    %log1p3A_485 = math.log1p %exp3A_484 : vector<8x1024xf32>
    %add3A_486 = arith.addf %max3A_478, %log1p3A_485 : vector<8x1024xf32>
    %max3A_487 = arith.constant -1.000000e+30 : f32
    %max3A_488 = vector.broadcast %max3A_487 : f32 to vector<8x1024xf32>
    %max3A_489 = arith.maximumf %add3A_486, %max3A_488 : vector<8x1024xf32>
    %add3A_490 = arith.addf %concatenate3A_463, %max3A_453 : vector<8x1024xf32>
    %add3A_491 = arith.addf %concatenate3A_467, %max3A_459 : vector<8x1024xf32>
    %max3A_492 = arith.maximumf %add3A_490, %add3A_491 : vector<8x1024xf32>
    %sub3A_493 = arith.subf %add3A_490, %add3A_491 : vector<8x1024xf32>
    %abs3A_494 = math.absf %sub3A_493 : vector<8x1024xf32>
    %neg3A_495 = arith.constant 0.000000e+00 : f32
    %neg3A_496 = vector.broadcast %neg3A_495 : f32 to vector<8x1024xf32>
    %neg3A_497 = arith.subf %neg3A_496, %abs3A_494 : vector<8x1024xf32>
    %exp3A_498 = math.exp %neg3A_497 : vector<8x1024xf32>
    %log1p3A_499 = math.log1p %exp3A_498 : vector<8x1024xf32>
    %add3A_500 = arith.addf %max3A_492, %log1p3A_499 : vector<8x1024xf32>
    %add3A_501 = arith.addf %concatenate3A_471, %max3A_417 : vector<8x1024xf32>
    %add3A_502 = arith.addf %concatenate3A_475, %max3A_456 : vector<8x1024xf32>
    %max3A_503 = arith.maximumf %add3A_501, %add3A_502 : vector<8x1024xf32>
    %sub3A_504 = arith.subf %add3A_501, %add3A_502 : vector<8x1024xf32>
    %abs3A_505 = math.absf %sub3A_504 : vector<8x1024xf32>
    %neg3A_506 = arith.constant 0.000000e+00 : f32
    %neg3A_507 = vector.broadcast %neg3A_506 : f32 to vector<8x1024xf32>
    %neg3A_508 = arith.subf %neg3A_507, %abs3A_505 : vector<8x1024xf32>
    %exp3A_509 = math.exp %neg3A_508 : vector<8x1024xf32>
    %log1p3A_510 = math.log1p %exp3A_509 : vector<8x1024xf32>
    %add3A_511 = arith.addf %max3A_503, %log1p3A_510 : vector<8x1024xf32>
    %add3A_512 = arith.addf %concatenate3A_471, %max3A_453 : vector<8x1024xf32>
    %add3A_513 = arith.addf %concatenate3A_475, %max3A_459 : vector<8x1024xf32>
    %max3A_514 = arith.maximumf %add3A_512, %add3A_513 : vector<8x1024xf32>
    %sub3A_515 = arith.subf %add3A_512, %add3A_513 : vector<8x1024xf32>
    %abs3A_516 = math.absf %sub3A_515 : vector<8x1024xf32>
    %neg3A_517 = arith.constant 0.000000e+00 : f32
    %neg3A_518 = vector.broadcast %neg3A_517 : f32 to vector<8x1024xf32>
    %neg3A_519 = arith.subf %neg3A_518, %abs3A_516 : vector<8x1024xf32>
    %exp3A_520 = math.exp %neg3A_519 : vector<8x1024xf32>
    %log1p3A_521 = math.log1p %exp3A_520 : vector<8x1024xf32>
    %add3A_522 = arith.addf %max3A_514, %log1p3A_521 : vector<8x1024xf32>
    %max3A_523 = arith.constant -1.000000e+30 : f32
    %max3A_524 = vector.broadcast %max3A_523 : f32 to vector<8x1024xf32>
    %max3A_525 = arith.maximumf %add3A_500, %max3A_524 : vector<8x1024xf32>
    %max3A_526 = arith.constant -1.000000e+30 : f32
    %max3A_527 = vector.broadcast %max3A_526 : f32 to vector<8x1024xf32>
    %max3A_528 = arith.maximumf %add3A_511, %max3A_527 : vector<8x1024xf32>
    %max3A_529 = arith.constant -1.000000e+30 : f32
    %max3A_530 = vector.broadcast %max3A_529 : f32 to vector<8x1024xf32>
    %max3A_531 = arith.maximumf %add3A_522, %max3A_530 : vector<8x1024xf32>
    %broadcast_in_dim3A_532 = arith.constant 0.000000e+00 : f32
    %broadcast_in_dim3A_533 = vector.broadcast %broadcast_in_dim3A_532 : f32 to vector<8x64xf32>
    %slice3A_534 = vector.extract_strided_slice %max3A_489 {offsets = [0, 0], sizes = [8, 960], strides = [1, 1]} : vector<8x1024xf32> to vector<8x960xf32>
    %concatenate3A_535 = tpu.concatenate %broadcast_in_dim3A_533, %slice3A_534 in 1 : vector<8x64xf32>, vector<8x960xf32> -> vector<8x1024xf32>
    %broadcast_in_dim3A_536 = arith.constant -1.000000e+30 : f32
    %broadcast_in_dim3A_537 = vector.broadcast %broadcast_in_dim3A_536 : f32 to vector<8x64xf32>
    %slice3A_538 = vector.extract_strided_slice %max3A_525 {offsets = [0, 0], sizes = [8, 960], strides = [1, 1]} : vector<8x1024xf32> to vector<8x960xf32>
    %concatenate3A_539 = tpu.concatenate %broadcast_in_dim3A_537, %slice3A_538 in 1 : vector<8x64xf32>, vector<8x960xf32> -> vector<8x1024xf32>
    %broadcast_in_dim3A_540 = arith.constant -1.000000e+30 : f32
    %broadcast_in_dim3A_541 = vector.broadcast %broadcast_in_dim3A_540 : f32 to vector<8x64xf32>
    %slice3A_542 = vector.extract_strided_slice %max3A_528 {offsets = [0, 0], sizes = [8, 960], strides = [1, 1]} : vector<8x1024xf32> to vector<8x960xf32>
    %concatenate3A_543 = tpu.concatenate %broadcast_in_dim3A_541, %slice3A_542 in 1 : vector<8x64xf32>, vector<8x960xf32> -> vector<8x1024xf32>
    %broadcast_in_dim3A_544 = arith.constant 0.000000e+00 : f32
    %broadcast_in_dim3A_545 = vector.broadcast %broadcast_in_dim3A_544 : f32 to vector<8x64xf32>
    %slice3A_546 = vector.extract_strided_slice %max3A_531 {offsets = [0, 0], sizes = [8, 960], strides = [1, 1]} : vector<8x1024xf32> to vector<8x960xf32>
    %concatenate3A_547 = tpu.concatenate %broadcast_in_dim3A_545, %slice3A_546 in 1 : vector<8x64xf32>, vector<8x960xf32> -> vector<8x1024xf32>
    %add3A_548 = arith.addf %concatenate3A_535, %max3A_489 : vector<8x1024xf32>
    %add3A_549 = arith.addf %concatenate3A_539, %max3A_528 : vector<8x1024xf32>
    %max3A_550 = arith.maximumf %add3A_548, %add3A_549 : vector<8x1024xf32>
    %sub3A_551 = arith.subf %add3A_548, %add3A_549 : vector<8x1024xf32>
    %abs3A_552 = math.absf %sub3A_551 : vector<8x1024xf32>
    %neg3A_553 = arith.constant 0.000000e+00 : f32
    %neg3A_554 = vector.broadcast %neg3A_553 : f32 to vector<8x1024xf32>
    %neg3A_555 = arith.subf %neg3A_554, %abs3A_552 : vector<8x1024xf32>
    %exp3A_556 = math.exp %neg3A_555 : vector<8x1024xf32>
    %log1p3A_557 = math.log1p %exp3A_556 : vector<8x1024xf32>
    %add3A_558 = arith.addf %max3A_550, %log1p3A_557 : vector<8x1024xf32>
    %max3A_559 = arith.constant -1.000000e+30 : f32
    %max3A_560 = vector.broadcast %max3A_559 : f32 to vector<8x1024xf32>
    %max3A_561 = arith.maximumf %add3A_558, %max3A_560 : vector<8x1024xf32>
    %add3A_562 = arith.addf %concatenate3A_535, %max3A_525 : vector<8x1024xf32>
    %add3A_563 = arith.addf %concatenate3A_539, %max3A_531 : vector<8x1024xf32>
    %max3A_564 = arith.maximumf %add3A_562, %add3A_563 : vector<8x1024xf32>
    %sub3A_565 = arith.subf %add3A_562, %add3A_563 : vector<8x1024xf32>
    %abs3A_566 = math.absf %sub3A_565 : vector<8x1024xf32>
    %neg3A_567 = arith.constant 0.000000e+00 : f32
    %neg3A_568 = vector.broadcast %neg3A_567 : f32 to vector<8x1024xf32>
    %neg3A_569 = arith.subf %neg3A_568, %abs3A_566 : vector<8x1024xf32>
    %exp3A_570 = math.exp %neg3A_569 : vector<8x1024xf32>
    %log1p3A_571 = math.log1p %exp3A_570 : vector<8x1024xf32>
    %add3A_572 = arith.addf %max3A_564, %log1p3A_571 : vector<8x1024xf32>
    %add3A_573 = arith.addf %concatenate3A_543, %max3A_489 : vector<8x1024xf32>
    %add3A_574 = arith.addf %concatenate3A_547, %max3A_528 : vector<8x1024xf32>
    %max3A_575 = arith.maximumf %add3A_573, %add3A_574 : vector<8x1024xf32>
    %sub3A_576 = arith.subf %add3A_573, %add3A_574 : vector<8x1024xf32>
    %abs3A_577 = math.absf %sub3A_576 : vector<8x1024xf32>
    %neg3A_578 = arith.constant 0.000000e+00 : f32
    %neg3A_579 = vector.broadcast %neg3A_578 : f32 to vector<8x1024xf32>
    %neg3A_580 = arith.subf %neg3A_579, %abs3A_577 : vector<8x1024xf32>
    %exp3A_581 = math.exp %neg3A_580 : vector<8x1024xf32>
    %log1p3A_582 = math.log1p %exp3A_581 : vector<8x1024xf32>
    %add3A_583 = arith.addf %max3A_575, %log1p3A_582 : vector<8x1024xf32>
    %add3A_584 = arith.addf %concatenate3A_543, %max3A_525 : vector<8x1024xf32>
    %add3A_585 = arith.addf %concatenate3A_547, %max3A_531 : vector<8x1024xf32>
    %max3A_586 = arith.maximumf %add3A_584, %add3A_585 : vector<8x1024xf32>
    %sub3A_587 = arith.subf %add3A_584, %add3A_585 : vector<8x1024xf32>
    %abs3A_588 = math.absf %sub3A_587 : vector<8x1024xf32>
    %neg3A_589 = arith.constant 0.000000e+00 : f32
    %neg3A_590 = vector.broadcast %neg3A_589 : f32 to vector<8x1024xf32>
    %neg3A_591 = arith.subf %neg3A_590, %abs3A_588 : vector<8x1024xf32>
    %exp3A_592 = math.exp %neg3A_591 : vector<8x1024xf32>
    %log1p3A_593 = math.log1p %exp3A_592 : vector<8x1024xf32>
    %add3A_594 = arith.addf %max3A_586, %log1p3A_593 : vector<8x1024xf32>
    %max3A_595 = arith.constant -1.000000e+30 : f32
    %max3A_596 = vector.broadcast %max3A_595 : f32 to vector<8x1024xf32>
    %max3A_597 = arith.maximumf %add3A_572, %max3A_596 : vector<8x1024xf32>
    %max3A_598 = arith.constant -1.000000e+30 : f32
    %max3A_599 = vector.broadcast %max3A_598 : f32 to vector<8x1024xf32>
    %max3A_600 = arith.maximumf %add3A_583, %max3A_599 : vector<8x1024xf32>
    %max3A_601 = arith.constant -1.000000e+30 : f32
    %max3A_602 = vector.broadcast %max3A_601 : f32 to vector<8x1024xf32>
    %max3A_603 = arith.maximumf %add3A_594, %max3A_602 : vector<8x1024xf32>
    %broadcast_in_dim3A_604 = arith.constant 0.000000e+00 : f32
    %broadcast_in_dim3A_605 = vector.broadcast %broadcast_in_dim3A_604 : f32 to vector<8x128xf32>
    %slice3A_606 = vector.extract_strided_slice %max3A_561 {offsets = [0, 0], sizes = [8, 896], strides = [1, 1]} : vector<8x1024xf32> to vector<8x896xf32>
    %concatenate3A_607 = tpu.concatenate %broadcast_in_dim3A_605, %slice3A_606 in 1 : vector<8x128xf32>, vector<8x896xf32> -> vector<8x1024xf32>
    %broadcast_in_dim3A_608 = arith.constant -1.000000e+30 : f32
    %broadcast_in_dim3A_609 = vector.broadcast %broadcast_in_dim3A_608 : f32 to vector<8x128xf32>
    %slice3A_610 = vector.extract_strided_slice %max3A_597 {offsets = [0, 0], sizes = [8, 896], strides = [1, 1]} : vector<8x1024xf32> to vector<8x896xf32>
    %concatenate3A_611 = tpu.concatenate %broadcast_in_dim3A_609, %slice3A_610 in 1 : vector<8x128xf32>, vector<8x896xf32> -> vector<8x1024xf32>
    %broadcast_in_dim3A_612 = arith.constant -1.000000e+30 : f32
    %broadcast_in_dim3A_613 = vector.broadcast %broadcast_in_dim3A_612 : f32 to vector<8x128xf32>
    %slice3A_614 = vector.extract_strided_slice %max3A_600 {offsets = [0, 0], sizes = [8, 896], strides = [1, 1]} : vector<8x1024xf32> to vector<8x896xf32>
    %concatenate3A_615 = tpu.concatenate %broadcast_in_dim3A_613, %slice3A_614 in 1 : vector<8x128xf32>, vector<8x896xf32> -> vector<8x1024xf32>
    %broadcast_in_dim3A_616 = arith.constant 0.000000e+00 : f32
    %broadcast_in_dim3A_617 = vector.broadcast %broadcast_in_dim3A_616 : f32 to vector<8x128xf32>
    %slice3A_618 = vector.extract_strided_slice %max3A_603 {offsets = [0, 0], sizes = [8, 896], strides = [1, 1]} : vector<8x1024xf32> to vector<8x896xf32>
    %concatenate3A_619 = tpu.concatenate %broadcast_in_dim3A_617, %slice3A_618 in 1 : vector<8x128xf32>, vector<8x896xf32> -> vector<8x1024xf32>
    %add3A_620 = arith.addf %concatenate3A_607, %max3A_561 : vector<8x1024xf32>
    %add3A_621 = arith.addf %concatenate3A_611, %max3A_600 : vector<8x1024xf32>
    %max3A_622 = arith.maximumf %add3A_620, %add3A_621 : vector<8x1024xf32>
    %sub3A_623 = arith.subf %add3A_620, %add3A_621 : vector<8x1024xf32>
    %abs3A_624 = math.absf %sub3A_623 : vector<8x1024xf32>
    %neg3A_625 = arith.constant 0.000000e+00 : f32
    %neg3A_626 = vector.broadcast %neg3A_625 : f32 to vector<8x1024xf32>
    %neg3A_627 = arith.subf %neg3A_626, %abs3A_624 : vector<8x1024xf32>
    %exp3A_628 = math.exp %neg3A_627 : vector<8x1024xf32>
    %log1p3A_629 = math.log1p %exp3A_628 : vector<8x1024xf32>
    %add3A_630 = arith.addf %max3A_622, %log1p3A_629 : vector<8x1024xf32>
    %max3A_631 = arith.constant -1.000000e+30 : f32
    %max3A_632 = vector.broadcast %max3A_631 : f32 to vector<8x1024xf32>
    %max3A_633 = arith.maximumf %add3A_630, %max3A_632 : vector<8x1024xf32>
    %add3A_634 = arith.addf %concatenate3A_607, %max3A_597 : vector<8x1024xf32>
    %add3A_635 = arith.addf %concatenate3A_611, %max3A_603 : vector<8x1024xf32>
    %max3A_636 = arith.maximumf %add3A_634, %add3A_635 : vector<8x1024xf32>
    %sub3A_637 = arith.subf %add3A_634, %add3A_635 : vector<8x1024xf32>
    %abs3A_638 = math.absf %sub3A_637 : vector<8x1024xf32>
    %neg3A_639 = arith.constant 0.000000e+00 : f32
    %neg3A_640 = vector.broadcast %neg3A_639 : f32 to vector<8x1024xf32>
    %neg3A_641 = arith.subf %neg3A_640, %abs3A_638 : vector<8x1024xf32>
    %exp3A_642 = math.exp %neg3A_641 : vector<8x1024xf32>
    %log1p3A_643 = math.log1p %exp3A_642 : vector<8x1024xf32>
    %add3A_644 = arith.addf %max3A_636, %log1p3A_643 : vector<8x1024xf32>
    %add3A_645 = arith.addf %concatenate3A_615, %max3A_561 : vector<8x1024xf32>
    %add3A_646 = arith.addf %concatenate3A_619, %max3A_600 : vector<8x1024xf32>
    %max3A_647 = arith.maximumf %add3A_645, %add3A_646 : vector<8x1024xf32>
    %sub3A_648 = arith.subf %add3A_645, %add3A_646 : vector<8x1024xf32>
    %abs3A_649 = math.absf %sub3A_648 : vector<8x1024xf32>
    %neg3A_650 = arith.constant 0.000000e+00 : f32
    %neg3A_651 = vector.broadcast %neg3A_650 : f32 to vector<8x1024xf32>
    %neg3A_652 = arith.subf %neg3A_651, %abs3A_649 : vector<8x1024xf32>
    %exp3A_653 = math.exp %neg3A_652 : vector<8x1024xf32>
    %log1p3A_654 = math.log1p %exp3A_653 : vector<8x1024xf32>
    %add3A_655 = arith.addf %max3A_647, %log1p3A_654 : vector<8x1024xf32>
    %add3A_656 = arith.addf %concatenate3A_615, %max3A_597 : vector<8x1024xf32>
    %add3A_657 = arith.addf %concatenate3A_619, %max3A_603 : vector<8x1024xf32>
    %max3A_658 = arith.maximumf %add3A_656, %add3A_657 : vector<8x1024xf32>
    %sub3A_659 = arith.subf %add3A_656, %add3A_657 : vector<8x1024xf32>
    %abs3A_660 = math.absf %sub3A_659 : vector<8x1024xf32>
    %neg3A_661 = arith.constant 0.000000e+00 : f32
    %neg3A_662 = vector.broadcast %neg3A_661 : f32 to vector<8x1024xf32>
    %neg3A_663 = arith.subf %neg3A_662, %abs3A_660 : vector<8x1024xf32>
    %exp3A_664 = math.exp %neg3A_663 : vector<8x1024xf32>
    %log1p3A_665 = math.log1p %exp3A_664 : vector<8x1024xf32>
    %add3A_666 = arith.addf %max3A_658, %log1p3A_665 : vector<8x1024xf32>
    %max3A_667 = arith.constant -1.000000e+30 : f32
    %max3A_668 = vector.broadcast %max3A_667 : f32 to vector<8x1024xf32>
    %max3A_669 = arith.maximumf %add3A_644, %max3A_668 : vector<8x1024xf32>
    %max3A_670 = arith.constant -1.000000e+30 : f32
    %max3A_671 = vector.broadcast %max3A_670 : f32 to vector<8x1024xf32>
    %max3A_672 = arith.maximumf %add3A_655, %max3A_671 : vector<8x1024xf32>
    %max3A_673 = arith.constant -1.000000e+30 : f32
    %max3A_674 = vector.broadcast %max3A_673 : f32 to vector<8x1024xf32>
    %max3A_675 = arith.maximumf %add3A_666, %max3A_674 : vector<8x1024xf32>
    %broadcast_in_dim3A_676 = arith.constant 0.000000e+00 : f32
    %broadcast_in_dim3A_677 = vector.broadcast %broadcast_in_dim3A_676 : f32 to vector<8x256xf32>
    %slice3A_678 = vector.extract_strided_slice %max3A_633 {offsets = [0, 0], sizes = [8, 768], strides = [1, 1]} : vector<8x1024xf32> to vector<8x768xf32>
    %concatenate3A_679 = tpu.concatenate %broadcast_in_dim3A_677, %slice3A_678 in 1 : vector<8x256xf32>, vector<8x768xf32> -> vector<8x1024xf32>
    %broadcast_in_dim3A_680 = arith.constant -1.000000e+30 : f32
    %broadcast_in_dim3A_681 = vector.broadcast %broadcast_in_dim3A_680 : f32 to vector<8x256xf32>
    %slice3A_682 = vector.extract_strided_slice %max3A_669 {offsets = [0, 0], sizes = [8, 768], strides = [1, 1]} : vector<8x1024xf32> to vector<8x768xf32>
    %concatenate3A_683 = tpu.concatenate %broadcast_in_dim3A_681, %slice3A_682 in 1 : vector<8x256xf32>, vector<8x768xf32> -> vector<8x1024xf32>
    %broadcast_in_dim3A_684 = arith.constant -1.000000e+30 : f32
    %broadcast_in_dim3A_685 = vector.broadcast %broadcast_in_dim3A_684 : f32 to vector<8x256xf32>
    %slice3A_686 = vector.extract_strided_slice %max3A_672 {offsets = [0, 0], sizes = [8, 768], strides = [1, 1]} : vector<8x1024xf32> to vector<8x768xf32>
    %concatenate3A_687 = tpu.concatenate %broadcast_in_dim3A_685, %slice3A_686 in 1 : vector<8x256xf32>, vector<8x768xf32> -> vector<8x1024xf32>
    %broadcast_in_dim3A_688 = arith.constant 0.000000e+00 : f32
    %broadcast_in_dim3A_689 = vector.broadcast %broadcast_in_dim3A_688 : f32 to vector<8x256xf32>
    %slice3A_690 = vector.extract_strided_slice %max3A_675 {offsets = [0, 0], sizes = [8, 768], strides = [1, 1]} : vector<8x1024xf32> to vector<8x768xf32>
    %concatenate3A_691 = tpu.concatenate %broadcast_in_dim3A_689, %slice3A_690 in 1 : vector<8x256xf32>, vector<8x768xf32> -> vector<8x1024xf32>
    %add3A_692 = arith.addf %concatenate3A_679, %max3A_633 : vector<8x1024xf32>
    %add3A_693 = arith.addf %concatenate3A_683, %max3A_672 : vector<8x1024xf32>
    %max3A_694 = arith.maximumf %add3A_692, %add3A_693 : vector<8x1024xf32>
    %sub3A_695 = arith.subf %add3A_692, %add3A_693 : vector<8x1024xf32>
    %abs3A_696 = math.absf %sub3A_695 : vector<8x1024xf32>
    %neg3A_697 = arith.constant 0.000000e+00 : f32
    %neg3A_698 = vector.broadcast %neg3A_697 : f32 to vector<8x1024xf32>
    %neg3A_699 = arith.subf %neg3A_698, %abs3A_696 : vector<8x1024xf32>
    %exp3A_700 = math.exp %neg3A_699 : vector<8x1024xf32>
    %log1p3A_701 = math.log1p %exp3A_700 : vector<8x1024xf32>
    %add3A_702 = arith.addf %max3A_694, %log1p3A_701 : vector<8x1024xf32>
    %max3A_703 = arith.constant -1.000000e+30 : f32
    %max3A_704 = vector.broadcast %max3A_703 : f32 to vector<8x1024xf32>
    %max3A_705 = arith.maximumf %add3A_702, %max3A_704 : vector<8x1024xf32>
    %add3A_706 = arith.addf %concatenate3A_679, %max3A_669 : vector<8x1024xf32>
    %add3A_707 = arith.addf %concatenate3A_683, %max3A_675 : vector<8x1024xf32>
    %max3A_708 = arith.maximumf %add3A_706, %add3A_707 : vector<8x1024xf32>
    %sub3A_709 = arith.subf %add3A_706, %add3A_707 : vector<8x1024xf32>
    %abs3A_710 = math.absf %sub3A_709 : vector<8x1024xf32>
    %neg3A_711 = arith.constant 0.000000e+00 : f32
    %neg3A_712 = vector.broadcast %neg3A_711 : f32 to vector<8x1024xf32>
    %neg3A_713 = arith.subf %neg3A_712, %abs3A_710 : vector<8x1024xf32>
    %exp3A_714 = math.exp %neg3A_713 : vector<8x1024xf32>
    %log1p3A_715 = math.log1p %exp3A_714 : vector<8x1024xf32>
    %add3A_716 = arith.addf %max3A_708, %log1p3A_715 : vector<8x1024xf32>
    %add3A_717 = arith.addf %concatenate3A_687, %max3A_633 : vector<8x1024xf32>
    %add3A_718 = arith.addf %concatenate3A_691, %max3A_672 : vector<8x1024xf32>
    %max3A_719 = arith.maximumf %add3A_717, %add3A_718 : vector<8x1024xf32>
    %sub3A_720 = arith.subf %add3A_717, %add3A_718 : vector<8x1024xf32>
    %abs3A_721 = math.absf %sub3A_720 : vector<8x1024xf32>
    %neg3A_722 = arith.constant 0.000000e+00 : f32
    %neg3A_723 = vector.broadcast %neg3A_722 : f32 to vector<8x1024xf32>
    %neg3A_724 = arith.subf %neg3A_723, %abs3A_721 : vector<8x1024xf32>
    %exp3A_725 = math.exp %neg3A_724 : vector<8x1024xf32>
    %log1p3A_726 = math.log1p %exp3A_725 : vector<8x1024xf32>
    %add3A_727 = arith.addf %max3A_719, %log1p3A_726 : vector<8x1024xf32>
    %max3A_728 = arith.constant -1.000000e+30 : f32
    %max3A_729 = vector.broadcast %max3A_728 : f32 to vector<8x1024xf32>
    %max3A_730 = arith.maximumf %add3A_716, %max3A_729 : vector<8x1024xf32>
    %max3A_731 = arith.constant -1.000000e+30 : f32
    %max3A_732 = vector.broadcast %max3A_731 : f32 to vector<8x1024xf32>
    %max3A_733 = arith.maximumf %add3A_727, %max3A_732 : vector<8x1024xf32>
    %broadcast_in_dim3A_734 = arith.constant 0.000000e+00 : f32
    %broadcast_in_dim3A_735 = vector.broadcast %broadcast_in_dim3A_734 : f32 to vector<8x512xf32>
    %slice3A_736 = vector.extract_strided_slice %max3A_705 {offsets = [0, 0], sizes = [8, 512], strides = [1, 1]} : vector<8x1024xf32> to vector<8x512xf32>
    %concatenate3A_737 = tpu.concatenate %broadcast_in_dim3A_735, %slice3A_736 in 1 : vector<8x512xf32>, vector<8x512xf32> -> vector<8x1024xf32>
    %broadcast_in_dim3A_738 = arith.constant -1.000000e+30 : f32
    %broadcast_in_dim3A_739 = vector.broadcast %broadcast_in_dim3A_738 : f32 to vector<8x512xf32>
    %slice3A_740 = vector.extract_strided_slice %max3A_730 {offsets = [0, 0], sizes = [8, 512], strides = [1, 1]} : vector<8x1024xf32> to vector<8x512xf32>
    %concatenate3A_741 = tpu.concatenate %broadcast_in_dim3A_739, %slice3A_740 in 1 : vector<8x512xf32>, vector<8x512xf32> -> vector<8x1024xf32>
    %add3A_742 = arith.addf %concatenate3A_737, %max3A_705 : vector<8x1024xf32>
    %add3A_743 = arith.addf %concatenate3A_741, %max3A_733 : vector<8x1024xf32>
    %max3A_744 = arith.maximumf %add3A_742, %add3A_743 : vector<8x1024xf32>
    %sub3A_745 = arith.subf %add3A_742, %add3A_743 : vector<8x1024xf32>
    %abs3A_746 = math.absf %sub3A_745 : vector<8x1024xf32>
    %neg3A_747 = arith.constant 0.000000e+00 : f32
    %neg3A_748 = vector.broadcast %neg3A_747 : f32 to vector<8x1024xf32>
    %neg3A_749 = arith.subf %neg3A_748, %abs3A_746 : vector<8x1024xf32>
    %exp3A_750 = math.exp %neg3A_749 : vector<8x1024xf32>
    %log1p3A_751 = math.log1p %exp3A_750 : vector<8x1024xf32>
    %add3A_752 = arith.addf %max3A_744, %log1p3A_751 : vector<8x1024xf32>
    %max3A_753 = arith.constant -1.000000e+30 : f32
    %max3A_754 = vector.broadcast %max3A_753 : f32 to vector<8x1024xf32>
    %max3A_755 = arith.maximumf %add3A_752, %max3A_754 : vector<8x1024xf32>
    %slice3A_756 = vector.extract_strided_slice %max3A_755 {offsets = [0, 1023], sizes = [8, 1], strides = [1, 1]} : vector<8x1024xf32> to vector<8x1xf32>
    %reduce_sum3A_757 = vector.shape_cast %slice3A_756 : vector<8x1xf32> to vector<1x8x1xf32>
    %reduce_sum3A_758 = arith.constant dense<0.000000e+00> : vector<1xf32>
    %reduce_sum3A_759 = vector.multi_reduction <add>, %reduce_sum3A_757, %reduce_sum3A_758 [1, 2] : vector<1x8x1xf32> to vector<1xf32>
    %reduce_sum3A_760 = vector.shape_cast %reduce_sum3A_759 : vector<1xf32> to vector<1x1x1xf32>
    %reduce_sum3A_761 = vector.extract %reduce_sum3A_760[0, 0, 0] : f32 from vector<1x1x1xf32>
    %mul3A_762 = arith.constant 8.000000e+00 : f32
    %mul3A_763 = arith.mulf %mul3A_762, %reduce_sum3A_53 : f32
    %add3A_764 = arith.addf %reduce_sum3A_761, %mul3A_763 : f32
    %eq3A_765 = arith.constant 0 : i32
    %eq3A_766 = arith.cmpi eq, %arg0, %eq3A_765 : i32
    %convert_element_type3A = arith.extui %eq3A_766 : i1 to i32
    %cond3A = arith.constant 0 : i32
    %cond3A_767 = arith.cmpi ne, %convert_element_type3A, %cond3A : i32
    scf.if %cond3A_767 {
      %swap3A_775 = arith.constant 0.000000e+00 : f32
      %swap3A_776 = arith.constant 0 : index
      %swap3A_777 = arith.constant 0 : index
      %swap3A_778 = memref.load %arg7[%swap3A_776, %swap3A_777] : memref<1x1xf32, #tpu.memory_space<smem>>
      memref.store %swap3A_775, %arg7[%swap3A_776, %swap3A_777] : memref<1x1xf32, #tpu.memory_space<smem>>
    } else {
    }
    %get3A_768 = arith.constant 0 : index
    %get3A_769 = arith.constant 0 : index
    %get3A_770 = memref.load %arg7[%get3A_768, %get3A_769] : memref<1x1xf32, #tpu.memory_space<smem>>
    %add3A_771 = arith.addf %get3A_770, %add3A_764 : f32
    %swap3A_772 = arith.constant 0 : index
    %swap3A_773 = arith.constant 0 : index
    %swap3A_774 = memref.load %arg7[%swap3A_772, %swap3A_773] : memref<1x1xf32, #tpu.memory_space<smem>>
    memref.store %add3A_771, %arg7[%swap3A_772, %swap3A_773] : memref<1x1xf32, #tpu.memory_space<smem>>
    return
  }
  func.func @transform_0(%arg0: i32) -> (i32, i32) {
    %c0_i32 = arith.constant 0 : i32
    %c0_i32_0 = arith.constant 0 : i32
    %c0_i32_1 = arith.constant 0 : i32
    return %c0_i32, %c0_i32_0 : i32, i32
  }
  func.func @transform_1(%arg0: i32) -> (i32, i32) {
    %c0_i32 = arith.constant 0 : i32
    %c0_i32_0 = arith.constant 0 : i32
    %c0_i32_1 = arith.constant 0 : i32
    return %c0_i32, %c0_i32_0 : i32, i32
  }
  func.func @transform_2(%arg0: i32) -> (i32, i32) {
    %c0_i32 = arith.constant 0 : i32
    %c0_i32_0 = arith.constant 0 : i32
    %c0_i32_1 = arith.constant 0 : i32
    return %c0_i32, %c0_i32_0 : i32, i32
  }
  func.func @transform_3(%arg0: i32) -> (i32, i32) {
    %c0_i32 = arith.constant 0 : i32
    %c0_i32_0 = arith.constant 0 : i32
    return %arg0, %c0_i32 : i32, i32
  }
  func.func @transform_4(%arg0: i32) -> (i32, i32) {
    %c0_i32 = arith.constant 0 : i32
    %c0_i32_0 = arith.constant 0 : i32
    return %arg0, %c0_i32 : i32, i32
  }
  func.func @transform_5(%arg0: i32) -> (i32, i32, i32) {
    %c0_i32 = arith.constant 0 : i32
    %c0_i32_0 = arith.constant 0 : i32
    %c0_i32_1 = arith.constant 0 : i32
    return %c0_i32, %arg0, %c0_i32_0 : i32, i32, i32
  }
  func.func @transform_6(%arg0: i32) -> (i32, i32) {
    %c0_i32 = arith.constant 0 : i32
    %c0_i32_0 = arith.constant 0 : i32
    %c0_i32_1 = arith.constant 0 : i32
    return %c0_i32, %c0_i32_0 : i32, i32
  }
  func.func @transform_7(%arg0: i32) -> (i32, i32) {
    %c0_i32 = arith.constant 0 : i32
    %c0_i32_0 = arith.constant 0 : i32
    return %arg0, %c0_i32 : i32, i32
  }
}

</mosaic_0001>

<sc_bundles>
// kernel: kernel.4.cloned.1.call-start
scs
__scs_entry_jumppad:
0x0: {  	(pc) =	sbr.rel $0x88, $3  }
0x1: {  	(tag) =	ssettag $0x0;
	lr =	simm.s32 $0x1  }
0x2: {  	[smem:$0x3F9D] =	sst lr;
	_ =	strace $0xD0000000  }
0x3: {  	_ = 	snop  }
0x4: {  	_ = 	snop  }
0x5: {  	_ = 	snop  }
0x6: {  	_ = 	snop  }
0x7: {  	_ = 	snop  }
__scs_overlays_trampoline_lowered:
0x8: {  	[smem:$0x3FAC] =	sst s0  }
0x9: {  	[smem:$0x3FAD] =	sst s1  }
0xa: {  	[smem:$0x3FAE] =	sst s2  }
0xb: {  	[smem:$0x3FAF] =	sst s3  }
0xc: {  	[smem:$0x3FB0] =	sst s4  }
0xd: {  	[smem:$0x3FB1] =	sst s5  }
0xe: {  	[smem:$0x3FB2] =	sst s6  }
0xf: {  	[smem:$0x3FB3] =	sst s7  }
0x10: {  	[smem:$0x3FB4] =	sst s8  }
0x11: {  	[smem:$0x3FB5] =	sst s9;
	s0 =	simm.s32 @!p0 $0x0  }
0x12: {  	s1 =	sld [smem:$0x3F9B];
	s0 =	simm.s32 @p0 $0x1  }
0x13: {  	[smem:$0x3FB6] =	sst s0;
	s0 =	simm.s32 @!p1 $0x0  }
0x14: {  	s2 =	sld [smem:$0x3F9A];
	s0 =	simm.s32 @p1 $0x1  }
0x15: {  	[smem:$0x3FB7] =	sst s0;
	s0 =	simm.s32 @!p2 $0x0  }
0x16: {  	s3 =	sld [smem:$0x3FDB];
	s0 =	simm.s32 @p2 $0x1  }
0x17: {  	s4 =	simm.s32 $0x1BF5;
	[smem:$0x3FB9] =	sst s0  }
0x18: {  	s0 =	sld [smem:$0x3F9C];
	_ =	swait.ge [sflag:s4], $0x0  }
0x19: {  	s7 =	sld [smem:$0x3F9D]  }
0x1a: {  	s8 =	sadd.s32 $0xFFFFE003, lr  }
0x1b: {  	s9 =	sadd.s32 $0xFFFFFEF7, lr;
	s5 =	simm.s32 $0xFFFFFFFF;
	p2 =	slt.u32 s8, $0xFFFFF086  }
0x1c: {  	p1 =	slt.u32 s9, $0xF7A;
	s5 =	simm.s32 @!p2 $0x0  }
0x1d: {  	s5 =	simm.s32 @p1 $0x1;
	p0 =	seq.s32 s7, s2  }
0x1e: {  	s7 =	smul.u32 @!p0 $0xF7A, s2;
	p2 =	seq.s32 @!p0 s5, $0x0  }
0x1f: {  	s9 =	smul.u32 $0xF7A, s1;
	s8 =	simm.s32 @!p0 $0x1BF5;
	p2 =	por !p2, p0  }
0x20: {  	[sflag:s8] =	ssyncset.s32 @!p0 $0xFFFFF086;
	s6 =	sadd.s32 @!p0 s3, s7;
	s7 =	simm.s32 @!p0 $0x108  }
0x21: {  	s3 =	sadd.s32 s3, s9;
	s6 =	sadd.s32 @!p0 $0x88, s6;
	s7 =	simm.s32 @p2 $0x1082  }
0x22: {  	[simem:s7], [sflag:s8] =	dma.local @!p0 [hbm:s6], $0xF7A  }
0x23: {  	s9 =	sor.u32 $0xD0000000, s2;
	s6 =	simm.s32 $0x108;
	_ =	swait.ge @!p0 [sflag:s8], $0x0  }
0x24: {  	s3 =	sadd.s32 $0x88, s3;
	s6 =	simm.s32 @!p1 $0x1082;
	[sflag:s4] =	ssyncset.s32 $0xFFFFF086  }
0x25: {  	[simem:s6], [sflag:s4] =	dma.local [hbm:s3], $0xF7A  }
0x26: {  	[smem:$0x3F9D] =	sst s1;
	(tag) =	ssettag s2;
	_ =	strace s9  }
0x27: {  	s1 =	sld [smem:$0x3FAD]  }
0x28: {  	s2 =	sld [smem:$0x3FAE]  }
0x29: {  	s4 =	sld [smem:$0x3FB0]  }
0x2a: {  	p0 =	seq.s32 s5, $0x0;
	s5 =	sld [smem:$0x3FB1]  }
0x2b: {  	s6 =	sld [smem:$0x3FB2]  }
0x2c: {  	s7 =	sld [smem:$0x3FB3]  }
0x2d: {  	s3 =	simm.s32 $0x108;
	s8 =	sld [smem:$0x3FB4]  }
0x2e: {  	s3 =	simm.s32 @!p0 $0x1082;
	s9 =	sld [smem:$0x3FB5]  }
0x2f: {  	lr =	sadd.s32 s0, s3;
	s0 =	sld [smem:$0x3FAC]  }
0x30: {  	s3 =	sld [smem:$0x3FAF]  }
0x31: {  	[smem:$0x3FB8] =	sst s10  }
0x32: {  	s10 =	sld [smem:$0x3FB6];
	_ =	sdelay $0x3  }
0x33: {  	p0 =	seq.s32 s10, $0x1;
	s10 =	sld [smem:$0x3FB8];
	_ =	sdelay $0x3  }
0x34: {  	[smem:$0x3FB8] =	sst s10  }
0x35: {  	s10 =	sld [smem:$0x3FB7];
	_ =	sdelay $0x3  }
0x36: {  	p1 =	seq.s32 s10, $0x1;
	s10 =	sld [smem:$0x3FB8];
	_ =	sdelay $0x3  }
0x37: {  	[smem:$0x3FB8] =	sst s10  }
0x38: {  	s10 =	sld [smem:$0x3FB9]  }
0x39: {  	_ = 	snop;
	(pc) =	sbr.ind lr, $3  }
0x3a: {  	_ = 	snop  }
0x3b: {  	_ = 	snop  }
0x3c: {  	p2 =	seq.s32 s10, $0x1;
	s10 =	sld [smem:$0x3FB8]  }
0x3d: {  	_ =	shalt  }
0x3e: {  	_ =	shalt  }
0x3f: {  	_ =	shalt  }
0x40: {  	_ =	shalt  }
0x41: {  	_ =	shalt  }
0x42: {  	_ =	shalt  }
0x43: {  	_ =	shalt  }
0x44: {  	_ =	shalt  }
0x45: {  	_ =	shalt  }
0x46: {  	_ =	shalt  }
0x47: {  	_ =	shalt  }
0x48: {  	_ =	shalt  }
0x49: {  	_ =	shalt  }
0x4a: {  	_ =	shalt  }
0x4b: {  	_ =	shalt  }
0x4c: {  	_ =	shalt  }
0x4d: {  	_ =	shalt  }
0x4e: {  	_ =	shalt  }
0x4f: {  	_ =	shalt  }
0x50: {  	_ =	shalt  }
0x51: {  	_ =	shalt  }
0x52: {  	_ =	shalt  }
0x53: {  	_ =	shalt  }
0x54: {  	_ =	shalt  }
0x55: {  	_ =	shalt  }
0x56: {  	_ =	shalt  }
0x57: {  	_ =	shalt  }
0x58: {  	_ =	shalt  }
0x59: {  	_ =	shalt  }
0x5a: {  	_ =	shalt  }
0x5b: {  	_ =	shalt  }
0x5c: {  	_ =	shalt  }
0x5d: {  	_ =	shalt  }
0x5e: {  	_ =	shalt  }
0x5f: {  	_ =	shalt  }
0x60: {  	_ =	shalt  }
0x61: {  	_ =	shalt  }
0x62: {  	_ =	shalt  }
0x63: {  	_ =	shalt  }
0x64: {  	_ =	shalt  }
0x65: {  	_ =	shalt  }
0x66: {  	_ =	shalt  }
0x67: {  	_ =	shalt  }
0x68: {  	_ =	shalt  }
0x69: {  	_ =	shalt  }
0x6a: {  	_ =	shalt  }
0x6b: {  	_ =	shalt  }
0x6c: {  	_ =	shalt  }
0x6d: {  	_ =	shalt  }
0x6e: {  	_ =	shalt  }
0x6f: {  	_ =	shalt  }
0x70: {  	_ =	shalt  }
0x71: {  	_ =	shalt  }
0x72: {  	_ =	shalt  }
0x73: {  	_ =	shalt  }
0x74: {  	_ =	shalt  }
0x75: {  	_ =	shalt  }
0x76: {  	_ =	shalt  }
0x77: {  	_ =	shalt  }
0x78: {  	_ =	shalt  }
0x79: {  	_ =	shalt  }
0x7a: {  	_ =	shalt  }
0x7b: {  	_ =	shalt  }
0x7c: {  	_ =	shalt  }
0x7d: {  	_ =	shalt  }
0x7e: {  	_ =	shalt  }
0x7f: {  	_ =	shalt  }
0x80: {  	_ =	shalt  }
0x81: {  	_ =	shalt  }
0x82: {  	_ =	shalt  }
0x83: {  	_ =	shalt  }
0x84: {  	_ =	shalt  }
0x85: {  	_ =	shalt  }
0x86: {  	_ =	shalt  }
0x87: {  	_ =	shalt  }
.Lfunc_end0:
.L_simem_size_0:
called_computation_lowered:
.L_overlay_start_0:
0x88: {  	s2 =	sld [smem:$0x3FD9]  }
0x89: {  	s3 =	sld [smem:$0x3FFE];
	_ =	sdelay $0x1  }
0x8a: {  	s1 =	srdreg.scid  }
0x8b: {  	s0 =	sand.u32 $0x1, s1  }
0x8c: {  	s17 =	sshll.u32 s0, $0xA;
	s2 =	sadd.s32 s3, s2  }
0x8d: {  	s2 =	sadd.s32 s2, s17  }
0x8e: {  	[smem:$0x3FC4] =	sst s2  }
0x8f: {  	_ = 	snop  }
0x90: {  	s2 =	sld [smem:$0x3FC8];
	(tm) =	ssettm $0x1  }
0x91: {  	s18 =	sld [smem:$0x3FFB];
	_ =	sdelay $0x3  }
0x92: {  	_ =	strace s18  }
0x93: {  	s3 =	sld [smem:$0x3FFC];
	_ =	sdelay $0x3  }
0x94: {  	_ =	strace s3  }
0x95: {  	s3 =	sld [smem:$0x3FFD];
	_ =	sdelay $0x3  }
0x96: {  	_ =	strace s3  }
0x97: {  	_ =	strace $0x8FFFFFFF  }
0x98: {  	s19 =	sld [smem:$0x3FDB];
	_ =	sdelay $0x1  }
0x99: {  	s4 =	simm.s32 $_scs_section_size  }
0x9a: {  	s5 =	simm.s32 $_size__tile_overlayer_lowered;
	s6 =	simm.s32 $_tile_overlayer_lowered  }
0x9b: {  	s22 =	simm.s32 $0x1BFF;
	s21 =	sshll.u32 s6, $0x1;
	s3 =	sadd.s32 s4, s19  }
0x9c: {  	s7 =	simm.s32 $0x0;
	s20 =	sshll.u32 s5, $0x1;
	s5 =	sadd.s32 s21, s3  }
0x9d: {  	[timem:s7], [sflag:s22] =	dma.local [hbm:s5], s20  }
0x9e: {  	_ =	swait.ge [sflag:s22], s20  }
0x9f: {  	s4 =	ssub.s32 $0x0, s20;
	[sflag:s22] =	ssyncset.done $0x0  }
0xa0: {  	[sflag:s22] =	ssyncadd.s32 s4;
	_ =	sdelay $0x1  }
0xa1: {  	s23 =	simm.s32 $0x1B8B  }
0xa2: {  	_ =	swait.ge [sflag:s23], $0x1  }
0xa3: {  	[sflag:s23] =	ssyncset.done $0x0  }
0xa4: {  	s25 =	simm.s32 $0x1B8E;
	s24 =	sld [smem:$0x3FFE];
	[sflag:s23] =	ssyncadd.s32 $0xFFFFFFFF  }
0xa5: {  	s26 =	simm.s32 $execute0_lowered;
	[smem:$0x3FD2] =	sst s25  }
0xa6: {  	s5 =	sshll.u32 s26, $0x1;
	_ =	strace $0x80000046;
	[dreg:$0x1] =	wrdreg $0xFFFFFFFF  }
0xa7: {  	s28 =	simm.s32 $_size_execute0_lowered;
	s3 =	sadd.s32 s3, s5;
	[dreg:$0x0] =	wrdreg $0x0  }
0xa8: {  	s5 =	sshll.u32 s28, $0x1;
	[dreg:$0x2] =	wrdreg s3  }
0xa9: {  	[dreg:$0x3] =	wrdreg s5  }
0xaa: {  	[dreg:$0x4] =	wrdreg $0xC0  }
0xab: {  	_ =	task [dreg:s7], $0x5FFFF  }
0xac: {  	[dreg:$0x1] =	wrdreg $0xFFFFFFFF  }
0xad: {  	[dreg:$0x0] =	wrdreg $0x60  }
0xae: {  	[dreg:$0x2] =	wrdreg s24  }
0xaf: {  	[dreg:$0x3] =	wrdreg s2  }
0xb0: {  	[dreg:$0x4] =	wrdreg $0x9  }
0xb1: {  	_ =	task.clear_ibuf [dreg:s7], $0x5FFFF;
	_ =	strace $0x90000046  }
0xb2: {  	s29 =	simm.s32 $0x9;
	_ =	strace $0x80000048  }
0xb3: {  	_ =	swait.ge [sflag:s29], $0x1  }
0xb4: {  	[sflag:s29] =	ssyncadd.s32 $0xFFFFFFFF  }
0xb5: {  	_ =	strace $0x90000048  }
0xb6: {  	_ =	sfence  }
0xb7: {  	s30 =	sld [smem:$0x0];
	_ =	sdelay $0x2  }
0xb8: {  	s31 =	sshll.u32 s1, $0xD;
	s1 =	sshrl.u32 s1, $0x2  }
0xb9: {  	s3 =	sand.u32 $0x4000, s31;
	s1 =	sadd.s32 s1, s30  }
0xba: {  	s0 =	sor.u32 s3, s0;
	s1 =	sshll.u32 s1, $0x11  }
0xbb: {  	s0 =	sor.u32 s1, s0  }
0xbc: {  	s0 =	sadd.s32 $0x8F2B, s0  }
0xbd: {  	[sflag:s0] =	ssyncadd.remote.s32 $0x1  }
0xbe: {  	_ =	sfence.sel $0xFFFF  }
0xbf: {  	[dreg:$0x0] =	wrdreg $0xFFFFFFFF;
	(pc) =	sbr.abs _section_cstart, $3  }
0xc0: {  	[dreg:$0x1] =	wrdreg $0xFFFFFFFF  }
0xc1: {  	_ =	task.clear_ibuf [dreg:s7], $0x2FFFF;
	_ =	strace $0x9FFFFFFF  }
0xc2: {  	(tm) =	ssettm $0x7FFFFFFF  }
0xc3: {  	_ =	shalt  }
tec
execute0_lowered:
.L_overlay_start_1:
0x0: {  	(tag) =	ssettag $0x1  }
0x1: {  	v2 =	vlaneseq.u32  }
0x2: {  	v4 =	vor.u32 $0x10, v2  }
0x3: {  	v5 =	vor.u32 $0x20, v2;
	[tilespmem:$0x1FC30] =	vst v4  }
0x4: {  	s1 =	srdreg.scid;
	s0 =	stileid.u32;
	v6 =	vor.u32 $0x30, v2;
	[tilespmem:$0x1FC40] =	vst v5  }
0x5: {  	s3 =	sand.u32 $0x1, s1;
	s20 =	sshll.u32 s0, $0x1;
	v7 =	vor.u32 $0x40, v2;
	[tilespmem:$0x1FC50] =	vst v6  }
0x6: {  	v8 =	vor.u32 $0x50, v2;
	s4 =	sor.u32 s3, s20;
	[tilespmem:$0x1FC60] =	vst v7  }
0x7: {  	v9 =	vor.u32 $0x60, v2;
	[tilespmem:$0x1FC70] =	vst v8;
	s1 =	sshll.u32 s4, $0x1  }
0x8: {  	s5 =	rddreg [dreg:$0x0];
	v10 =	vor.u32 $0x70, v2;
	[tilespmem:$0x1FC80] =	vst v9;
	s6 =	sshllo.u32 s4, $0x1;
	v1 =	vmov s1  }
0x9: {  	s2 =	rddreg [dreg:$0x1];
	[tilespmem:$0x1FC90] =	vst v10;
	v63 =	vmov s6;
	v1 =	vbroadcast v1, $0x0  }
0xa: {  	[dreg:$0x3] =	wrdreg s2;
	s2 =	simm.s32 $0x0;
	[tilespmem:$0x1FC20] =	vst v63  }
0xb: {  	v11 =	vor.u32 $0x80, v2;
	[smem:$0x7FF] =	sst s2;
	[tilespmem:$0x1FC10] =	vst v1  }
0xc: {  	v12 =	vor.u32 $0x90, v2;
	s1 =	rddreg [dreg:$0x2];
	_ =	strace $0x80000047;
	[tilespmem:$0x1FCA0] =	vst v11  }
0xd: {  	v13 =	vor.u32 $0xA0, v2;
	[tilespmem:$0x1FCB0] =	vst v12  }
0xe: {  	v14 =	vor.u32 $0xB0, v2;
	[tilespmem:$0x1FCC0] =	vst v13  }
0xf: {  	v15 =	vor.u32 $0xC0, v2;
	[tilespmem:$0x1FCD0] =	vst v14  }
0x10: {  	v16 =	vor.u32 $0xD0, v2;
	[tilespmem:$0x1FCE0] =	vst v15  }
0x11: {  	v17 =	vor.u32 $0xE0, v2;
	[tilespmem:$0x1FCF0] =	vst v16  }
0x12: {  	v18 =	vor.u32 $0xF0, v2;
	[tilespmem:$0x1FD00] =	vst v17  }
0x13: {  	v19 =	vor.u32 $0x100, v2;
	[tilespmem:$0x1FD10] =	vst v18  }
0x14: {  	v20 =	vor.u32 $0x110, v2;
	[tilespmem:$0x1FD20] =	vst v19  }
0x15: {  	v21 =	vor.u32 $0x120, v2;
	[tilespmem:$0x1FD30] =	vst v20  }
0x16: {  	v22 =	vor.u32 $0x130, v2;
	[tilespmem:$0x1FD40] =	vst v21  }
0x17: {  	v23 =	vor.u32 $0x140, v2;
	[tilespmem:$0x1FD50] =	vst v22  }
0x18: {  	v24 =	vor.u32 $0x150, v2;
	[tilespmem:$0x1FD60] =	vst v23  }
0x19: {  	v25 =	vor.u32 $0x160, v2;
	[tilespmem:$0x1FD70] =	vst v24  }
0x1a: {  	v26 =	vor.u32 $0x170, v2;
	[tilespmem:$0x1FD80] =	vst v25  }
0x1b: {  	v27 =	vor.u32 $0x180, v2;
	[tilespmem:$0x1FD90] =	vst v26  }
0x1c: {  	v28 =	vor.u32 $0x190, v2;
	[tilespmem:$0x1FDA0] =	vst v27  }
0x1d: {  	v29 =	vor.u32 $0x1A0, v2;
	[tilespmem:$0x1FDB0] =	vst v28  }
0x1e: {  	v30 =	vor.u32 $0x1B0, v2;
	[tilespmem:$0x1FDC0] =	vst v29  }
0x1f: {  	v31 =	vor.u32 $0x1C0, v2;
	[tilespmem:$0x1FDD0] =	vst v30  }
0x20: {  	v32 =	vor.u32 $0x1D0, v2;
	[tilespmem:$0x1FDE0] =	vst v31  }
0x21: {  	v33 =	vor.u32 $0x1E0, v2;
	[tilespmem:$0x1FDF0] =	vst v32  }
0x22: {  	v34 =	vor.u32 $0x1F0, v2;
	[tilespmem:$0x1FE00] =	vst v33  }
0x23: {  	v35 =	vor.u32 $0x200, v2;
	[tilespmem:$0x1FE10] =	vst v34  }
0x24: {  	v36 =	vor.u32 $0x210, v2;
	[tilespmem:$0x1FE20] =	vst v35  }
0x25: {  	v37 =	vor.u32 $0x220, v2;
	[tilespmem:$0x1FE30] =	vst v36  }
0x26: {  	v38 =	vor.u32 $0x230, v2;
	[tilespmem:$0x1FE40] =	vst v37  }
0x27: {  	v39 =	vor.u32 $0x240, v2;
	[tilespmem:$0x1FE50] =	vst v38  }
0x28: {  	v40 =	vor.u32 $0x250, v2;
	[tilespmem:$0x1FE60] =	vst v39  }
0x29: {  	v41 =	vor.u32 $0x260, v2;
	[tilespmem:$0x1FE70] =	vst v40  }
0x2a: {  	v42 =	vor.u32 $0x270, v2;
	[tilespmem:$0x1FE80] =	vst v41  }
0x2b: {  	v43 =	vor.u32 $0x280, v2;
	[tilespmem:$0x1FE90] =	vst v42  }
0x2c: {  	v44 =	vor.u32 $0x290, v2;
	[tilespmem:$0x1FEA0] =	vst v43  }
0x2d: {  	v45 =	vor.u32 $0x2A0, v2;
	[tilespmem:$0x1FEB0] =	vst v44  }
0x2e: {  	v46 =	vor.u32 $0x2B0, v2;
	[tilespmem:$0x1FEC0] =	vst v45  }
0x2f: {  	v47 =	vor.u32 $0x2C0, v2;
	[tilespmem:$0x1FED0] =	vst v46  }
0x30: {  	s25 =	simm.s32 $0x100;
	s28 =	simm.s32 $0x200;
	s30 =	simm.s32 $0x300;
	v48 =	vor.u32 $0x2D0, v2;
	[tilespmem:$0x1FEE0] =	vst v47  }
0x31: {  	s10 =	simm.s32 $0x500;
	s12 =	simm.s32 $0x600;
	s14 =	simm.s32 $0x700;
	v49 =	vor.u32 $0x2E0, v2;
	[tilespmem:$0x1FEF0] =	vst v48  }
0x32: {  	s15 =	simm.s32 $0x80;
	s16 =	simm.s32 $0x180;
	s17 =	simm.s32 $0x280;
	v50 =	vor.u32 $0x2F0, v2;
	[tilespmem:$0x1FF00] =	vst v49  }
0x33: {  	s18 =	simm.s32 $0x380;
	s19 =	simm.s32 $0x480;
	s7 =	sshll.u32 s0, $0xC;
	v51 =	vor.u32 $0x300, v2;
	[tilespmem:$0x1FF10] =	vst v50  }
0x34: {  	s9 =	sadd.s32 $0x600, s5;
	v52 =	vor.u32 $0x310, v2;
	s21 =	ssub.s32 $0x2, s3;
	s20 =	simm.s32 $0x580;
	[tilespmem:$0x1FF20] =	vst v51  }
0x35: {  	v53 =	vor.u32 $0x320, v2;
	s8 =	sshll.u32 s4, $0x8;
	s4 =	sshll.u32 s4, $0x4;
	s23 =	sshrl.u32 s21, $0x1;
	[tilespmem:$0x1FF30] =	vst v52  }
0x36: {  	v54 =	vor.u32 $0x330, v2;
	s8 =	sor.u32 s7, s8;
	s4 =	sadd.s32 s4, s5;
	s5 =	ssub.s32 s21, s23;
	[tilespmem:$0x1FF40] =	vst v53  }
0x37: {  	v55 =	vor.u32 $0x340, v2;
	s6 =	sshll.u32 s6, $0x7;
	s21 =	simm.s32 $0x680;
	s23 =	simm.s32 $0x1;
	[tilespmem:$0x1FF50] =	vst v54  }
0x38: {  	v56 =	vor.u32 $0x350, v2;
	s8 =	sand.u32 $0xE300, s8;
	s4 =	sadd.s32 $0x2600, s4;
	s6 =	sor.u32 s7, s6;
	[tilespmem:$0x1FF60] =	vst v55  }
0x39: {  	v57 =	vor.u32 $0x360, v2;
	s5 =	smax.u32 s5, $0x1;
	s7 =	simm.s32 $0x3;
	s22 =	sshrl.u32 s8, $0x3;
	[tilespmem:$0x1FF70] =	vst v56  }
0x3a: {  	v58 =	vor.u32 $0x370, v2;
	s6 =	sand.u32 $0xE380, s6;
	s8 =	simm.s32 $0x400;
	[dreg:$0x4] =	wrdreg s4;
	[tilespmem:$0x1FF80] =	vst v57  }
0x3b: {  	v0 =	vor.u32 $0x380, v2;
	s3 =	sadd.s32 s9, s22;
	s6 =	sshrl.u32 s6, $0x3;
	[dreg:$0x6] =	wrdreg s25;
	[tilespmem:$0x1FF90] =	vst v58  }
0x3c: {  	v59 =	vor.u32 $0x390, v2;
	s22 =	simm.s32 $0x780;
	s24 =	sadd.s32 $0x80, s3;
	[dreg:$0x8] =	wrdreg s28;
	[tilespmem:$0x1FFA0] =	vst v0  }
0x3d: {  	v60 =	vor.u32 $0x3A0, v2;
	s26 =	sadd.s32 $0x100, s3;
	s29 =	sadd.s32 $0x180, s3;
	[dreg:$0xa] =	wrdreg s30;
	[tilespmem:$0x1FFB0] =	vst v59  }
0x3e: {  	v61 =	vor.u32 $0x3B0, v2;
	s4 =	sadd.s32 s9, s6;
	s31 =	sadd.s32 $0x200, s3;
	[tilespmem:$0x1FFC0] =	vst v60;
	[dreg:$0x5] =	wrdreg s24  }
0x3f: {  	v62 =	vor.u32 $0x3C0, v2;
	s6 =	simm.s32 $0x800;
	s9 =	sadd.s32 $0x280, s3;
	[tilespmem:$0x1FFD0] =	vst v61;
	[dreg:$0x7] =	wrdreg s26  }
0x40: {  	v63 =	vor.u32 $0x3D0, v2;
	s11 =	sadd.s32 $0x300, s3;
	s13 =	sadd.s32 $0x380, s3;
	[tilespmem:$0x1FFE0] =	vst v62;
	[dreg:$0x9] =	wrdreg s29  }
0x41: {  	[tilespmem:$0x1FFF0] =	vst v63;
	s25 =	simm.s32 $0x880;
	[dreg:$0xb] =	wrdreg s31;
	s24 =	simm.s32 $0x2  }
.LBB2_1:
0x42: {  	s26 =	rddreg [dreg:$0x3]  }
0x43: {  	[tilespmem:s6], [sflag:$0x3] =	stream.linear.gather [hbm4b:s26+s2], $0x80, $0x38;
	[tilespmem:$0x900] =	vst v63  }
0x44: {  	_ =	swait.ge [sflag:s7], $0x80  }
0x45: {  	s30 =	rddreg [dreg:$0x5]  }
0x46: {  	[sflag:s7] =	ssyncset.done $0x0;
	s28 =	rddreg [dreg:$0x6]  }
0x47: {  	s26 =	rddreg [dreg:$0x7];
	[sflag:s7] =	ssyncadd.s32 $0xFFFFFF80  }
0x48: {  	[tilespmem:s2], [sflag:$0x1] =	stream.linear.gather [hbm4b:s3+s2], $0x80, $0x38;
	[tilespmem:$0x900] =	vst v63  }
0x49: {  	s31 =	rddreg [dreg:$0x8]  }
0x4a: {  	[tilespmem:s28], [sflag:$0x1] =	stream.linear.gather [hbm4b:s30+s2], $0x80, $0x38;
	[tilespmem:$0x900] =	vst v63  }
0x4b: {  	s29 =	rddreg [dreg:$0x9]  }
0x4c: {  	[tilespmem:s31], [sflag:$0x1] =	stream.linear.gather [hbm4b:s26+s2], $0x80, $0x38;
	[tilespmem:$0x900] =	vst v63  }
0x4d: {  	s30 =	rddreg [dreg:$0xa]  }
0x4e: {  	[tilespmem:s30], [sflag:$0x1] =	stream.linear.gather [hbm4b:s29+s2], $0x80, $0x38;
	[tilespmem:$0x900] =	vst v63  }
0x4f: {  	s31 =	rddreg [dreg:$0xb]  }
0x50: {  	[tilespmem:s8], [sflag:$0x1] =	stream.linear.gather [hbm4b:s31+s2], $0x80, $0x38;
	[tilespmem:$0x900] =	vst v63  }
0x51: {  	_ = 	snop  }
0x52: {  	[tilespmem:s10], [sflag:$0x1] =	stream.linear.gather [hbm4b:s9+s2], $0x80, $0x38;
	[tilespmem:$0x900] =	vst v63  }
0x53: {  	_ = 	snop  }
0x54: {  	[tilespmem:s12], [sflag:$0x1] =	stream.linear.gather [hbm4b:s11+s2], $0x80, $0x38;
	[tilespmem:$0x900] =	vst v63  }
0x55: {  	_ = 	snop  }
0x56: {  	[tilespmem:s14], [sflag:$0x1] =	stream.linear.gather [hbm4b:s13+s2], $0x80, $0x38;
	[tilespmem:$0x900] =	vst v63  }
0x57: {  	_ = 	snop  }
0x58: {  	[tilespmem:s15], [sflag:$0x2] =	stream.linear.gather [hbm4b:s4+s2], $0x80, $0x38;
	[tilespmem:$0x900] =	vst v63  }
0x59: {  	s28 =	sadd.s32 $0x80, s4  }
0x5a: {  	[tilespmem:s16], [sflag:$0x2] =	stream.linear.gather [hbm4b:s28+s2], $0x80, $0x38;
	[tilespmem:$0x900] =	vst v63  }
0x5b: {  	s29 =	sadd.s32 $0x100, s4  }
0x5c: {  	[tilespmem:s17], [sflag:$0x2] =	stream.linear.gather [hbm4b:s29+s2], $0x80, $0x38;
	[tilespmem:$0x900] =	vst v63  }
0x5d: {  	s30 =	sadd.s32 $0x180, s4  }
0x5e: {  	[tilespmem:s18], [sflag:$0x2] =	stream.linear.gather [hbm4b:s30+s2], $0x80, $0x38;
	[tilespmem:$0x900] =	vst v63  }
0x5f: {  	s31 =	sadd.s32 $0x200, s4  }
0x60: {  	[tilespmem:s19], [sflag:$0x2] =	stream.linear.gather [hbm4b:s31+s2], $0x80, $0x38;
	[tilespmem:$0x900] =	vst v63  }
0x61: {  	s28 =	sadd.s32 $0x280, s4  }
0x62: {  	[tilespmem:s20], [sflag:$0x2] =	stream.linear.gather [hbm4b:s28+s2], $0x80, $0x38;
	[tilespmem:$0x900] =	vst v63  }
0x63: {  	s29 =	sadd.s32 $0x300, s4  }
0x64: {  	[tilespmem:s21], [sflag:$0x2] =	stream.linear.gather [hbm4b:s29+s2], $0x80, $0x38;
	[tilespmem:$0x900] =	vst v63  }
0x65: {  	s30 =	sadd.s32 $0x380, s4  }
0x66: {  	[tilespmem:s22], [sflag:$0x2] =	stream.linear.gather [hbm4b:s30+s2], $0x80, $0x38;
	[tilespmem:$0x900] =	vst v63  }
0x67: {  	_ =	swait.ge [sflag:s23], $0x400  }
0x68: {  	v2 =	vld [tilespmem:$0x1FC10];
	_ =	sdelay $0x3  }
0x69: {  	v14 =	vld [tilespmem:$0x1FC30]  }
0x6a: {  	[sflag:s23] =	ssyncset.done $0x0;
	v15 =	vld [tilespmem:$0x1FC40]  }
0x6b: {  	v11 =	vld [tilespmem:$0x1FC50];
	[sflag:s23] =	ssyncadd.s32 $0xFFFFFC00  }
0x6c: {  	v1 =	vld [tilespmem:$0x0]  }
0x6d: {  	v2 =	vld.idx.msk [tilespmem:v2+s6+$0x0], $0xffff  }
0x6e: {  	v3 =	vld [tilespmem:$0x10]  }
0x6f: {  	v12 =	vld [tilespmem:$0x1FC60]  }
0x70: {  	v4 =	vld [tilespmem:$0x20]  }
0x71: {  	v0 =	vlaneseq.u32;
	v13 =	vld [tilespmem:$0x1FC70];
	v1 =	vadd.f32 $0.0e+00, v1  }
0x72: {  	v5 =	vld [tilespmem:$0x30];
	vm0 =	vgt.s32 v2, v0;
	vm1 =	vgt.s32 v2, v14  }
0x73: {  	v16 =	vld [tilespmem:$0x40];
	v1 =	vnsel vm0, $0x0, v1;
	v3 =	vnsel vm1, $0x0, v3  }
0x74: {  	v17 =	vld [tilespmem:$0x50];
	vm10 =	vgt.s32 v2, v15;
	v1 =	vadd.f32 v3, v1  }
0x75: {  	v18 =	vld [tilespmem:$0x60];
	v4 =	vnsel vm10, $0x0, v4  }
0x76: {  	v19 =	vld [tilespmem:$0x70];
	vm11 =	vgt.s32 v2, v11;
	v1 =	vadd.f32 v4, v1  }
0x77: {  	v14 =	vld [tilespmem:$0x1FC80];
	v5 =	vnsel vm11, $0x0, v5  }
0x78: {  	v20 =	vld [tilespmem:$0x100];
	vm12 =	vgt.s32 v2, v12;
	v1 =	vadd.f32 v5, v1  }
0x79: {  	v15 =	vld [tilespmem:$0x1FC90];
	v3 =	vnsel vm12, $0x0, v16  }
0x7a: {  	v21 =	vld [tilespmem:$0x110];
	vm13 =	vgt.s32 v2, v13;
	v1 =	vadd.f32 v3, v1  }
0x7b: {  	v16 =	vld [tilespmem:$0x1FCA0];
	v4 =	vnsel vm13, $0x0, v17  }
0x7c: {  	v22 =	vld [tilespmem:$0x120];
	vm14 =	vgt.s32 v2, v14;
	v1 =	vadd.f32 v4, v1  }
0x7d: {  	v17 =	vld [tilespmem:$0x1FCB0];
	v5 =	vnsel vm14, $0x0, v18  }
0x7e: {  	v23 =	vld [tilespmem:$0x130];
	vm15 =	vgt.s32 v2, v15;
	v1 =	vadd.f32 v5, v1  }
0x7f: {  	v18 =	vld [tilespmem:$0x1FCC0];
	v3 =	vnsel vm15, $0x0, v19  }
0x80: {  	v24 =	vld [tilespmem:$0x140];
	vm4 =	vgt.s32 v2, v16;
	v1 =	vadd.f32 v3, v1  }
0x81: {  	v19 =	vld [tilespmem:$0x1FCD0];
	v4 =	vnsel vm4, $0x0, v20  }
0x82: {  	v25 =	vld [tilespmem:$0x150];
	vm5 =	vgt.s32 v2, v17;
	v1 =	vadd.f32 v4, v1  }
0x83: {  	v20 =	vld [tilespmem:$0x1FCE0];
	v5 =	vnsel vm5, $0x0, v21  }
0x84: {  	v26 =	vld [tilespmem:$0x160];
	vm6 =	vgt.s32 v2, v18;
	v1 =	vadd.f32 v5, v1  }
0x85: {  	v21 =	vld [tilespmem:$0x1FCF0];
	v3 =	vnsel vm6, $0x0, v22  }
0x86: {  	v27 =	vld [tilespmem:$0x170];
	vm7 =	vgt.s32 v2, v19;
	v1 =	vadd.f32 v3, v1  }
0x87: {  	v22 =	vld [tilespmem:$0x1FD00];
	v4 =	vnsel vm7, $0x0, v23  }
0x88: {  	v28 =	vld [tilespmem:$0x200];
	vm8 =	vgt.s32 v2, v20;
	v1 =	vadd.f32 v4, v1  }
0x89: {  	v23 =	vld [tilespmem:$0x1FD10];
	v5 =	vnsel vm8, $0x0, v24  }
0x8a: {  	v29 =	vld [tilespmem:$0x210];
	vm9 =	vgt.s32 v2, v21;
	v1 =	vadd.f32 v5, v1  }
0x8b: {  	v24 =	vld [tilespmem:$0x1FD20];
	v3 =	vnsel vm9, $0x0, v25  }
0x8c: {  	v30 =	vld [tilespmem:$0x220];
	vm10 =	vgt.s32 v2, v22;
	v1 =	vadd.f32 v3, v1  }
0x8d: {  	v25 =	vld [tilespmem:$0x1FD30];
	v4 =	vnsel vm10, $0x0, v26  }
0x8e: {  	v31 =	vld [tilespmem:$0x230];
	vm11 =	vgt.s32 v2, v23;
	v1 =	vadd.f32 v4, v1  }
0x8f: {  	v26 =	vld [tilespmem:$0x1FD40];
	v5 =	vnsel vm11, $0x0, v27  }
0x90: {  	v32 =	vld [tilespmem:$0x240];
	vm12 =	vgt.s32 v2, v24;
	v1 =	vadd.f32 v5, v1  }
0x91: {  	v27 =	vld [tilespmem:$0x1FD50];
	v3 =	vnsel vm12, $0x0, v28  }
0x92: {  	v33 =	vld [tilespmem:$0x250];
	vm13 =	vgt.s32 v2, v25;
	v1 =	vadd.f32 v3, v1  }
0x93: {  	v28 =	vld [tilespmem:$0x1FD60];
	v4 =	vnsel vm13, $0x0, v29  }
0x94: {  	v34 =	vld [tilespmem:$0x260];
	vm14 =	vgt.s32 v2, v26;
	v1 =	vadd.f32 v4, v1  }
0x95: {  	v29 =	vld [tilespmem:$0x1FD70];
	v5 =	vnsel vm14, $0x0, v30  }
0x96: {  	v35 =	vld [tilespmem:$0x270];
	vm15 =	vgt.s32 v2, v27;
	v1 =	vadd.f32 v5, v1  }
0x97: {  	v30 =	vld [tilespmem:$0x1FD80];
	v3 =	vnsel vm15, $0x0, v31  }
0x98: {  	v36 =	vld [tilespmem:$0x300];
	vm4 =	vgt.s32 v2, v28;
	v1 =	vadd.f32 v3, v1  }
0x99: {  	v31 =	vld [tilespmem:$0x1FD90];
	v4 =	vnsel vm4, $0x0, v32  }
0x9a: {  	v37 =	vld [tilespmem:$0x310];
	vm5 =	vgt.s32 v2, v29;
	v1 =	vadd.f32 v4, v1  }
0x9b: {  	v32 =	vld [tilespmem:$0x1FDA0];
	v5 =	vnsel vm5, $0x0, v33  }
0x9c: {  	v38 =	vld [tilespmem:$0x320];
	vm6 =	vgt.s32 v2, v30;
	v1 =	vadd.f32 v5, v1  }
0x9d: {  	v33 =	vld [tilespmem:$0x1FDB0];
	v3 =	vnsel vm6, $0x0, v34  }
0x9e: {  	v39 =	vld [tilespmem:$0x330];
	vm7 =	vgt.s32 v2, v31;
	v1 =	vadd.f32 v3, v1  }
0x9f: {  	v34 =	vld [tilespmem:$0x1FDC0];
	v4 =	vnsel vm7, $0x0, v35  }
0xa0: {  	v40 =	vld [tilespmem:$0x340];
	vm8 =	vgt.s32 v2, v32;
	v1 =	vadd.f32 v4, v1  }
0xa1: {  	v35 =	vld [tilespmem:$0x1FDD0];
	v5 =	vnsel vm8, $0x0, v36  }
0xa2: {  	v41 =	vld [tilespmem:$0x350];
	vm9 =	vgt.s32 v2, v33;
	v1 =	vadd.f32 v5, v1  }
0xa3: {  	v36 =	vld [tilespmem:$0x1FDE0];
	v3 =	vnsel vm9, $0x0, v37  }
0xa4: {  	v42 =	vld [tilespmem:$0x360];
	vm10 =	vgt.s32 v2, v34;
	v1 =	vadd.f32 v3, v1  }
0xa5: {  	v37 =	vld [tilespmem:$0x1FDF0];
	v4 =	vnsel vm10, $0x0, v38  }
0xa6: {  	v43 =	vld [tilespmem:$0x370];
	vm11 =	vgt.s32 v2, v35;
	v1 =	vadd.f32 v4, v1  }
0xa7: {  	v38 =	vld [tilespmem:$0x1FE00];
	v5 =	vnsel vm11, $0x0, v39  }
0xa8: {  	v44 =	vld [tilespmem:$0x400];
	vm12 =	vgt.s32 v2, v36;
	v1 =	vadd.f32 v5, v1  }
0xa9: {  	v39 =	vld [tilespmem:$0x1FE10];
	v3 =	vnsel vm12, $0x0, v40  }
0xaa: {  	v45 =	vld [tilespmem:$0x410];
	vm13 =	vgt.s32 v2, v37;
	v1 =	vadd.f32 v3, v1  }
0xab: {  	v40 =	vld [tilespmem:$0x1FE20];
	v4 =	vnsel vm13, $0x0, v41  }
0xac: {  	v46 =	vld [tilespmem:$0x420];
	vm14 =	vgt.s32 v2, v38;
	v1 =	vadd.f32 v4, v1  }
0xad: {  	v41 =	vld [tilespmem:$0x1FE30];
	v5 =	vnsel vm14, $0x0, v42  }
0xae: {  	v47 =	vld [tilespmem:$0x430];
	vm15 =	vgt.s32 v2, v39;
	v1 =	vadd.f32 v5, v1  }
0xaf: {  	v42 =	vld [tilespmem:$0x1FE40];
	v3 =	vnsel vm15, $0x0, v43  }
0xb0: {  	v48 =	vld [tilespmem:$0x440];
	vm4 =	vgt.s32 v2, v40;
	v1 =	vadd.f32 v3, v1  }
0xb1: {  	v43 =	vld [tilespmem:$0x1FE50];
	v4 =	vnsel vm4, $0x0, v44  }
0xb2: {  	v49 =	vld [tilespmem:$0x450];
	vm5 =	vgt.s32 v2, v41;
	v1 =	vadd.f32 v4, v1  }
0xb3: {  	v44 =	vld [tilespmem:$0x1FE60];
	v5 =	vnsel vm5, $0x0, v45  }
0xb4: {  	v50 =	vld [tilespmem:$0x460];
	vm6 =	vgt.s32 v2, v42;
	v1 =	vadd.f32 v5, v1  }
0xb5: {  	v45 =	vld [tilespmem:$0x1FE70];
	v3 =	vnsel vm6, $0x0, v46  }
0xb6: {  	v51 =	vld [tilespmem:$0x470];
	vm7 =	vgt.s32 v2, v43;
	v1 =	vadd.f32 v3, v1  }
0xb7: {  	v46 =	vld [tilespmem:$0x1FE80];
	v4 =	vnsel vm7, $0x0, v47  }
0xb8: {  	v52 =	vld [tilespmem:$0x500];
	vm8 =	vgt.s32 v2, v44;
	v1 =	vadd.f32 v4, v1  }
0xb9: {  	v47 =	vld [tilespmem:$0x1FE90];
	v5 =	vnsel vm8, $0x0, v48  }
0xba: {  	v53 =	vld [tilespmem:$0x510];
	vm9 =	vgt.s32 v2, v45;
	v1 =	vadd.f32 v5, v1  }
0xbb: {  	v48 =	vld [tilespmem:$0x1FEA0];
	v3 =	vnsel vm9, $0x0, v49  }
0xbc: {  	v54 =	vld [tilespmem:$0x520];
	vm10 =	vgt.s32 v2, v46;
	v1 =	vadd.f32 v3, v1  }
0xbd: {  	v49 =	vld [tilespmem:$0x1FEB0];
	v4 =	vnsel vm10, $0x0, v50  }
0xbe: {  	v55 =	vld [tilespmem:$0x530];
	vm11 =	vgt.s32 v2, v47;
	v1 =	vadd.f32 v4, v1  }
0xbf: {  	v50 =	vld [tilespmem:$0x1FEC0];
	v5 =	vnsel vm11, $0x0, v51  }
0xc0: {  	v56 =	vld [tilespmem:$0x540];
	vm12 =	vgt.s32 v2, v48;
	v1 =	vadd.f32 v5, v1  }
0xc1: {  	v51 =	vld [tilespmem:$0x1FED0];
	v3 =	vnsel vm12, $0x0, v52  }
0xc2: {  	v57 =	vld [tilespmem:$0x550];
	vm13 =	vgt.s32 v2, v49;
	v1 =	vadd.f32 v3, v1  }
0xc3: {  	v52 =	vld [tilespmem:$0x1FEE0];
	v4 =	vnsel vm13, $0x0, v53  }
0xc4: {  	v58 =	vld [tilespmem:$0x560];
	vm14 =	vgt.s32 v2, v50;
	v1 =	vadd.f32 v4, v1  }
0xc5: {  	v53 =	vld [tilespmem:$0x1FEF0];
	v5 =	vnsel vm14, $0x0, v54  }
0xc6: {  	v59 =	vld [tilespmem:$0x570];
	vm15 =	vgt.s32 v2, v51;
	v1 =	vadd.f32 v5, v1  }
0xc7: {  	v54 =	vld [tilespmem:$0x1FF00];
	v3 =	vnsel vm15, $0x0, v55  }
0xc8: {  	v60 =	vld [tilespmem:$0x600];
	vm4 =	vgt.s32 v2, v52;
	v1 =	vadd.f32 v3, v1  }
0xc9: {  	v55 =	vld [tilespmem:$0x1FF10];
	v4 =	vnsel vm4, $0x0, v56  }
0xca: {  	vm5 =	vgt.s32 v2, v53;
	v56 =	vld [tilespmem:$0x1FF20];
	v1 =	vadd.f32 v4, v1  }
0xcb: {  	v5 =	vnsel vm5, $0x0, v57;
	v57 =	vld [tilespmem:$0x1FF30]  }
0xcc: {  	v61 =	vld [tilespmem:$0x610];
	vm6 =	vgt.s32 v2, v54;
	v1 =	vadd.f32 v5, v1  }
0xcd: {  	v62 =	vld [tilespmem:$0x620];
	v3 =	vnsel vm6, $0x0, v58  }
0xce: {  	v63 =	vld [tilespmem:$0x630];
	vm7 =	vgt.s32 v2, v55;
	v1 =	vadd.f32 v3, v1  }
0xcf: {  	v58 =	vld [tilespmem:$0x1FF40];
	v4 =	vnsel vm7, $0x0, v59  }
0xd0: {  	vm8 =	vgt.s32 v2, v56;
	v59 =	vld [tilespmem:$0x1FF50];
	vm9 =	vgt.s32 v2, v57;
	v1 =	vadd.f32 v4, v1  }
0xd1: {  	v5 =	vnsel vm8, $0x0, v60;
	v3 =	vnsel vm9, $0x0, v61;
	v61 =	vld [tilespmem:$0x1FF70]  }
0xd2: {  	v9 =	vld [tilespmem:$0x650];
	v1 =	vadd.f32 v5, v1  }
0xd3: {  	v60 =	vld [tilespmem:$0x1FF60]  }
0xd4: {  	v8 =	vld [tilespmem:$0x640];
	vm10 =	vgt.s32 v2, v58;
	v1 =	vadd.f32 v3, v1  }
0xd5: {  	v7 =	vld [tilespmem:$0x1FFA0];
	v4 =	vnsel vm10, $0x0, v62  }
0xd6: {  	vm11 =	vgt.s32 v2, v59;
	v62 =	vld [tilespmem:$0x1FF80];
	vm13 =	vgt.s32 v2, v61;
	v1 =	vadd.f32 v4, v1  }
0xd7: {  	v5 =	vnsel vm11, $0x0, v63;
	v4 =	vnsel vm13, $0x0, v9;
	v9 =	vld [tilespmem:$0x700]  }
0xd8: {  	v10 =	vld [tilespmem:$0x660];
	vm12 =	vgt.s32 v2, v60;
	v1 =	vadd.f32 v5, v1  }
0xd9: {  	v3 =	vnsel vm12, $0x0, v8  }
0xda: {  	v1 =	vadd.f32 v3, v1  }
0xdb: {  	vm4 =	vgt.s32 v2, v7  }
0xdc: {  	vm14 =	vgt.s32 v2, v62;
	v1 =	vadd.f32 v4, v1;
	v4 =	vnsel vm4, $0x0, v9;
	v9 =	vld [tilespmem:$0x1FFB0]  }
0xdd: {  	v5 =	vnsel vm14, $0x0, v10;
	v10 =	vld [tilespmem:$0x710];
	_ =	sdelay $0x1  }
0xde: {  	v63 =	vld [tilespmem:$0x1FF90]  }
0xdf: {  	v8 =	vld [tilespmem:$0x670]  }
0xe0: {  	vm5 =	vgt.s32 v2, v9  }
0xe1: {  	v1 =	vadd.f32 v5, v1;
	v5 =	vnsel vm5, $0x0, v10;
	v10 =	vld [tilespmem:$0x1FFC0];
	_ =	sdelay $0x1  }
0xe2: {  	vm15 =	vgt.s32 v2, v63  }
0xe3: {  	v3 =	vnsel vm15, $0x0, v8  }
0xe4: {  	v8 =	vld [tilespmem:$0x720];
	v1 =	vadd.f32 v3, v1  }
0xe5: {  	vm6 =	vgt.s32 v2, v10;
	v10 =	vld [tilespmem:$0x1FFD0]  }
0xe6: {  	v1 =	vadd.f32 v4, v1;
	v4 =	vld [tilespmem:$0x730]  }
0xe7: {  	v9 =	vld [tilespmem:$0x1FFE0]  }
0xe8: {  	v1 =	vadd.f32 v5, v1;
	v5 =	vld [tilespmem:$0x740]  }
0xe9: {  	v3 =	vnsel vm6, $0x0, v8  }
0xea: {  	v1 =	vadd.f32 v3, v1;
	vm7 =	vgt.s32 v2, v10  }
0xeb: {  	v6 =	vld [tilespmem:$0x750];
	v3 =	vnsel vm7, $0x0, v4  }
0xec: {  	v7 =	vld [tilespmem:$0x760];
	vm8 =	vgt.s32 v2, v9;
	v1 =	vadd.f32 v3, v1  }
0xed: {  	v8 =	vld [tilespmem:$0x770];
	_ =	swait.ge [sflag:s24], $0x400;
	v3 =	vnsel vm8, $0x0, v5  }
0xee: {  	v4 =	vadd.f32 v3, v1;
	v1 =	vld [tilespmem:$0x1FC20];
	_ =	sdelay $0x3  }
0xef: {  	v3 =	vld [tilespmem:$0x1FFF0];
	_ =	sdelay $0x1  }
0xf0: {  	[sflag:s24] =	ssyncset.done $0x0  }
0xf1: {  	[sflag:s24] =	ssyncadd.s32 $0xFFFFFC00  }
0xf2: {  	v1 =	vld.idx.msk [tilespmem:v1+s6+$0x0], $0xffff  }
0xf3: {  	vm9 =	vgt.s32 v2, v3  }
0xf4: {  	v0 =	vlaneseq.u32;
	v5 =	vnsel vm9, $0x0, v6  }
0xf5: {  	v6 =	vor.u32 $0x3E0, v0;
	v5 =	vadd.f32 v5, v4  }
0xf6: {  	[tilespmem:$0x1FC00] =	vst v6;
	vm10 =	vgt.s32 v2, v6;
	v6 =	vld [tilespmem:$0x80];
	v4 =	vor.u32 $0x3F0, v0;
	v0 =	vlaneseq.u32  }
0xf7: {  	v7 =	vnsel vm10, $0x0, v7;
	vm12 =	vgt.s32 v1, v0;
	v0 =	vld [tilespmem:$0x1FC30]  }
0xf8: {  	vm11 =	vgt.s32 v2, v4;
	v2 =	vld [tilespmem:$0x90];
	v5 =	vadd.f32 v7, v5  }
0xf9: {  	v7 =	vnsel vm11, $0x0, v8;
	v8 =	vld [tilespmem:$0x1FC40]  }
0xfa: {  	v5 =	vadd.f32 v7, v5;
	v7 =	vld [tilespmem:$0xA0]  }
0xfb: {  	v6 =	vnsel vm12, $0x0, v6  }
0xfc: {  	v5 =	vadd.f32 v6, v5;
	v6 =	vld [tilespmem:$0xB0];
	vm13 =	vgt.s32 v1, v0  }
0xfd: {  	v2 =	vnsel vm13, $0x0, v2  }
0xfe: {  	vm14 =	vgt.s32 v1, v8;
	v2 =	vadd.f32 v2, v5;
	v5 =	vld [tilespmem:$0xC0]  }
0xff: {  	v7 =	vnsel vm14, $0x0, v7  }
0x100: {  	vm15 =	vgt.s32 v1, v11;
	v11 =	vld [tilespmem:$0xD0];
	v2 =	vadd.f32 v7, v2  }
0x101: {  	v6 =	vnsel vm15, $0x0, v6  }
0x102: {  	vm4 =	vgt.s32 v1, v12;
	v12 =	vld [tilespmem:$0xE0];
	v2 =	vadd.f32 v6, v2  }
0x103: {  	v5 =	vnsel vm4, $0x0, v5  }
0x104: {  	vm5 =	vgt.s32 v1, v13;
	v13 =	vld [tilespmem:$0xF0];
	v2 =	vadd.f32 v5, v2  }
0x105: {  	v7 =	vnsel vm5, $0x0, v11  }
0x106: {  	vm6 =	vgt.s32 v1, v14;
	v14 =	vld [tilespmem:$0x180];
	v2 =	vadd.f32 v7, v2  }
0x107: {  	v6 =	vnsel vm6, $0x0, v12  }
0x108: {  	vm7 =	vgt.s32 v1, v15;
	v15 =	vld [tilespmem:$0x190];
	v2 =	vadd.f32 v6, v2  }
0x109: {  	v5 =	vnsel vm7, $0x0, v13  }
0x10a: {  	vm8 =	vgt.s32 v1, v16;
	v16 =	vld [tilespmem:$0x1A0];
	v2 =	vadd.f32 v5, v2  }
0x10b: {  	v7 =	vnsel vm8, $0x0, v14  }
0x10c: {  	vm9 =	vgt.s32 v1, v17;
	v17 =	vld [tilespmem:$0x1B0];
	v2 =	vadd.f32 v7, v2  }
0x10d: {  	v6 =	vnsel vm9, $0x0, v15  }
0x10e: {  	vm10 =	vgt.s32 v1, v18;
	v18 =	vld [tilespmem:$0x1C0];
	v2 =	vadd.f32 v6, v2  }
0x10f: {  	v5 =	vnsel vm10, $0x0, v16  }
0x110: {  	vm11 =	vgt.s32 v1, v19;
	v19 =	vld [tilespmem:$0x1D0];
	v2 =	vadd.f32 v5, v2  }
0x111: {  	v7 =	vnsel vm11, $0x0, v17  }
0x112: {  	vm12 =	vgt.s32 v1, v20;
	v20 =	vld [tilespmem:$0x1E0];
	v2 =	vadd.f32 v7, v2  }
0x113: {  	v6 =	vnsel vm12, $0x0, v18  }
0x114: {  	vm13 =	vgt.s32 v1, v21;
	v21 =	vld [tilespmem:$0x1F0];
	v2 =	vadd.f32 v6, v2  }
0x115: {  	v5 =	vnsel vm13, $0x0, v19  }
0x116: {  	vm14 =	vgt.s32 v1, v22;
	v22 =	vld [tilespmem:$0x280];
	v2 =	vadd.f32 v5, v2  }
0x117: {  	v7 =	vnsel vm14, $0x0, v20  }
0x118: {  	vm15 =	vgt.s32 v1, v23;
	v23 =	vld [tilespmem:$0x290];
	v2 =	vadd.f32 v7, v2  }
0x119: {  	v6 =	vnsel vm15, $0x0, v21  }
0x11a: {  	v11 =	vld [tilespmem:$0x2A0];
	vm4 =	vgt.s32 v1, v24;
	v2 =	vadd.f32 v6, v2  }
0x11b: {  	v5 =	vnsel vm4, $0x0, v22  }
0x11c: {  	vm5 =	vgt.s32 v1, v25;
	v12 =	vld [tilespmem:$0x2B0];
	v2 =	vadd.f32 v5, v2  }
0x11d: {  	v7 =	vnsel vm5, $0x0, v23  }
0x11e: {  	vm6 =	vgt.s32 v1, v26;
	v13 =	vld [tilespmem:$0x2C0];
	v2 =	vadd.f32 v7, v2  }
0x11f: {  	v6 =	vnsel vm6, $0x0, v11  }
0x120: {  	vm7 =	vgt.s32 v1, v27;
	v14 =	vld [tilespmem:$0x2D0];
	v2 =	vadd.f32 v6, v2  }
0x121: {  	v5 =	vnsel vm7, $0x0, v12  }
0x122: {  	vm8 =	vgt.s32 v1, v28;
	v15 =	vld [tilespmem:$0x2E0];
	v2 =	vadd.f32 v5, v2  }
0x123: {  	v7 =	vnsel vm8, $0x0, v13  }
0x124: {  	vm9 =	vgt.s32 v1, v29;
	v16 =	vld [tilespmem:$0x2F0];
	v2 =	vadd.f32 v7, v2  }
0x125: {  	v6 =	vnsel vm9, $0x0, v14  }
0x126: {  	vm10 =	vgt.s32 v1, v30;
	v17 =	vld [tilespmem:$0x380];
	v2 =	vadd.f32 v6, v2  }
0x127: {  	v5 =	vnsel vm10, $0x0, v15  }
0x128: {  	vm11 =	vgt.s32 v1, v31;
	v18 =	vld [tilespmem:$0x390];
	v2 =	vadd.f32 v5, v2  }
0x129: {  	v7 =	vnsel vm11, $0x0, v16  }
0x12a: {  	vm12 =	vgt.s32 v1, v32;
	v19 =	vld [tilespmem:$0x3A0];
	v2 =	vadd.f32 v7, v2  }
0x12b: {  	v6 =	vnsel vm12, $0x0, v17  }
0x12c: {  	vm13 =	vgt.s32 v1, v33;
	v20 =	vld [tilespmem:$0x3B0];
	v2 =	vadd.f32 v6, v2  }
0x12d: {  	v5 =	vnsel vm13, $0x0, v18  }
0x12e: {  	vm14 =	vgt.s32 v1, v34;
	v21 =	vld [tilespmem:$0x3C0];
	v2 =	vadd.f32 v5, v2  }
0x12f: {  	v7 =	vnsel vm14, $0x0, v19  }
0x130: {  	vm15 =	vgt.s32 v1, v35;
	v22 =	vld [tilespmem:$0x3D0];
	v2 =	vadd.f32 v7, v2  }
0x131: {  	v6 =	vnsel vm15, $0x0, v20  }
0x132: {  	vm4 =	vgt.s32 v1, v36;
	v23 =	vld [tilespmem:$0x3E0];
	v2 =	vadd.f32 v6, v2  }
0x133: {  	v5 =	vnsel vm4, $0x0, v21  }
0x134: {  	v24 =	vld [tilespmem:$0x3F0];
	vm5 =	vgt.s32 v1, v37;
	v2 =	vadd.f32 v5, v2  }
0x135: {  	v7 =	vnsel vm5, $0x0, v22  }
0x136: {  	v25 =	vld [tilespmem:$0x480];
	vm6 =	vgt.s32 v1, v38;
	v2 =	vadd.f32 v7, v2  }
0x137: {  	v6 =	vnsel vm6, $0x0, v23  }
0x138: {  	v26 =	vld [tilespmem:$0x490];
	vm7 =	vgt.s32 v1, v39;
	v2 =	vadd.f32 v6, v2  }
0x139: {  	v5 =	vnsel vm7, $0x0, v24  }
0x13a: {  	v27 =	vld [tilespmem:$0x4A0];
	vm8 =	vgt.s32 v1, v40;
	v2 =	vadd.f32 v5, v2  }
0x13b: {  	v7 =	vnsel vm8, $0x0, v25  }
0x13c: {  	v28 =	vld [tilespmem:$0x4B0];
	vm9 =	vgt.s32 v1, v41;
	v2 =	vadd.f32 v7, v2  }
0x13d: {  	v6 =	vnsel vm9, $0x0, v26  }
0x13e: {  	v29 =	vld [tilespmem:$0x4C0];
	vm10 =	vgt.s32 v1, v42;
	v2 =	vadd.f32 v6, v2  }
0x13f: {  	v5 =	vnsel vm10, $0x0, v27  }
0x140: {  	v30 =	vld [tilespmem:$0x4D0];
	vm11 =	vgt.s32 v1, v43;
	v2 =	vadd.f32 v5, v2  }
0x141: {  	v7 =	vnsel vm11, $0x0, v28  }
0x142: {  	v31 =	vld [tilespmem:$0x4E0];
	vm12 =	vgt.s32 v1, v44;
	v2 =	vadd.f32 v7, v2  }
0x143: {  	v6 =	vnsel vm12, $0x0, v29  }
0x144: {  	v32 =	vld [tilespmem:$0x4F0];
	vm13 =	vgt.s32 v1, v45;
	v2 =	vadd.f32 v6, v2  }
0x145: {  	v5 =	vnsel vm13, $0x0, v30  }
0x146: {  	v33 =	vld [tilespmem:$0x580];
	vm14 =	vgt.s32 v1, v46;
	v2 =	vadd.f32 v5, v2  }
0x147: {  	v7 =	vnsel vm14, $0x0, v31  }
0x148: {  	v34 =	vld [tilespmem:$0x590];
	vm15 =	vgt.s32 v1, v47;
	v2 =	vadd.f32 v7, v2  }
0x149: {  	v6 =	vnsel vm15, $0x0, v32  }
0x14a: {  	v35 =	vld [tilespmem:$0x5A0];
	vm4 =	vgt.s32 v1, v48;
	v2 =	vadd.f32 v6, v2  }
0x14b: {  	v5 =	vnsel vm4, $0x0, v33  }
0x14c: {  	v36 =	vld [tilespmem:$0x5B0];
	vm5 =	vgt.s32 v1, v49;
	v2 =	vadd.f32 v5, v2  }
0x14d: {  	v7 =	vnsel vm5, $0x0, v34  }
0x14e: {  	v37 =	vld [tilespmem:$0x5C0];
	vm6 =	vgt.s32 v1, v50;
	v2 =	vadd.f32 v7, v2  }
0x14f: {  	v6 =	vnsel vm6, $0x0, v35  }
0x150: {  	v38 =	vld [tilespmem:$0x5D0];
	vm7 =	vgt.s32 v1, v51;
	v2 =	vadd.f32 v6, v2  }
0x151: {  	v5 =	vnsel vm7, $0x0, v36  }
0x152: {  	v39 =	vld [tilespmem:$0x5E0];
	vm8 =	vgt.s32 v1, v52;
	v2 =	vadd.f32 v5, v2  }
0x153: {  	v7 =	vnsel vm8, $0x0, v37  }
0x154: {  	v40 =	vld [tilespmem:$0x5F0];
	vm9 =	vgt.s32 v1, v53;
	v2 =	vadd.f32 v7, v2  }
0x155: {  	v6 =	vnsel vm9, $0x0, v38  }
0x156: {  	v41 =	vld [tilespmem:$0x680];
	vm10 =	vgt.s32 v1, v54;
	v2 =	vadd.f32 v6, v2  }
0x157: {  	v5 =	vnsel vm10, $0x0, v39  }
0x158: {  	v42 =	vld [tilespmem:$0x690];
	vm11 =	vgt.s32 v1, v55;
	v2 =	vadd.f32 v5, v2  }
0x159: {  	v7 =	vnsel vm11, $0x0, v40  }
0x15a: {  	v43 =	vld [tilespmem:$0x6A0];
	vm12 =	vgt.s32 v1, v56;
	v2 =	vadd.f32 v7, v2  }
0x15b: {  	v6 =	vnsel vm12, $0x0, v41  }
0x15c: {  	v44 =	vld [tilespmem:$0x6B0];
	vm13 =	vgt.s32 v1, v57;
	v2 =	vadd.f32 v6, v2  }
0x15d: {  	v5 =	vnsel vm13, $0x0, v42  }
0x15e: {  	v45 =	vld [tilespmem:$0x6C0];
	vm14 =	vgt.s32 v1, v58;
	v2 =	vadd.f32 v5, v2  }
0x15f: {  	v7 =	vnsel vm14, $0x0, v43  }
0x160: {  	v46 =	vld [tilespmem:$0x6D0];
	vm15 =	vgt.s32 v1, v59;
	v2 =	vadd.f32 v7, v2  }
0x161: {  	v6 =	vnsel vm15, $0x0, v44  }
0x162: {  	v47 =	vld [tilespmem:$0x6E0];
	vm4 =	vgt.s32 v1, v60;
	v2 =	vadd.f32 v6, v2  }
0x163: {  	v5 =	vnsel vm4, $0x0, v45  }
0x164: {  	v48 =	vld [tilespmem:$0x6F0];
	vm5 =	vgt.s32 v1, v61;
	v2 =	vadd.f32 v5, v2  }
0x165: {  	v51 =	vld [tilespmem:$0x1FFA0];
	v7 =	vnsel vm5, $0x0, v46  }
0x166: {  	v49 =	vld [tilespmem:$0x780];
	vm6 =	vgt.s32 v1, v62;
	v2 =	vadd.f32 v7, v2  }
0x167: {  	v53 =	vld [tilespmem:$0x1FFB0];
	v6 =	vnsel vm6, $0x0, v47  }
0x168: {  	v50 =	vld [tilespmem:$0x790];
	vm7 =	vgt.s32 v1, v63;
	v2 =	vadd.f32 v6, v2  }
0x169: {  	v55 =	vld [tilespmem:$0x1FFC0];
	v5 =	vnsel vm7, $0x0, v48  }
0x16a: {  	v52 =	vld [tilespmem:$0x7A0];
	vm8 =	vgt.s32 v1, v51;
	v2 =	vadd.f32 v5, v2  }
0x16b: {  	v7 =	vnsel vm8, $0x0, v49  }
0x16c: {  	v54 =	vld [tilespmem:$0x7B0];
	vm9 =	vgt.s32 v1, v53;
	v2 =	vadd.f32 v7, v2  }
0x16d: {  	v6 =	vnsel vm9, $0x0, v50  }
0x16e: {  	v56 =	vld [tilespmem:$0x7C0];
	vm10 =	vgt.s32 v1, v55;
	v2 =	vadd.f32 v6, v2  }
0x16f: {  	v5 =	vnsel vm10, $0x0, v52  }
0x170: {  	v57 =	vld [tilespmem:$0x7D0];
	vm11 =	vgt.s32 v1, v10;
	v2 =	vadd.f32 v5, v2  }
0x171: {  	v60 =	vld [tilespmem:$0x1FC00];
	v7 =	vnsel vm11, $0x0, v54  }
0x172: {  	v58 =	vld [tilespmem:$0x7E0];
	vm12 =	vgt.s32 v1, v9;
	v2 =	vadd.f32 v7, v2  }
0x173: {  	v6 =	vnsel vm12, $0x0, v56  }
0x174: {  	v59 =	vld [tilespmem:$0x7F0];
	vm13 =	vgt.s32 v1, v3;
	v2 =	vadd.f32 v6, v2  }
0x175: {  	v5 =	vnsel vm13, $0x0, v57  }
0x176: {  	vm14 =	vgt.s32 v1, v60;
	v2 =	vadd.f32 v5, v2  }
0x177: {  	v61 =	vnsel vm14, $0x0, v58  }
0x178: {  	vm15 =	vgt.s32 v1, v4;
	v62 =	vadd.f32 v61, v2  }
0x179: {  	v63 =	vnsel vm15, $0x0, v59  }
0x17a: {  	v1 =	vadd.f32 v63, v62  }
0x17b: {  	p0 =	sne.s32 s5, $0x1  }
.Ltmp0:
0x17c: {  	s31 =	rddreg [dreg:$0x4];
	[tilespmem:$0x880] =	vst v1;
	(pc) =	sbr.rel @p0 .LBB2_1-.Ltmp0, $4  }
0x17d: {  	[hbm4b:s31+s2] =	stream.linear.scatter [tilespmem:s25], [sflag:$0x3], $0x80, $0x38;
	[tilespmem:$0x900] =	vst v63  }
0x17e: {  	_ =	swait.ge [sflag:s7], $0x80  }
0x17f: {  	[sflag:s7] =	ssyncset.done $0x0  }
0x180: {  	s5 =	sadd.s32 $0xFFFFFFFF, s5;
	[sflag:s7] =	ssyncadd.s32 $0xFFFFFF80  }
0x181: {  	_ =	sfence.sel $0x180000  }
0x182: {  	[bflag:$0x0] =	sbarrier.arrive $0xFFFF  }
0x183: {  	p0 =	sne.s32 s0, $0x0;
	_ =	strace $0x90000047  }
0x184: {  	s0 =	sadd.s32 @!p0 $0x100000, s1;
	[bflag:$0x2] =	sbarrier.arrive $0xFFFF  }
0x185: {  	[sflag:s0] =	ssyncadd.tile.s32 @!p0 $0x1;
	_ =	shalt  }
.Lfunc_end2:
_tile_overlayer_lowered:
.L_overlay_start_2:
0x186: {  	(tag) =	ssettag $0x2  }
0x187: {  	s0 =	rddreg [dreg:$0x0];
	s2 =	stileid.u32  }
0x188: {  	s1 =	rddreg [dreg:$0x1];
	p0 =	sne.s32 s2, $0x0  }
0x189: {  	s3 =	rddreg [dreg:$0x2];
	[bflag:$0x3] =	sbarrier.arrive $0xFFFF;
	s2 =	simm.s32 @!p0 $0x1C03  }
0x18a: {  	[timem:s3], [sflag:s2] =	dma.local @!p0 [hbm:s0], s1  }
0x18b: {  	s0 =	simm.s32 @!p0 $0x3  }
0x18c: {  	_ =	swait.ge @!p0 [sflag:s0], s1  }
0x18d: {  	s1 =	ssub.s32 @!p0 $0x0, s1;
	[sflag:s0] =	ssyncset.done @!p0 $0x0  }
0x18e: {  	[sflag:s0] =	ssyncadd.s32 @!p0 s1  }
0x18f: {  	[bflag:$0x3] =	sbarrier.arrive $0xFFFF  }
0x190: {  	_ =	shalt  }

</sc_bundles>
